<compile_context>
chip_gen: v7x
topology: tpu7x:2x2x1
jax: 0.10.2.dev20260603
libtpu: 0.0.44.dev20260713+nightly
codegen_flags: <defaults>
</compile_context>

<pallas_src>
import functools

import jax
import jax.numpy as jnp
from jax import lax
from jax.experimental import pallas as pl
from jax.experimental.pallas import tpu as pltpu
from jax.experimental.pallas import tpu_sc as plsc

N_BATCH = 32
N_NODE = 128
D_NODE = 512
D_EDGE = 16
BB = 2
M = BB * N_NODE
R_TOTAL = N_BATCH * N_NODE
N_WORKERS = 32
R_PER_W = R_TOTAL // N_WORKERS
G_ROWS = 8
N_GROUPS = R_PER_W // G_ROWS


def _sc_edge_body(e_hbm, a_hbm, out_hbm, e_v, a_s, out_v):
    wid = lax.axis_index("s") * 2 + lax.axis_index("c")
    base = wid * R_PER_W

    def group(g, carry):
        row0 = base + g * G_ROWS
        pltpu.sync_copy(e_hbm.at[pl.ds(row0, G_ROWS)], e_v)
        pltpu.sync_copy(a_hbm.at[pl.ds(row0, G_ROWS)], a_s)
        for rl in range(G_ROWS):
            zero = jnp.zeros((D_EDGE,), jnp.float32)
            def jblock(jc, accs):
                a0, a1, a2, a3 = accs
                jb = jc * 16
                eb = jc * 256
                a_chunk = a_s[rl, pl.ds(jb, 16)]
                for ju in range(0, 16, 4):
                    a0 = a0 + a_chunk[ju] * e_v[rl, pl.ds(eb + ju * 16, 16)]
                    a1 = a1 + a_chunk[ju + 1] * e_v[rl, pl.ds(eb + ju * 16 + 16, 16)]
                    a2 = a2 + a_chunk[ju + 2] * e_v[rl, pl.ds(eb + ju * 16 + 32, 16)]
                    a3 = a3 + a_chunk[ju + 3] * e_v[rl, pl.ds(eb + ju * 16 + 48, 16)]
                return (a0, a1, a2, a3)
            a0, a1, a2, a3 = lax.fori_loop(
                0, N_NODE // 16, jblock, (zero, zero, zero, zero))
            out_v[pl.ds((g * G_ROWS + rl) * D_EDGE, D_EDGE)] = (a0 + a1) + (a2 + a3)
        return carry

    lax.fori_loop(0, N_GROUPS, group, 0)
    pltpu.sync_copy(out_v, out_hbm.at[pl.ds(base * D_EDGE, R_PER_W * D_EDGE)])


def _sc_edge(E3, A2):
    kfn = functools.partial(
        pl.kernel,
        mesh=plsc.VectorSubcoreMesh(core_axis_name="c", subcore_axis_name="s"),
        out_type=jax.ShapeDtypeStruct((R_TOTAL * D_EDGE,), jnp.float32),
        scratch_types=[
            pltpu.VMEM((G_ROWS, N_NODE * D_EDGE), jnp.float32),
            pltpu.VMEM((G_ROWS, N_NODE), jnp.float32),
            pltpu.VMEM((R_PER_W * D_EDGE,), jnp.float32),
        ],
    )(_sc_edge_body)
    return kfn(E3, A2)


def _dense_kernel(h_ref, a_ref, wcat_ref, b_ref, p_ref):
    h = h_ref[...].reshape(M, D_NODE)
    a = a_ref[...].reshape(M, N_NODE)
    deg = jnp.sum(a, axis=1, keepdims=True)
    y = jnp.dot(h.astype(jnp.bfloat16), wcat_ref[...],
                preferred_element_type=jnp.float32)
    p = y[:, :D_NODE] + deg * y[:, D_NODE:] + b_ref[...]
    p_ref[...] = p.reshape(BB, N_NODE, D_NODE).astype(jnp.bfloat16)


def _final_kernel(p_ref, he_ref, wbot_ref, o_ref):
    he = he_ref[...].astype(jnp.bfloat16)
    out = jnp.dot(he, wbot_ref[...],
                  preferred_element_type=jnp.float32)
    out += p_ref[...].reshape(M, D_NODE).astype(jnp.float32)
    o_ref[...] = out.reshape(BB, N_NODE, D_NODE)


def kernel(H, A, E, N, W_self, W_nei, bias):
    del N
    E3 = E.reshape(R_TOTAL, N_NODE * D_EDGE)
    A2 = A.reshape(R_TOTAL, N_NODE)
    W_cat = jnp.concatenate([W_self, W_nei[:D_NODE]], axis=1).astype(jnp.bfloat16)
    W_bot = W_nei[D_NODE:].astype(jnp.bfloat16)
    bias2d = bias.reshape(1, D_NODE)

    HE = _sc_edge(E3, A2).reshape(R_TOTAL, D_EDGE)

    grid = N_BATCH // BB
    P = pl.pallas_call(
        _dense_kernel,
        grid=(grid,),
        in_specs=[
            pl.BlockSpec((BB, N_NODE, D_NODE), lambda b: (b, 0, 0)),
            pl.BlockSpec((BB, N_NODE, N_NODE), lambda b: (b, 0, 0)),
            pl.BlockSpec((D_NODE, 2 * D_NODE), lambda b: (0, 0)),
            pl.BlockSpec((1, D_NODE), lambda b: (0, 0)),
        ],
        out_specs=pl.BlockSpec((BB, N_NODE, D_NODE), lambda b: (b, 0, 0)),
        out_shape=jax.ShapeDtypeStruct((N_BATCH, N_NODE, D_NODE), jnp.bfloat16),
    )(H, A, W_cat, bias2d)

    out = pl.pallas_call(
        _final_kernel,
        grid=(grid,),
        in_specs=[
            pl.BlockSpec((BB, N_NODE, D_NODE), lambda b: (b, 0, 0)),
            pl.BlockSpec((M, D_EDGE), lambda b: (b, 0)),
            pl.BlockSpec((D_EDGE, D_NODE), lambda b: (0, 0)),
        ],
        out_specs=pl.BlockSpec((BB, N_NODE, D_NODE), lambda b: (b, 0, 0)),
        out_shape=jax.ShapeDtypeStruct((N_BATCH, N_NODE, D_NODE), jnp.float32),
    )(P, HE, W_bot)
    return out

# --- scband reference (transcript-rebuilt; emitter-appended) ---
"""Pipeline reference for scband-message-passing-1872605741887 (READ-ONLY COPY).

The authoritative reference and input builder live on the scoring server;
editing this copy changes nothing except your own understanding.
"""

import jax, jax.numpy as jnp
import numpy as np

N_BATCH = 32
N_NODE = 128
D_NODE = 512
D_EDGE = 16

def setup_inputs(seed: int = 0) -> dict:
    key = jax.random.key(seed)
    k1, k2, k3, k4, k5, k6 = jax.random.split(key, 6)
    H = jax.random.normal(k1, (N_BATCH, N_NODE, D_NODE), dtype=jnp.float32)
    A = jax.random.uniform(k2, (N_BATCH, N_NODE, N_NODE), dtype=jnp.float32)
    E = jax.random.normal(k3, (N_BATCH, N_NODE, N_NODE, D_EDGE), dtype=jnp.float32)
    N = jnp.arange(N_BATCH, dtype=jnp.int32)
    stdv_self = 1.0 / np.sqrt(D_NODE)
    W_self = jax.random.uniform(k4, (D_NODE, D_NODE), dtype=jnp.float32, minval=-stdv_self, maxval=stdv_self)
    stdv_nei = 1.0 / np.sqrt(D_NODE + D_EDGE)
    W_nei = jax.random.uniform(k5, (D_NODE + D_EDGE, D_NODE), dtype=jnp.float32, minval=-stdv_nei, maxval=stdv_nei)
    stdv_b = 1.0 / np.sqrt(D_NODE)
    bias = jax.random.uniform(k6, (D_NODE,), dtype=jnp.float32, minval=-stdv_b, maxval=stdv_b)
    return {"H": H, "A": A, "E": E, "N": N, "W_self": W_self, "W_nei": W_nei, "bias": bias}

def reference(H, A, E, N, W_self, W_nei, bias):
    # H_filtered_self = einsum('aij,jk->aik', H, W_self)
    H_filtered_self = jnp.einsum('aij,jk->aik', H, W_self)
    # message_convolution: for each edge (row, col) with weight A[a,row,col],
    #   HE[a, row] += concat(H[a, row], E[a, row, col])
    # Dense-tensor equivalent of the per-edge dict accumulation:
    deg = jnp.sum(A, axis=2)                       # (B, N) number/weight of edges per row node
    HE_h = deg[..., None] * H                      # H[a,row] added once per incident edge
    HE_e = jnp.einsum('aij,aijc->aic', A, E)       # scatter-add of edge features into row nodes
    HE = jnp.concatenate([HE_h, HE_e], axis=2)     # (B, N, D_NODE + D_EDGE)
    H_filtered_nei = jnp.einsum('aij,jk->aik', HE, W_nei)
    H1 = H_filtered_self + H_filtered_nei + bias
    return H1

if __name__ == "__main__":
    import jax
    _d = setup_inputs()
    print(jax.jit(kernel)(*tuple(_d.values())))

</pallas_src>

<mosaic_0001>
#map = affine_map<(d0, d1) -> (0, 0)>
#map1 = affine_map<(d0, d1) -> (0)>
module attributes {stable_mosaic.version = 14 : i64} {
  func.func @_sc_edge_body(%arg0: i32, %arg1: i32, %arg2: memref<4096x2048xf32, #tpu.memory_space<hbm>>, %arg3: memref<4096x128xf32, #tpu.memory_space<hbm>>, %arg4: memref<65536xf32, #tpu.memory_space<hbm>>, %arg5: memref<8x2048xf32, #tpu.memory_space<vmem>>, %arg6: memref<8x128xf32, #tpu.memory_space<vmem>>, %arg7: memref<2048xf32, #tpu.memory_space<vmem>>) attributes {dimension_semantics = [#tpu.dimension_semantics<core_parallel>, #tpu.dimension_semantics<subcore_parallel>], iteration_bounds = array<i64: 2, 16>, scalar_prefetch = 0 : i64, scratch_operands = 3 : i64, tpu.core_type = #tpu.core_type<sc_vector_subcore>, window_params = [{transform_indices = #map}, {transform_indices = #map}, {transform_indices = #map1}]} {
    %mul3A = arith.constant 2 : i32
    %mul3A_0 = arith.muli %arg1, %mul3A : i32
    %add3A = arith.addi %mul3A_0, %arg0 : i32
    %mul3A_1 = arith.constant 128 : i32
    %mul3A_2 = arith.muli %add3A, %mul3A_1 : i32
    %scan3A = arith.constant 0 : i32
    %scan3A_3 = arith.constant 0 : i32
    %scan3A_4 = arith.constant 16 : i32
    %scan3A_5 = arith.addi %scan3A_3, %scan3A_4 : i32
    %scan3A_6 = arith.constant 1 : i32
    scf.for %scan3A_10 = %scan3A_3 to %scan3A_5 step %scan3A_6  : i32 {
      %mul3A_11 = arith.constant 8 : i32
      %mul3A_12 = arith.muli %scan3A_10, %mul3A_11 : i32
      %add3A_13 = arith.addi %mul3A_2, %mul3A_12 : i32
      "tpu.region"() ({
        %run_scoped3A = tpu.sem_alloc : memref<!tpu.dma_semaphore, #tpu.memory_space<semaphore_mem>>
        %dma_start3A = arith.constant 0 : i32
        %dma_start3A_180 = tpu.memref_slice %arg2[%add3A_13, %dma_start3A] : memref<4096x2048xf32, #tpu.memory_space<hbm>> -> memref<8x2048xf32, #tpu.memory_space<hbm>>
        %dma_start3A_181 = arith.constant 0 : i32
        %dma_start3A_182 = tpu.memref_slice %arg2[%add3A_13, %dma_start3A_181] : memref<4096x2048xf32, #tpu.memory_space<hbm>> -> memref<8x2048xf32, #tpu.memory_space<hbm>>
        tpu.enqueue_dma source(%dma_start3A_182 : memref<8x2048xf32, #tpu.memory_space<hbm>>) target(%arg5 : memref<8x2048xf32, #tpu.memory_space<vmem>>) target_semaphore(%run_scoped3A : memref<!tpu.dma_semaphore, #tpu.memory_space<semaphore_mem>>)
        %dma_wait3A = arith.constant 0 : i32
        %dma_wait3A_183 = tpu.memref_slice %arg2[%add3A_13, %dma_wait3A] : memref<4096x2048xf32, #tpu.memory_space<hbm>> -> memref<8x2048xf32, #tpu.memory_space<hbm>>
        %dma_wait3A_184 = arith.constant 0 : i32
        %dma_wait3A_185 = tpu.memref_slice %arg2[%add3A_13, %dma_wait3A_184] : memref<4096x2048xf32, #tpu.memory_space<hbm>> -> memref<8x2048xf32, #tpu.memory_space<hbm>>
        tpu.wait_dma2 semaphore(%run_scoped3A : memref<!tpu.dma_semaphore, #tpu.memory_space<semaphore_mem>>) src(%dma_wait3A_185 : memref<8x2048xf32, #tpu.memory_space<hbm>>) dst(%arg5 : memref<8x2048xf32, #tpu.memory_space<vmem>>)
        tpu.yield
      }) : () -> ()
      "tpu.region"() ({
        %run_scoped3A = tpu.sem_alloc : memref<!tpu.dma_semaphore, #tpu.memory_space<semaphore_mem>>
        %dma_start3A = arith.constant 0 : i32
        %dma_start3A_180 = tpu.memref_slice %arg3[%add3A_13, %dma_start3A] : memref<4096x128xf32, #tpu.memory_space<hbm>> -> memref<8x128xf32, #tpu.memory_space<hbm>>
        %dma_start3A_181 = arith.constant 0 : i32
        %dma_start3A_182 = tpu.memref_slice %arg3[%add3A_13, %dma_start3A_181] : memref<4096x128xf32, #tpu.memory_space<hbm>> -> memref<8x128xf32, #tpu.memory_space<hbm>>
        tpu.enqueue_dma source(%dma_start3A_182 : memref<8x128xf32, #tpu.memory_space<hbm>>) target(%arg6 : memref<8x128xf32, #tpu.memory_space<vmem>>) target_semaphore(%run_scoped3A : memref<!tpu.dma_semaphore, #tpu.memory_space<semaphore_mem>>)
        %dma_wait3A = arith.constant 0 : i32
        %dma_wait3A_183 = tpu.memref_slice %arg3[%add3A_13, %dma_wait3A] : memref<4096x128xf32, #tpu.memory_space<hbm>> -> memref<8x128xf32, #tpu.memory_space<hbm>>
        %dma_wait3A_184 = arith.constant 0 : i32
        %dma_wait3A_185 = tpu.memref_slice %arg3[%add3A_13, %dma_wait3A_184] : memref<4096x128xf32, #tpu.memory_space<hbm>> -> memref<8x128xf32, #tpu.memory_space<hbm>>
        tpu.wait_dma2 semaphore(%run_scoped3A : memref<!tpu.dma_semaphore, #tpu.memory_space<semaphore_mem>>) src(%dma_wait3A_185 : memref<8x128xf32, #tpu.memory_space<hbm>>) dst(%arg6 : memref<8x128xf32, #tpu.memory_space<vmem>>)
        tpu.yield
      }) : () -> ()
      %broadcast_in_dim3A = arith.constant 0.000000e+00 : f32
      %broadcast_in_dim3A_14 = vector.broadcast %broadcast_in_dim3A : f32 to vector<16xf32>
      %scan3A_15 = arith.constant 0 : i32
      %scan3A_16 = arith.constant 8 : i32
      %scan3A_17 = arith.addi %scan3A_15, %scan3A_16 : i32
      %scan3A_18 = arith.constant 1 : i32
      %scan3A_19:4 = scf.for %scan3A_180 = %scan3A_15 to %scan3A_17 step %scan3A_18 iter_args(%scan3A_181 = %broadcast_in_dim3A_14, %scan3A_182 = %broadcast_in_dim3A_14, %scan3A_183 = %broadcast_in_dim3A_14, %scan3A_184 = %broadcast_in_dim3A_14) -> (vector<16xf32>, vector<16xf32>, vector<16xf32>, vector<16xf32>)  : i32 {
        %mul3A_185 = arith.constant 16 : i32
        %mul3A_186 = arith.muli %scan3A_180, %mul3A_185 : i32
        %mul3A_187 = arith.constant 256 : i32
        %mul3A_188 = arith.muli %scan3A_180, %mul3A_187 : i32
        %get3A = arith.constant 0 : i32
        %get3A_189 = arith.index_cast %get3A : i32 to index
        %get3A_190 = arith.index_cast %mul3A_186 : i32 to index
        %get3A_191 = tpu.vector_load %arg6[%get3A_189, %get3A_190] {strides = array<i32>} : memref<8x128xf32, #tpu.memory_space<vmem>>, vector<1x16xf32>,
        %get3A_192 = vector.shape_cast %get3A_191 : vector<1x16xf32> to vector<16xf32>
        %slice3A = vector.extract_strided_slice %get3A_192 {offsets = [0], sizes = [1], strides = [1]} : vector<16xf32> to vector<1xf32>
        %squeeze3A = vector.extract %slice3A[0] : f32 from vector<1xf32>
        %add3A_193 = arith.constant 0 : i32
        %add3A_194 = arith.addi %mul3A_188, %add3A_193 : i32
        %get3A_195 = arith.constant 0 : i32
        %get3A_196 = arith.index_cast %get3A_195 : i32 to index
        %get3A_197 = arith.index_cast %add3A_194 : i32 to index
        %get3A_198 = tpu.vector_load %arg5[%get3A_196, %get3A_197] {strides = array<i32>} : memref<8x2048xf32, #tpu.memory_space<vmem>>, vector<1x16xf32>,
        %get3A_199 = vector.shape_cast %get3A_198 : vector<1x16xf32> to vector<16xf32>
        %mul3A_200 = vector.broadcast %squeeze3A : f32 to vector<16xf32>
        %mul3A_201 = arith.mulf %mul3A_200, %get3A_199 : vector<16xf32>
        %add3A_202 = arith.addf %scan3A_181, %mul3A_201 : vector<16xf32>
        %slice3A_203 = vector.extract_strided_slice %get3A_192 {offsets = [1], sizes = [1], strides = [1]} : vector<16xf32> to vector<1xf32>
        %squeeze3A_204 = vector.extract %slice3A_203[0] : f32 from vector<1xf32>
        %add3A_205 = arith.constant 0 : i32
        %add3A_206 = arith.addi %mul3A_188, %add3A_205 : i32
        %add3A_207 = arith.constant 16 : i32
        %add3A_208 = arith.addi %add3A_206, %add3A_207 : i32
        %get3A_209 = arith.constant 0 : i32
        %get3A_210 = arith.index_cast %get3A_209 : i32 to index
        %get3A_211 = arith.index_cast %add3A_208 : i32 to index
        %get3A_212 = tpu.vector_load %arg5[%get3A_210, %get3A_211] {strides = array<i32>} : memref<8x2048xf32, #tpu.memory_space<vmem>>, vector<1x16xf32>,
        %get3A_213 = vector.shape_cast %get3A_212 : vector<1x16xf32> to vector<16xf32>
        %mul3A_214 = vector.broadcast %squeeze3A_204 : f32 to vector<16xf32>
        %mul3A_215 = arith.mulf %mul3A_214, %get3A_213 : vector<16xf32>
        %add3A_216 = arith.addf %scan3A_182, %mul3A_215 : vector<16xf32>
        %slice3A_217 = vector.extract_strided_slice %get3A_192 {offsets = [2], sizes = [1], strides = [1]} : vector<16xf32> to vector<1xf32>
        %squeeze3A_218 = vector.extract %slice3A_217[0] : f32 from vector<1xf32>
        %add3A_219 = arith.constant 0 : i32
        %add3A_220 = arith.addi %mul3A_188, %add3A_219 : i32
        %add3A_221 = arith.constant 32 : i32
        %add3A_222 = arith.addi %add3A_220, %add3A_221 : i32
        %get3A_223 = arith.constant 0 : i32
        %get3A_224 = arith.index_cast %get3A_223 : i32 to index
        %get3A_225 = arith.index_cast %add3A_222 : i32 to index
        %get3A_226 = tpu.vector_load %arg5[%get3A_224, %get3A_225] {strides = array<i32>} : memref<8x2048xf32, #tpu.memory_space<vmem>>, vector<1x16xf32>,
        %get3A_227 = vector.shape_cast %get3A_226 : vector<1x16xf32> to vector<16xf32>
        %mul3A_228 = vector.broadcast %squeeze3A_218 : f32 to vector<16xf32>
        %mul3A_229 = arith.mulf %mul3A_228, %get3A_227 : vector<16xf32>
        %add3A_230 = arith.addf %scan3A_183, %mul3A_229 : vector<16xf32>
        %slice3A_231 = vector.extract_strided_slice %get3A_192 {offsets = [3], sizes = [1], strides = [1]} : vector<16xf32> to vector<1xf32>
        %squeeze3A_232 = vector.extract %slice3A_231[0] : f32 from vector<1xf32>
        %add3A_233 = arith.constant 0 : i32
        %add3A_234 = arith.addi %mul3A_188, %add3A_233 : i32
        %add3A_235 = arith.constant 48 : i32
        %add3A_236 = arith.addi %add3A_234, %add3A_235 : i32
        %get3A_237 = arith.constant 0 : i32
        %get3A_238 = arith.index_cast %get3A_237 : i32 to index
        %get3A_239 = arith.index_cast %add3A_236 : i32 to index
        %get3A_240 = tpu.vector_load %arg5[%get3A_238, %get3A_239] {strides = array<i32>} : memref<8x2048xf32, #tpu.memory_space<vmem>>, vector<1x16xf32>,
        %get3A_241 = vector.shape_cast %get3A_240 : vector<1x16xf32> to vector<16xf32>
        %mul3A_242 = vector.broadcast %squeeze3A_232 : f32 to vector<16xf32>
        %mul3A_243 = arith.mulf %mul3A_242, %get3A_241 : vector<16xf32>
        %add3A_244 = arith.addf %scan3A_184, %mul3A_243 : vector<16xf32>
        %slice3A_245 = vector.extract_strided_slice %get3A_192 {offsets = [4], sizes = [1], strides = [1]} : vector<16xf32> to vector<1xf32>
        %squeeze3A_246 = vector.extract %slice3A_245[0] : f32 from vector<1xf32>
        %add3A_247 = arith.constant 64 : i32
        %add3A_248 = arith.addi %mul3A_188, %add3A_247 : i32
        %get3A_249 = arith.constant 0 : i32
        %get3A_250 = arith.index_cast %get3A_249 : i32 to index
        %get3A_251 = arith.index_cast %add3A_248 : i32 to index
        %get3A_252 = tpu.vector_load %arg5[%get3A_250, %get3A_251] {strides = array<i32>} : memref<8x2048xf32, #tpu.memory_space<vmem>>, vector<1x16xf32>,
        %get3A_253 = vector.shape_cast %get3A_252 : vector<1x16xf32> to vector<16xf32>
        %mul3A_254 = vector.broadcast %squeeze3A_246 : f32 to vector<16xf32>
        %mul3A_255 = arith.mulf %mul3A_254, %get3A_253 : vector<16xf32>
        %add3A_256 = arith.addf %add3A_202, %mul3A_255 : vector<16xf32>
        %slice3A_257 = vector.extract_strided_slice %get3A_192 {offsets = [5], sizes = [1], strides = [1]} : vector<16xf32> to vector<1xf32>
        %squeeze3A_258 = vector.extract %slice3A_257[0] : f32 from vector<1xf32>
        %add3A_259 = arith.constant 64 : i32
        %add3A_260 = arith.addi %mul3A_188, %add3A_259 : i32
        %add3A_261 = arith.constant 16 : i32
        %add3A_262 = arith.addi %add3A_260, %add3A_261 : i32
        %get3A_263 = arith.constant 0 : i32
        %get3A_264 = arith.index_cast %get3A_263 : i32 to index
        %get3A_265 = arith.index_cast %add3A_262 : i32 to index
        %get3A_266 = tpu.vector_load %arg5[%get3A_264, %get3A_265] {strides = array<i32>} : memref<8x2048xf32, #tpu.memory_space<vmem>>, vector<1x16xf32>,
        %get3A_267 = vector.shape_cast %get3A_266 : vector<1x16xf32> to vector<16xf32>
        %mul3A_268 = vector.broadcast %squeeze3A_258 : f32 to vector<16xf32>
        %mul3A_269 = arith.mulf %mul3A_268, %get3A_267 : vector<16xf32>
        %add3A_270 = arith.addf %add3A_216, %mul3A_269 : vector<16xf32>
        %slice3A_271 = vector.extract_strided_slice %get3A_192 {offsets = [6], sizes = [1], strides = [1]} : vector<16xf32> to vector<1xf32>
        %squeeze3A_272 = vector.extract %slice3A_271[0] : f32 from vector<1xf32>
        %add3A_273 = arith.constant 64 : i32
        %add3A_274 = arith.addi %mul3A_188, %add3A_273 : i32
        %add3A_275 = arith.constant 32 : i32
        %add3A_276 = arith.addi %add3A_274, %add3A_275 : i32
        %get3A_277 = arith.constant 0 : i32
        %get3A_278 = arith.index_cast %get3A_277 : i32 to index
        %get3A_279 = arith.index_cast %add3A_276 : i32 to index
        %get3A_280 = tpu.vector_load %arg5[%get3A_278, %get3A_279] {strides = array<i32>} : memref<8x2048xf32, #tpu.memory_space<vmem>>, vector<1x16xf32>,
        %get3A_281 = vector.shape_cast %get3A_280 : vector<1x16xf32> to vector<16xf32>
        %mul3A_282 = vector.broadcast %squeeze3A_272 : f32 to vector<16xf32>
        %mul3A_283 = arith.mulf %mul3A_282, %get3A_281 : vector<16xf32>
        %add3A_284 = arith.addf %add3A_230, %mul3A_283 : vector<16xf32>
        %slice3A_285 = vector.extract_strided_slice %get3A_192 {offsets = [7], sizes = [1], strides = [1]} : vector<16xf32> to vector<1xf32>
        %squeeze3A_286 = vector.extract %slice3A_285[0] : f32 from vector<1xf32>
        %add3A_287 = arith.constant 64 : i32
        %add3A_288 = arith.addi %mul3A_188, %add3A_287 : i32
        %add3A_289 = arith.constant 48 : i32
        %add3A_290 = arith.addi %add3A_288, %add3A_289 : i32
        %get3A_291 = arith.constant 0 : i32
        %get3A_292 = arith.index_cast %get3A_291 : i32 to index
        %get3A_293 = arith.index_cast %add3A_290 : i32 to index
        %get3A_294 = tpu.vector_load %arg5[%get3A_292, %get3A_293] {strides = array<i32>} : memref<8x2048xf32, #tpu.memory_space<vmem>>, vector<1x16xf32>,
        %get3A_295 = vector.shape_cast %get3A_294 : vector<1x16xf32> to vector<16xf32>
        %mul3A_296 = vector.broadcast %squeeze3A_286 : f32 to vector<16xf32>
        %mul3A_297 = arith.mulf %mul3A_296, %get3A_295 : vector<16xf32>
        %add3A_298 = arith.addf %add3A_244, %mul3A_297 : vector<16xf32>
        %slice3A_299 = vector.extract_strided_slice %get3A_192 {offsets = [8], sizes = [1], strides = [1]} : vector<16xf32> to vector<1xf32>
        %squeeze3A_300 = vector.extract %slice3A_299[0] : f32 from vector<1xf32>
        %add3A_301 = arith.constant 128 : i32
        %add3A_302 = arith.addi %mul3A_188, %add3A_301 : i32
        %get3A_303 = arith.constant 0 : i32
        %get3A_304 = arith.index_cast %get3A_303 : i32 to index
        %get3A_305 = arith.index_cast %add3A_302 : i32 to index
        %get3A_306 = tpu.vector_load %arg5[%get3A_304, %get3A_305] {strides = array<i32>} : memref<8x2048xf32, #tpu.memory_space<vmem>>, vector<1x16xf32>,
        %get3A_307 = vector.shape_cast %get3A_306 : vector<1x16xf32> to vector<16xf32>
        %mul3A_308 = vector.broadcast %squeeze3A_300 : f32 to vector<16xf32>
        %mul3A_309 = arith.mulf %mul3A_308, %get3A_307 : vector<16xf32>
        %add3A_310 = arith.addf %add3A_256, %mul3A_309 : vector<16xf32>
        %slice3A_311 = vector.extract_strided_slice %get3A_192 {offsets = [9], sizes = [1], strides = [1]} : vector<16xf32> to vector<1xf32>
        %squeeze3A_312 = vector.extract %slice3A_311[0] : f32 from vector<1xf32>
        %add3A_313 = arith.constant 128 : i32
        %add3A_314 = arith.addi %mul3A_188, %add3A_313 : i32
        %add3A_315 = arith.constant 16 : i32
        %add3A_316 = arith.addi %add3A_314, %add3A_315 : i32
        %get3A_317 = arith.constant 0 : i32
        %get3A_318 = arith.index_cast %get3A_317 : i32 to index
        %get3A_319 = arith.index_cast %add3A_316 : i32 to index
        %get3A_320 = tpu.vector_load %arg5[%get3A_318, %get3A_319] {strides = array<i32>} : memref<8x2048xf32, #tpu.memory_space<vmem>>, vector<1x16xf32>,
        %get3A_321 = vector.shape_cast %get3A_320 : vector<1x16xf32> to vector<16xf32>
        %mul3A_322 = vector.broadcast %squeeze3A_312 : f32 to vector<16xf32>
        %mul3A_323 = arith.mulf %mul3A_322, %get3A_321 : vector<16xf32>
        %add3A_324 = arith.addf %add3A_270, %mul3A_323 : vector<16xf32>
        %slice3A_325 = vector.extract_strided_slice %get3A_192 {offsets = [10], sizes = [1], strides = [1]} : vector<16xf32> to vector<1xf32>
        %squeeze3A_326 = vector.extract %slice3A_325[0] : f32 from vector<1xf32>
        %add3A_327 = arith.constant 128 : i32
        %add3A_328 = arith.addi %mul3A_188, %add3A_327 : i32
        %add3A_329 = arith.constant 32 : i32
        %add3A_330 = arith.addi %add3A_328, %add3A_329 : i32
        %get3A_331 = arith.constant 0 : i32
        %get3A_332 = arith.index_cast %get3A_331 : i32 to index
        %get3A_333 = arith.index_cast %add3A_330 : i32 to index
        %get3A_334 = tpu.vector_load %arg5[%get3A_332, %get3A_333] {strides = array<i32>} : memref<8x2048xf32, #tpu.memory_space<vmem>>, vector<1x16xf32>,
        %get3A_335 = vector.shape_cast %get3A_334 : vector<1x16xf32> to vector<16xf32>
        %mul3A_336 = vector.broadcast %squeeze3A_326 : f32 to vector<16xf32>
        %mul3A_337 = arith.mulf %mul3A_336, %get3A_335 : vector<16xf32>
        %add3A_338 = arith.addf %add3A_284, %mul3A_337 : vector<16xf32>
        %slice3A_339 = vector.extract_strided_slice %get3A_192 {offsets = [11], sizes = [1], strides = [1]} : vector<16xf32> to vector<1xf32>
        %squeeze3A_340 = vector.extract %slice3A_339[0] : f32 from vector<1xf32>
        %add3A_341 = arith.constant 128 : i32
        %add3A_342 = arith.addi %mul3A_188, %add3A_341 : i32
        %add3A_343 = arith.constant 48 : i32
        %add3A_344 = arith.addi %add3A_342, %add3A_343 : i32
        %get3A_345 = arith.constant 0 : i32
        %get3A_346 = arith.index_cast %get3A_345 : i32 to index
        %get3A_347 = arith.index_cast %add3A_344 : i32 to index
        %get3A_348 = tpu.vector_load %arg5[%get3A_346, %get3A_347] {strides = array<i32>} : memref<8x2048xf32, #tpu.memory_space<vmem>>, vector<1x16xf32>,
        %get3A_349 = vector.shape_cast %get3A_348 : vector<1x16xf32> to vector<16xf32>
        %mul3A_350 = vector.broadcast %squeeze3A_340 : f32 to vector<16xf32>
        %mul3A_351 = arith.mulf %mul3A_350, %get3A_349 : vector<16xf32>
        %add3A_352 = arith.addf %add3A_298, %mul3A_351 : vector<16xf32>
        %slice3A_353 = vector.extract_strided_slice %get3A_192 {offsets = [12], sizes = [1], strides = [1]} : vector<16xf32> to vector<1xf32>
        %squeeze3A_354 = vector.extract %slice3A_353[0] : f32 from vector<1xf32>
        %add3A_355 = arith.constant 192 : i32
        %add3A_356 = arith.addi %mul3A_188, %add3A_355 : i32
        %get3A_357 = arith.constant 0 : i32
        %get3A_358 = arith.index_cast %get3A_357 : i32 to index
        %get3A_359 = arith.index_cast %add3A_356 : i32 to index
        %get3A_360 = tpu.vector_load %arg5[%get3A_358, %get3A_359] {strides = array<i32>} : memref<8x2048xf32, #tpu.memory_space<vmem>>, vector<1x16xf32>,
        %get3A_361 = vector.shape_cast %get3A_360 : vector<1x16xf32> to vector<16xf32>
        %mul3A_362 = vector.broadcast %squeeze3A_354 : f32 to vector<16xf32>
        %mul3A_363 = arith.mulf %mul3A_362, %get3A_361 : vector<16xf32>
        %add3A_364 = arith.addf %add3A_310, %mul3A_363 : vector<16xf32>
        %slice3A_365 = vector.extract_strided_slice %get3A_192 {offsets = [13], sizes = [1], strides = [1]} : vector<16xf32> to vector<1xf32>
        %squeeze3A_366 = vector.extract %slice3A_365[0] : f32 from vector<1xf32>
        %add3A_367 = arith.constant 192 : i32
        %add3A_368 = arith.addi %mul3A_188, %add3A_367 : i32
        %add3A_369 = arith.constant 16 : i32
        %add3A_370 = arith.addi %add3A_368, %add3A_369 : i32
        %get3A_371 = arith.constant 0 : i32
        %get3A_372 = arith.index_cast %get3A_371 : i32 to index
        %get3A_373 = arith.index_cast %add3A_370 : i32 to index
        %get3A_374 = tpu.vector_load %arg5[%get3A_372, %get3A_373] {strides = array<i32>} : memref<8x2048xf32, #tpu.memory_space<vmem>>, vector<1x16xf32>,
        %get3A_375 = vector.shape_cast %get3A_374 : vector<1x16xf32> to vector<16xf32>
        %mul3A_376 = vector.broadcast %squeeze3A_366 : f32 to vector<16xf32>
        %mul3A_377 = arith.mulf %mul3A_376, %get3A_375 : vector<16xf32>
        %add3A_378 = arith.addf %add3A_324, %mul3A_377 : vector<16xf32>
        %slice3A_379 = vector.extract_strided_slice %get3A_192 {offsets = [14], sizes = [1], strides = [1]} : vector<16xf32> to vector<1xf32>
        %squeeze3A_380 = vector.extract %slice3A_379[0] : f32 from vector<1xf32>
        %add3A_381 = arith.constant 192 : i32
        %add3A_382 = arith.addi %mul3A_188, %add3A_381 : i32
        %add3A_383 = arith.constant 32 : i32
        %add3A_384 = arith.addi %add3A_382, %add3A_383 : i32
        %get3A_385 = arith.constant 0 : i32
        %get3A_386 = arith.index_cast %get3A_385 : i32 to index
        %get3A_387 = arith.index_cast %add3A_384 : i32 to index
        %get3A_388 = tpu.vector_load %arg5[%get3A_386, %get3A_387] {strides = array<i32>} : memref<8x2048xf32, #tpu.memory_space<vmem>>, vector<1x16xf32>,
        %get3A_389 = vector.shape_cast %get3A_388 : vector<1x16xf32> to vector<16xf32>
        %mul3A_390 = vector.broadcast %squeeze3A_380 : f32 to vector<16xf32>
        %mul3A_391 = arith.mulf %mul3A_390, %get3A_389 : vector<16xf32>
        %add3A_392 = arith.addf %add3A_338, %mul3A_391 : vector<16xf32>
        %slice3A_393 = vector.extract_strided_slice %get3A_192 {offsets = [15], sizes = [1], strides = [1]} : vector<16xf32> to vector<1xf32>
        %squeeze3A_394 = vector.extract %slice3A_393[0] : f32 from vector<1xf32>
        %add3A_395 = arith.constant 192 : i32
        %add3A_396 = arith.addi %mul3A_188, %add3A_395 : i32
        %add3A_397 = arith.constant 48 : i32
        %add3A_398 = arith.addi %add3A_396, %add3A_397 : i32
        %get3A_399 = arith.constant 0 : i32
        %get3A_400 = arith.index_cast %get3A_399 : i32 to index
        %get3A_401 = arith.index_cast %add3A_398 : i32 to index
        %get3A_402 = tpu.vector_load %arg5[%get3A_400, %get3A_401] {strides = array<i32>} : memref<8x2048xf32, #tpu.memory_space<vmem>>, vector<1x16xf32>,
        %get3A_403 = vector.shape_cast %get3A_402 : vector<1x16xf32> to vector<16xf32>
        %mul3A_404 = vector.broadcast %squeeze3A_394 : f32 to vector<16xf32>
        %mul3A_405 = arith.mulf %mul3A_404, %get3A_403 : vector<16xf32>
        %add3A_406 = arith.addf %add3A_352, %mul3A_405 : vector<16xf32>
        scf.yield %add3A_364, %add3A_378, %add3A_392, %add3A_406 : vector<16xf32>, vector<16xf32>, vector<16xf32>, vector<16xf32>
      }
      %scan3A_20 = arith.constant 8 : i32
      %add3A_21 = arith.addf %scan3A_19#0, %scan3A_19#1 : vector<16xf32>
      %add3A_22 = arith.addf %scan3A_19#2, %scan3A_19#3 : vector<16xf32>
      %add3A_23 = arith.addf %add3A_21, %add3A_22 : vector<16xf32>
      %mul3A_24 = arith.constant 8 : i32
      %mul3A_25 = arith.muli %scan3A_10, %mul3A_24 : i32
      %add3A_26 = arith.constant 0 : i32
      %add3A_27 = arith.addi %mul3A_25, %add3A_26 : i32
      %mul3A_28 = arith.constant 16 : i32
      %mul3A_29 = arith.muli %add3A_27, %mul3A_28 : i32
      %swap3A = arith.index_cast %mul3A_29 : i32 to index
      %swap3A_30 = tpu.vector_load %arg7[%swap3A] {strides = array<i32>} : memref<2048xf32, #tpu.memory_space<vmem>>, vector<16xf32>,
      %swap3A_31 = vector.shape_cast %swap3A_30 : vector<16xf32> to vector<16xf32>
      %swap3A_32 = vector.shape_cast %add3A_23 : vector<16xf32> to vector<16xf32>
      tpu.vector_store %arg7[%swap3A], %swap3A_32 {strides = array<i32>} : memref<2048xf32, #tpu.memory_space<vmem>>, vector<16xf32>,
      %broadcast_in_dim3A_33 = arith.constant 0.000000e+00 : f32
      %broadcast_in_dim3A_34 = vector.broadcast %broadcast_in_dim3A_33 : f32 to vector<16xf32>
      %scan3A_35 = arith.constant 0 : i32
      %scan3A_36 = arith.constant 8 : i32
      %scan3A_37 = arith.addi %scan3A_35, %scan3A_36 : i32
      %scan3A_38 = arith.constant 1 : i32
      %scan3A_39:4 = scf.for %scan3A_180 = %scan3A_35 to %scan3A_37 step %scan3A_38 iter_args(%scan3A_181 = %broadcast_in_dim3A_34, %scan3A_182 = %broadcast_in_dim3A_34, %scan3A_183 = %broadcast_in_dim3A_34, %scan3A_184 = %broadcast_in_dim3A_34) -> (vector<16xf32>, vector<16xf32>, vector<16xf32>, vector<16xf32>)  : i32 {
        %mul3A_185 = arith.constant 16 : i32
        %mul3A_186 = arith.muli %scan3A_180, %mul3A_185 : i32
        %mul3A_187 = arith.constant 256 : i32
        %mul3A_188 = arith.muli %scan3A_180, %mul3A_187 : i32
        %get3A = arith.constant 1 : i32
        %get3A_189 = arith.index_cast %get3A : i32 to index
        %get3A_190 = arith.index_cast %mul3A_186 : i32 to index
        %get3A_191 = tpu.vector_load %arg6[%get3A_189, %get3A_190] {strides = array<i32>} : memref<8x128xf32, #tpu.memory_space<vmem>>, vector<1x16xf32>,
        %get3A_192 = vector.shape_cast %get3A_191 : vector<1x16xf32> to vector<16xf32>
        %slice3A = vector.extract_strided_slice %get3A_192 {offsets = [0], sizes = [1], strides = [1]} : vector<16xf32> to vector<1xf32>
        %squeeze3A = vector.extract %slice3A[0] : f32 from vector<1xf32>
        %add3A_193 = arith.constant 0 : i32
        %add3A_194 = arith.addi %mul3A_188, %add3A_193 : i32
        %get3A_195 = arith.constant 1 : i32
        %get3A_196 = arith.index_cast %get3A_195 : i32 to index
        %get3A_197 = arith.index_cast %add3A_194 : i32 to index
        %get3A_198 = tpu.vector_load %arg5[%get3A_196, %get3A_197] {strides = array<i32>} : memref<8x2048xf32, #tpu.memory_space<vmem>>, vector<1x16xf32>,
        %get3A_199 = vector.shape_cast %get3A_198 : vector<1x16xf32> to vector<16xf32>
        %mul3A_200 = vector.broadcast %squeeze3A : f32 to vector<16xf32>
        %mul3A_201 = arith.mulf %mul3A_200, %get3A_199 : vector<16xf32>
        %add3A_202 = arith.addf %scan3A_181, %mul3A_201 : vector<16xf32>
        %slice3A_203 = vector.extract_strided_slice %get3A_192 {offsets = [1], sizes = [1], strides = [1]} : vector<16xf32> to vector<1xf32>
        %squeeze3A_204 = vector.extract %slice3A_203[0] : f32 from vector<1xf32>
        %add3A_205 = arith.constant 0 : i32
        %add3A_206 = arith.addi %mul3A_188, %add3A_205 : i32
        %add3A_207 = arith.constant 16 : i32
        %add3A_208 = arith.addi %add3A_206, %add3A_207 : i32
        %get3A_209 = arith.constant 1 : i32
        %get3A_210 = arith.index_cast %get3A_209 : i32 to index
        %get3A_211 = arith.index_cast %add3A_208 : i32 to index
        %get3A_212 = tpu.vector_load %arg5[%get3A_210, %get3A_211] {strides = array<i32>} : memref<8x2048xf32, #tpu.memory_space<vmem>>, vector<1x16xf32>,
        %get3A_213 = vector.shape_cast %get3A_212 : vector<1x16xf32> to vector<16xf32>
        %mul3A_214 = vector.broadcast %squeeze3A_204 : f32 to vector<16xf32>
        %mul3A_215 = arith.mulf %mul3A_214, %get3A_213 : vector<16xf32>
        %add3A_216 = arith.addf %scan3A_182, %mul3A_215 : vector<16xf32>
        %slice3A_217 = vector.extract_strided_slice %get3A_192 {offsets = [2], sizes = [1], strides = [1]} : vector<16xf32> to vector<1xf32>
        %squeeze3A_218 = vector.extract %slice3A_217[0] : f32 from vector<1xf32>
        %add3A_219 = arith.constant 0 : i32
        %add3A_220 = arith.addi %mul3A_188, %add3A_219 : i32
        %add3A_221 = arith.constant 32 : i32
        %add3A_222 = arith.addi %add3A_220, %add3A_221 : i32
        %get3A_223 = arith.constant 1 : i32
        %get3A_224 = arith.index_cast %get3A_223 : i32 to index
        %get3A_225 = arith.index_cast %add3A_222 : i32 to index
        %get3A_226 = tpu.vector_load %arg5[%get3A_224, %get3A_225] {strides = array<i32>} : memref<8x2048xf32, #tpu.memory_space<vmem>>, vector<1x16xf32>,
        %get3A_227 = vector.shape_cast %get3A_226 : vector<1x16xf32> to vector<16xf32>
        %mul3A_228 = vector.broadcast %squeeze3A_218 : f32 to vector<16xf32>
        %mul3A_229 = arith.mulf %mul3A_228, %get3A_227 : vector<16xf32>
        %add3A_230 = arith.addf %scan3A_183, %mul3A_229 : vector<16xf32>
        %slice3A_231 = vector.extract_strided_slice %get3A_192 {offsets = [3], sizes = [1], strides = [1]} : vector<16xf32> to vector<1xf32>
        %squeeze3A_232 = vector.extract %slice3A_231[0] : f32 from vector<1xf32>
        %add3A_233 = arith.constant 0 : i32
        %add3A_234 = arith.addi %mul3A_188, %add3A_233 : i32
        %add3A_235 = arith.constant 48 : i32
        %add3A_236 = arith.addi %add3A_234, %add3A_235 : i32
        %get3A_237 = arith.constant 1 : i32
        %get3A_238 = arith.index_cast %get3A_237 : i32 to index
        %get3A_239 = arith.index_cast %add3A_236 : i32 to index
        %get3A_240 = tpu.vector_load %arg5[%get3A_238, %get3A_239] {strides = array<i32>} : memref<8x2048xf32, #tpu.memory_space<vmem>>, vector<1x16xf32>,
        %get3A_241 = vector.shape_cast %get3A_240 : vector<1x16xf32> to vector<16xf32>
        %mul3A_242 = vector.broadcast %squeeze3A_232 : f32 to vector<16xf32>
        %mul3A_243 = arith.mulf %mul3A_242, %get3A_241 : vector<16xf32>
        %add3A_244 = arith.addf %scan3A_184, %mul3A_243 : vector<16xf32>
        %slice3A_245 = vector.extract_strided_slice %get3A_192 {offsets = [4], sizes = [1], strides = [1]} : vector<16xf32> to vector<1xf32>
        %squeeze3A_246 = vector.extract %slice3A_245[0] : f32 from vector<1xf32>
        %add3A_247 = arith.constant 64 : i32
        %add3A_248 = arith.addi %mul3A_188, %add3A_247 : i32
        %get3A_249 = arith.constant 1 : i32
        %get3A_250 = arith.index_cast %get3A_249 : i32 to index
        %get3A_251 = arith.index_cast %add3A_248 : i32 to index
        %get3A_252 = tpu.vector_load %arg5[%get3A_250, %get3A_251] {strides = array<i32>} : memref<8x2048xf32, #tpu.memory_space<vmem>>, vector<1x16xf32>,
        %get3A_253 = vector.shape_cast %get3A_252 : vector<1x16xf32> to vector<16xf32>
        %mul3A_254 = vector.broadcast %squeeze3A_246 : f32 to vector<16xf32>
        %mul3A_255 = arith.mulf %mul3A_254, %get3A_253 : vector<16xf32>
        %add3A_256 = arith.addf %add3A_202, %mul3A_255 : vector<16xf32>
        %slice3A_257 = vector.extract_strided_slice %get3A_192 {offsets = [5], sizes = [1], strides = [1]} : vector<16xf32> to vector<1xf32>
        %squeeze3A_258 = vector.extract %slice3A_257[0] : f32 from vector<1xf32>
        %add3A_259 = arith.constant 64 : i32
        %add3A_260 = arith.addi %mul3A_188, %add3A_259 : i32
        %add3A_261 = arith.constant 16 : i32
        %add3A_262 = arith.addi %add3A_260, %add3A_261 : i32
        %get3A_263 = arith.constant 1 : i32
        %get3A_264 = arith.index_cast %get3A_263 : i32 to index
        %get3A_265 = arith.index_cast %add3A_262 : i32 to index
        %get3A_266 = tpu.vector_load %arg5[%get3A_264, %get3A_265] {strides = array<i32>} : memref<8x2048xf32, #tpu.memory_space<vmem>>, vector<1x16xf32>,
        %get3A_267 = vector.shape_cast %get3A_266 : vector<1x16xf32> to vector<16xf32>
        %mul3A_268 = vector.broadcast %squeeze3A_258 : f32 to vector<16xf32>
        %mul3A_269 = arith.mulf %mul3A_268, %get3A_267 : vector<16xf32>
        %add3A_270 = arith.addf %add3A_216, %mul3A_269 : vector<16xf32>
        %slice3A_271 = vector.extract_strided_slice %get3A_192 {offsets = [6], sizes = [1], strides = [1]} : vector<16xf32> to vector<1xf32>
        %squeeze3A_272 = vector.extract %slice3A_271[0] : f32 from vector<1xf32>
        %add3A_273 = arith.constant 64 : i32
        %add3A_274 = arith.addi %mul3A_188, %add3A_273 : i32
        %add3A_275 = arith.constant 32 : i32
        %add3A_276 = arith.addi %add3A_274, %add3A_275 : i32
        %get3A_277 = arith.constant 1 : i32
        %get3A_278 = arith.index_cast %get3A_277 : i32 to index
        %get3A_279 = arith.index_cast %add3A_276 : i32 to index
        %get3A_280 = tpu.vector_load %arg5[%get3A_278, %get3A_279] {strides = array<i32>} : memref<8x2048xf32, #tpu.memory_space<vmem>>, vector<1x16xf32>,
        %get3A_281 = vector.shape_cast %get3A_280 : vector<1x16xf32> to vector<16xf32>
        %mul3A_282 = vector.broadcast %squeeze3A_272 : f32 to vector<16xf32>
        %mul3A_283 = arith.mulf %mul3A_282, %get3A_281 : vector<16xf32>
        %add3A_284 = arith.addf %add3A_230, %mul3A_283 : vector<16xf32>
        %slice3A_285 = vector.extract_strided_slice %get3A_192 {offsets = [7], sizes = [1], strides = [1]} : vector<16xf32> to vector<1xf32>
        %squeeze3A_286 = vector.extract %slice3A_285[0] : f32 from vector<1xf32>
        %add3A_287 = arith.constant 64 : i32
        %add3A_288 = arith.addi %mul3A_188, %add3A_287 : i32
        %add3A_289 = arith.constant 48 : i32
        %add3A_290 = arith.addi %add3A_288, %add3A_289 : i32
        %get3A_291 = arith.constant 1 : i32
        %get3A_292 = arith.index_cast %get3A_291 : i32 to index
        %get3A_293 = arith.index_cast %add3A_290 : i32 to index
        %get3A_294 = tpu.vector_load %arg5[%get3A_292, %get3A_293] {strides = array<i32>} : memref<8x2048xf32, #tpu.memory_space<vmem>>, vector<1x16xf32>,
        %get3A_295 = vector.shape_cast %get3A_294 : vector<1x16xf32> to vector<16xf32>
        %mul3A_296 = vector.broadcast %squeeze3A_286 : f32 to vector<16xf32>
        %mul3A_297 = arith.mulf %mul3A_296, %get3A_295 : vector<16xf32>
        %add3A_298 = arith.addf %add3A_244, %mul3A_297 : vector<16xf32>
        %slice3A_299 = vector.extract_strided_slice %get3A_192 {offsets = [8], sizes = [1], strides = [1]} : vector<16xf32> to vector<1xf32>
        %squeeze3A_300 = vector.extract %slice3A_299[0] : f32 from vector<1xf32>
        %add3A_301 = arith.constant 128 : i32
        %add3A_302 = arith.addi %mul3A_188, %add3A_301 : i32
        %get3A_303 = arith.constant 1 : i32
        %get3A_304 = arith.index_cast %get3A_303 : i32 to index
        %get3A_305 = arith.index_cast %add3A_302 : i32 to index
        %get3A_306 = tpu.vector_load %arg5[%get3A_304, %get3A_305] {strides = array<i32>} : memref<8x2048xf32, #tpu.memory_space<vmem>>, vector<1x16xf32>,
        %get3A_307 = vector.shape_cast %get3A_306 : vector<1x16xf32> to vector<16xf32>
        %mul3A_308 = vector.broadcast %squeeze3A_300 : f32 to vector<16xf32>
        %mul3A_309 = arith.mulf %mul3A_308, %get3A_307 : vector<16xf32>
        %add3A_310 = arith.addf %add3A_256, %mul3A_309 : vector<16xf32>
        %slice3A_311 = vector.extract_strided_slice %get3A_192 {offsets = [9], sizes = [1], strides = [1]} : vector<16xf32> to vector<1xf32>
        %squeeze3A_312 = vector.extract %slice3A_311[0] : f32 from vector<1xf32>
        %add3A_313 = arith.constant 128 : i32
        %add3A_314 = arith.addi %mul3A_188, %add3A_313 : i32
        %add3A_315 = arith.constant 16 : i32
        %add3A_316 = arith.addi %add3A_314, %add3A_315 : i32
        %get3A_317 = arith.constant 1 : i32
        %get3A_318 = arith.index_cast %get3A_317 : i32 to index
        %get3A_319 = arith.index_cast %add3A_316 : i32 to index
        %get3A_320 = tpu.vector_load %arg5[%get3A_318, %get3A_319] {strides = array<i32>} : memref<8x2048xf32, #tpu.memory_space<vmem>>, vector<1x16xf32>,
        %get3A_321 = vector.shape_cast %get3A_320 : vector<1x16xf32> to vector<16xf32>
        %mul3A_322 = vector.broadcast %squeeze3A_312 : f32 to vector<16xf32>
        %mul3A_323 = arith.mulf %mul3A_322, %get3A_321 : vector<16xf32>
        %add3A_324 = arith.addf %add3A_270, %mul3A_323 : vector<16xf32>
        %slice3A_325 = vector.extract_strided_slice %get3A_192 {offsets = [10], sizes = [1], strides = [1]} : vector<16xf32> to vector<1xf32>
        %squeeze3A_326 = vector.extract %slice3A_325[0] : f32 from vector<1xf32>
        %add3A_327 = arith.constant 128 : i32
        %add3A_328 = arith.addi %mul3A_188, %add3A_327 : i32
        %add3A_329 = arith.constant 32 : i32
        %add3A_330 = arith.addi %add3A_328, %add3A_329 : i32
        %get3A_331 = arith.constant 1 : i32
        %get3A_332 = arith.index_cast %get3A_331 : i32 to index
        %get3A_333 = arith.index_cast %add3A_330 : i32 to index
        %get3A_334 = tpu.vector_load %arg5[%get3A_332, %get3A_333] {strides = array<i32>} : memref<8x2048xf32, #tpu.memory_space<vmem>>, vector<1x16xf32>,
        %get3A_335 = vector.shape_cast %get3A_334 : vector<1x16xf32> to vector<16xf32>
        %mul3A_336 = vector.broadcast %squeeze3A_326 : f32 to vector<16xf32>
        %mul3A_337 = arith.mulf %mul3A_336, %get3A_335 : vector<16xf32>
        %add3A_338 = arith.addf %add3A_284, %mul3A_337 : vector<16xf32>
        %slice3A_339 = vector.extract_strided_slice %get3A_192 {offsets = [11], sizes = [1], strides = [1]} : vector<16xf32> to vector<1xf32>
        %squeeze3A_340 = vector.extract %slice3A_339[0] : f32 from vector<1xf32>
        %add3A_341 = arith.constant 128 : i32
        %add3A_342 = arith.addi %mul3A_188, %add3A_341 : i32
        %add3A_343 = arith.constant 48 : i32
        %add3A_344 = arith.addi %add3A_342, %add3A_343 : i32
        %get3A_345 = arith.constant 1 : i32
        %get3A_346 = arith.index_cast %get3A_345 : i32 to index
        %get3A_347 = arith.index_cast %add3A_344 : i32 to index
        %get3A_348 = tpu.vector_load %arg5[%get3A_346, %get3A_347] {strides = array<i32>} : memref<8x2048xf32, #tpu.memory_space<vmem>>, vector<1x16xf32>,
        %get3A_349 = vector.shape_cast %get3A_348 : vector<1x16xf32> to vector<16xf32>
        %mul3A_350 = vector.broadcast %squeeze3A_340 : f32 to vector<16xf32>
        %mul3A_351 = arith.mulf %mul3A_350, %get3A_349 : vector<16xf32>
        %add3A_352 = arith.addf %add3A_298, %mul3A_351 : vector<16xf32>
        %slice3A_353 = vector.extract_strided_slice %get3A_192 {offsets = [12], sizes = [1], strides = [1]} : vector<16xf32> to vector<1xf32>
        %squeeze3A_354 = vector.extract %slice3A_353[0] : f32 from vector<1xf32>
        %add3A_355 = arith.constant 192 : i32
        %add3A_356 = arith.addi %mul3A_188, %add3A_355 : i32
        %get3A_357 = arith.constant 1 : i32
        %get3A_358 = arith.index_cast %get3A_357 : i32 to index
        %get3A_359 = arith.index_cast %add3A_356 : i32 to index
        %get3A_360 = tpu.vector_load %arg5[%get3A_358, %get3A_359] {strides = array<i32>} : memref<8x2048xf32, #tpu.memory_space<vmem>>, vector<1x16xf32>,
        %get3A_361 = vector.shape_cast %get3A_360 : vector<1x16xf32> to vector<16xf32>
        %mul3A_362 = vector.broadcast %squeeze3A_354 : f32 to vector<16xf32>
        %mul3A_363 = arith.mulf %mul3A_362, %get3A_361 : vector<16xf32>
        %add3A_364 = arith.addf %add3A_310, %mul3A_363 : vector<16xf32>
        %slice3A_365 = vector.extract_strided_slice %get3A_192 {offsets = [13], sizes = [1], strides = [1]} : vector<16xf32> to vector<1xf32>
        %squeeze3A_366 = vector.extract %slice3A_365[0] : f32 from vector<1xf32>
        %add3A_367 = arith.constant 192 : i32
        %add3A_368 = arith.addi %mul3A_188, %add3A_367 : i32
        %add3A_369 = arith.constant 16 : i32
        %add3A_370 = arith.addi %add3A_368, %add3A_369 : i32
        %get3A_371 = arith.constant 1 : i32
        %get3A_372 = arith.index_cast %get3A_371 : i32 to index
        %get3A_373 = arith.index_cast %add3A_370 : i32 to index
        %get3A_374 = tpu.vector_load %arg5[%get3A_372, %get3A_373] {strides = array<i32>} : memref<8x2048xf32, #tpu.memory_space<vmem>>, vector<1x16xf32>,
        %get3A_375 = vector.shape_cast %get3A_374 : vector<1x16xf32> to vector<16xf32>
        %mul3A_376 = vector.broadcast %squeeze3A_366 : f32 to vector<16xf32>
        %mul3A_377 = arith.mulf %mul3A_376, %get3A_375 : vector<16xf32>
        %add3A_378 = arith.addf %add3A_324, %mul3A_377 : vector<16xf32>
        %slice3A_379 = vector.extract_strided_slice %get3A_192 {offsets = [14], sizes = [1], strides = [1]} : vector<16xf32> to vector<1xf32>
        %squeeze3A_380 = vector.extract %slice3A_379[0] : f32 from vector<1xf32>
        %add3A_381 = arith.constant 192 : i32
        %add3A_382 = arith.addi %mul3A_188, %add3A_381 : i32
        %add3A_383 = arith.constant 32 : i32
        %add3A_384 = arith.addi %add3A_382, %add3A_383 : i32
        %get3A_385 = arith.constant 1 : i32
        %get3A_386 = arith.index_cast %get3A_385 : i32 to index
        %get3A_387 = arith.index_cast %add3A_384 : i32 to index
        %get3A_388 = tpu.vector_load %arg5[%get3A_386, %get3A_387] {strides = array<i32>} : memref<8x2048xf32, #tpu.memory_space<vmem>>, vector<1x16xf32>,
        %get3A_389 = vector.shape_cast %get3A_388 : vector<1x16xf32> to vector<16xf32>
        %mul3A_390 = vector.broadcast %squeeze3A_380 : f32 to vector<16xf32>
        %mul3A_391 = arith.mulf %mul3A_390, %get3A_389 : vector<16xf32>
        %add3A_392 = arith.addf %add3A_338, %mul3A_391 : vector<16xf32>
        %slice3A_393 = vector.extract_strided_slice %get3A_192 {offsets = [15], sizes = [1], strides = [1]} : vector<16xf32> to vector<1xf32>
        %squeeze3A_394 = vector.extract %slice3A_393[0] : f32 from vector<1xf32>
        %add3A_395 = arith.constant 192 : i32
        %add3A_396 = arith.addi %mul3A_188, %add3A_395 : i32
        %add3A_397 = arith.constant 48 : i32
        %add3A_398 = arith.addi %add3A_396, %add3A_397 : i32
        %get3A_399 = arith.constant 1 : i32
        %get3A_400 = arith.index_cast %get3A_399 : i32 to index
        %get3A_401 = arith.index_cast %add3A_398 : i32 to index
        %get3A_402 = tpu.vector_load %arg5[%get3A_400, %get3A_401] {strides = array<i32>} : memref<8x2048xf32, #tpu.memory_space<vmem>>, vector<1x16xf32>,
        %get3A_403 = vector.shape_cast %get3A_402 : vector<1x16xf32> to vector<16xf32>
        %mul3A_404 = vector.broadcast %squeeze3A_394 : f32 to vector<16xf32>
        %mul3A_405 = arith.mulf %mul3A_404, %get3A_403 : vector<16xf32>
        %add3A_406 = arith.addf %add3A_352, %mul3A_405 : vector<16xf32>
        scf.yield %add3A_364, %add3A_378, %add3A_392, %add3A_406 : vector<16xf32>, vector<16xf32>, vector<16xf32>, vector<16xf32>
      }
      %scan3A_40 = arith.constant 8 : i32
      %add3A_41 = arith.addf %scan3A_39#0, %scan3A_39#1 : vector<16xf32>
      %add3A_42 = arith.addf %scan3A_39#2, %scan3A_39#3 : vector<16xf32>
      %add3A_43 = arith.addf %add3A_41, %add3A_42 : vector<16xf32>
      %mul3A_44 = arith.constant 8 : i32
      %mul3A_45 = arith.muli %scan3A_10, %mul3A_44 : i32
      %add3A_46 = arith.constant 1 : i32
      %add3A_47 = arith.addi %mul3A_45, %add3A_46 : i32
      %mul3A_48 = arith.constant 16 : i32
      %mul3A_49 = arith.muli %add3A_47, %mul3A_48 : i32
      %swap3A_50 = arith.index_cast %mul3A_49 : i32 to index
      %swap3A_51 = tpu.vector_load %arg7[%swap3A_50] {strides = array<i32>} : memref<2048xf32, #tpu.memory_space<vmem>>, vector<16xf32>,
      %swap3A_52 = vector.shape_cast %swap3A_51 : vector<16xf32> to vector<16xf32>
      %swap3A_53 = vector.shape_cast %add3A_43 : vector<16xf32> to vector<16xf32>
      tpu.vector_store %arg7[%swap3A_50], %swap3A_53 {strides = array<i32>} : memref<2048xf32, #tpu.memory_space<vmem>>, vector<16xf32>,
      %broadcast_in_dim3A_54 = arith.constant 0.000000e+00 : f32
      %broadcast_in_dim3A_55 = vector.broadcast %broadcast_in_dim3A_54 : f32 to vector<16xf32>
      %scan3A_56 = arith.constant 0 : i32
      %scan3A_57 = arith.constant 8 : i32
      %scan3A_58 = arith.addi %scan3A_56, %scan3A_57 : i32
      %scan3A_59 = arith.constant 1 : i32
      %scan3A_60:4 = scf.for %scan3A_180 = %scan3A_56 to %scan3A_58 step %scan3A_59 iter_args(%scan3A_181 = %broadcast_in_dim3A_55, %scan3A_182 = %broadcast_in_dim3A_55, %scan3A_183 = %broadcast_in_dim3A_55, %scan3A_184 = %broadcast_in_dim3A_55) -> (vector<16xf32>, vector<16xf32>, vector<16xf32>, vector<16xf32>)  : i32 {
        %mul3A_185 = arith.constant 16 : i32
        %mul3A_186 = arith.muli %scan3A_180, %mul3A_185 : i32
        %mul3A_187 = arith.constant 256 : i32
        %mul3A_188 = arith.muli %scan3A_180, %mul3A_187 : i32
        %get3A = arith.constant 2 : i32
        %get3A_189 = arith.index_cast %get3A : i32 to index
        %get3A_190 = arith.index_cast %mul3A_186 : i32 to index
        %get3A_191 = tpu.vector_load %arg6[%get3A_189, %get3A_190] {strides = array<i32>} : memref<8x128xf32, #tpu.memory_space<vmem>>, vector<1x16xf32>,
        %get3A_192 = vector.shape_cast %get3A_191 : vector<1x16xf32> to vector<16xf32>
        %slice3A = vector.extract_strided_slice %get3A_192 {offsets = [0], sizes = [1], strides = [1]} : vector<16xf32> to vector<1xf32>
        %squeeze3A = vector.extract %slice3A[0] : f32 from vector<1xf32>
        %add3A_193 = arith.constant 0 : i32
        %add3A_194 = arith.addi %mul3A_188, %add3A_193 : i32
        %get3A_195 = arith.constant 2 : i32
        %get3A_196 = arith.index_cast %get3A_195 : i32 to index
        %get3A_197 = arith.index_cast %add3A_194 : i32 to index
        %get3A_198 = tpu.vector_load %arg5[%get3A_196, %get3A_197] {strides = array<i32>} : memref<8x2048xf32, #tpu.memory_space<vmem>>, vector<1x16xf32>,
        %get3A_199 = vector.shape_cast %get3A_198 : vector<1x16xf32> to vector<16xf32>
        %mul3A_200 = vector.broadcast %squeeze3A : f32 to vector<16xf32>
        %mul3A_201 = arith.mulf %mul3A_200, %get3A_199 : vector<16xf32>
        %add3A_202 = arith.addf %scan3A_181, %mul3A_201 : vector<16xf32>
        %slice3A_203 = vector.extract_strided_slice %get3A_192 {offsets = [1], sizes = [1], strides = [1]} : vector<16xf32> to vector<1xf32>
        %squeeze3A_204 = vector.extract %slice3A_203[0] : f32 from vector<1xf32>
        %add3A_205 = arith.constant 0 : i32
        %add3A_206 = arith.addi %mul3A_188, %add3A_205 : i32
        %add3A_207 = arith.constant 16 : i32
        %add3A_208 = arith.addi %add3A_206, %add3A_207 : i32
        %get3A_209 = arith.constant 2 : i32
        %get3A_210 = arith.index_cast %get3A_209 : i32 to index
        %get3A_211 = arith.index_cast %add3A_208 : i32 to index
        %get3A_212 = tpu.vector_load %arg5[%get3A_210, %get3A_211] {strides = array<i32>} : memref<8x2048xf32, #tpu.memory_space<vmem>>, vector<1x16xf32>,
        %get3A_213 = vector.shape_cast %get3A_212 : vector<1x16xf32> to vector<16xf32>
        %mul3A_214 = vector.broadcast %squeeze3A_204 : f32 to vector<16xf32>
        %mul3A_215 = arith.mulf %mul3A_214, %get3A_213 : vector<16xf32>
        %add3A_216 = arith.addf %scan3A_182, %mul3A_215 : vector<16xf32>
        %slice3A_217 = vector.extract_strided_slice %get3A_192 {offsets = [2], sizes = [1], strides = [1]} : vector<16xf32> to vector<1xf32>
        %squeeze3A_218 = vector.extract %slice3A_217[0] : f32 from vector<1xf32>
        %add3A_219 = arith.constant 0 : i32
        %add3A_220 = arith.addi %mul3A_188, %add3A_219 : i32
        %add3A_221 = arith.constant 32 : i32
        %add3A_222 = arith.addi %add3A_220, %add3A_221 : i32
        %get3A_223 = arith.constant 2 : i32
        %get3A_224 = arith.index_cast %get3A_223 : i32 to index
        %get3A_225 = arith.index_cast %add3A_222 : i32 to index
        %get3A_226 = tpu.vector_load %arg5[%get3A_224, %get3A_225] {strides = array<i32>} : memref<8x2048xf32, #tpu.memory_space<vmem>>, vector<1x16xf32>,
        %get3A_227 = vector.shape_cast %get3A_226 : vector<1x16xf32> to vector<16xf32>
        %mul3A_228 = vector.broadcast %squeeze3A_218 : f32 to vector<16xf32>
        %mul3A_229 = arith.mulf %mul3A_228, %get3A_227 : vector<16xf32>
        %add3A_230 = arith.addf %scan3A_183, %mul3A_229 : vector<16xf32>
        %slice3A_231 = vector.extract_strided_slice %get3A_192 {offsets = [3], sizes = [1], strides = [1]} : vector<16xf32> to vector<1xf32>
        %squeeze3A_232 = vector.extract %slice3A_231[0] : f32 from vector<1xf32>
        %add3A_233 = arith.constant 0 : i32
        %add3A_234 = arith.addi %mul3A_188, %add3A_233 : i32
        %add3A_235 = arith.constant 48 : i32
        %add3A_236 = arith.addi %add3A_234, %add3A_235 : i32
        %get3A_237 = arith.constant 2 : i32
        %get3A_238 = arith.index_cast %get3A_237 : i32 to index
        %get3A_239 = arith.index_cast %add3A_236 : i32 to index
        %get3A_240 = tpu.vector_load %arg5[%get3A_238, %get3A_239] {strides = array<i32>} : memref<8x2048xf32, #tpu.memory_space<vmem>>, vector<1x16xf32>,
        %get3A_241 = vector.shape_cast %get3A_240 : vector<1x16xf32> to vector<16xf32>
        %mul3A_242 = vector.broadcast %squeeze3A_232 : f32 to vector<16xf32>
        %mul3A_243 = arith.mulf %mul3A_242, %get3A_241 : vector<16xf32>
        %add3A_244 = arith.addf %scan3A_184, %mul3A_243 : vector<16xf32>
        %slice3A_245 = vector.extract_strided_slice %get3A_192 {offsets = [4], sizes = [1], strides = [1]} : vector<16xf32> to vector<1xf32>
        %squeeze3A_246 = vector.extract %slice3A_245[0] : f32 from vector<1xf32>
        %add3A_247 = arith.constant 64 : i32
        %add3A_248 = arith.addi %mul3A_188, %add3A_247 : i32
        %get3A_249 = arith.constant 2 : i32
        %get3A_250 = arith.index_cast %get3A_249 : i32 to index
        %get3A_251 = arith.index_cast %add3A_248 : i32 to index
        %get3A_252 = tpu.vector_load %arg5[%get3A_250, %get3A_251] {strides = array<i32>} : memref<8x2048xf32, #tpu.memory_space<vmem>>, vector<1x16xf32>,
        %get3A_253 = vector.shape_cast %get3A_252 : vector<1x16xf32> to vector<16xf32>
        %mul3A_254 = vector.broadcast %squeeze3A_246 : f32 to vector<16xf32>
        %mul3A_255 = arith.mulf %mul3A_254, %get3A_253 : vector<16xf32>
        %add3A_256 = arith.addf %add3A_202, %mul3A_255 : vector<16xf32>
        %slice3A_257 = vector.extract_strided_slice %get3A_192 {offsets = [5], sizes = [1], strides = [1]} : vector<16xf32> to vector<1xf32>
        %squeeze3A_258 = vector.extract %slice3A_257[0] : f32 from vector<1xf32>
        %add3A_259 = arith.constant 64 : i32
        %add3A_260 = arith.addi %mul3A_188, %add3A_259 : i32
        %add3A_261 = arith.constant 16 : i32
        %add3A_262 = arith.addi %add3A_260, %add3A_261 : i32
        %get3A_263 = arith.constant 2 : i32
        %get3A_264 = arith.index_cast %get3A_263 : i32 to index
        %get3A_265 = arith.index_cast %add3A_262 : i32 to index
        %get3A_266 = tpu.vector_load %arg5[%get3A_264, %get3A_265] {strides = array<i32>} : memref<8x2048xf32, #tpu.memory_space<vmem>>, vector<1x16xf32>,
        %get3A_267 = vector.shape_cast %get3A_266 : vector<1x16xf32> to vector<16xf32>
        %mul3A_268 = vector.broadcast %squeeze3A_258 : f32 to vector<16xf32>
        %mul3A_269 = arith.mulf %mul3A_268, %get3A_267 : vector<16xf32>
        %add3A_270 = arith.addf %add3A_216, %mul3A_269 : vector<16xf32>
        %slice3A_271 = vector.extract_strided_slice %get3A_192 {offsets = [6], sizes = [1], strides = [1]} : vector<16xf32> to vector<1xf32>
        %squeeze3A_272 = vector.extract %slice3A_271[0] : f32 from vector<1xf32>
        %add3A_273 = arith.constant 64 : i32
        %add3A_274 = arith.addi %mul3A_188, %add3A_273 : i32
        %add3A_275 = arith.constant 32 : i32
        %add3A_276 = arith.addi %add3A_274, %add3A_275 : i32
        %get3A_277 = arith.constant 2 : i32
        %get3A_278 = arith.index_cast %get3A_277 : i32 to index
        %get3A_279 = arith.index_cast %add3A_276 : i32 to index
        %get3A_280 = tpu.vector_load %arg5[%get3A_278, %get3A_279] {strides = array<i32>} : memref<8x2048xf32, #tpu.memory_space<vmem>>, vector<1x16xf32>,
        %get3A_281 = vector.shape_cast %get3A_280 : vector<1x16xf32> to vector<16xf32>
        %mul3A_282 = vector.broadcast %squeeze3A_272 : f32 to vector<16xf32>
        %mul3A_283 = arith.mulf %mul3A_282, %get3A_281 : vector<16xf32>
        %add3A_284 = arith.addf %add3A_230, %mul3A_283 : vector<16xf32>
        %slice3A_285 = vector.extract_strided_slice %get3A_192 {offsets = [7], sizes = [1], strides = [1]} : vector<16xf32> to vector<1xf32>
        %squeeze3A_286 = vector.extract %slice3A_285[0] : f32 from vector<1xf32>
        %add3A_287 = arith.constant 64 : i32
        %add3A_288 = arith.addi %mul3A_188, %add3A_287 : i32
        %add3A_289 = arith.constant 48 : i32
        %add3A_290 = arith.addi %add3A_288, %add3A_289 : i32
        %get3A_291 = arith.constant 2 : i32
        %get3A_292 = arith.index_cast %get3A_291 : i32 to index
        %get3A_293 = arith.index_cast %add3A_290 : i32 to index
        %get3A_294 = tpu.vector_load %arg5[%get3A_292, %get3A_293] {strides = array<i32>} : memref<8x2048xf32, #tpu.memory_space<vmem>>, vector<1x16xf32>,
        %get3A_295 = vector.shape_cast %get3A_294 : vector<1x16xf32> to vector<16xf32>
        %mul3A_296 = vector.broadcast %squeeze3A_286 : f32 to vector<16xf32>
        %mul3A_297 = arith.mulf %mul3A_296, %get3A_295 : vector<16xf32>
        %add3A_298 = arith.addf %add3A_244, %mul3A_297 : vector<16xf32>
        %slice3A_299 = vector.extract_strided_slice %get3A_192 {offsets = [8], sizes = [1], strides = [1]} : vector<16xf32> to vector<1xf32>
        %squeeze3A_300 = vector.extract %slice3A_299[0] : f32 from vector<1xf32>
        %add3A_301 = arith.constant 128 : i32
        %add3A_302 = arith.addi %mul3A_188, %add3A_301 : i32
        %get3A_303 = arith.constant 2 : i32
        %get3A_304 = arith.index_cast %get3A_303 : i32 to index
        %get3A_305 = arith.index_cast %add3A_302 : i32 to index
        %get3A_306 = tpu.vector_load %arg5[%get3A_304, %get3A_305] {strides = array<i32>} : memref<8x2048xf32, #tpu.memory_space<vmem>>, vector<1x16xf32>,
        %get3A_307 = vector.shape_cast %get3A_306 : vector<1x16xf32> to vector<16xf32>
        %mul3A_308 = vector.broadcast %squeeze3A_300 : f32 to vector<16xf32>
        %mul3A_309 = arith.mulf %mul3A_308, %get3A_307 : vector<16xf32>
        %add3A_310 = arith.addf %add3A_256, %mul3A_309 : vector<16xf32>
        %slice3A_311 = vector.extract_strided_slice %get3A_192 {offsets = [9], sizes = [1], strides = [1]} : vector<16xf32> to vector<1xf32>
        %squeeze3A_312 = vector.extract %slice3A_311[0] : f32 from vector<1xf32>
        %add3A_313 = arith.constant 128 : i32
        %add3A_314 = arith.addi %mul3A_188, %add3A_313 : i32
        %add3A_315 = arith.constant 16 : i32
        %add3A_316 = arith.addi %add3A_314, %add3A_315 : i32
        %get3A_317 = arith.constant 2 : i32
        %get3A_318 = arith.index_cast %get3A_317 : i32 to index
        %get3A_319 = arith.index_cast %add3A_316 : i32 to index
        %get3A_320 = tpu.vector_load %arg5[%get3A_318, %get3A_319] {strides = array<i32>} : memref<8x2048xf32, #tpu.memory_space<vmem>>, vector<1x16xf32>,
        %get3A_321 = vector.shape_cast %get3A_320 : vector<1x16xf32> to vector<16xf32>
        %mul3A_322 = vector.broadcast %squeeze3A_312 : f32 to vector<16xf32>
        %mul3A_323 = arith.mulf %mul3A_322, %get3A_321 : vector<16xf32>
        %add3A_324 = arith.addf %add3A_270, %mul3A_323 : vector<16xf32>
        %slice3A_325 = vector.extract_strided_slice %get3A_192 {offsets = [10], sizes = [1], strides = [1]} : vector<16xf32> to vector<1xf32>
        %squeeze3A_326 = vector.extract %slice3A_325[0] : f32 from vector<1xf32>
        %add3A_327 = arith.constant 128 : i32
        %add3A_328 = arith.addi %mul3A_188, %add3A_327 : i32
        %add3A_329 = arith.constant 32 : i32
        %add3A_330 = arith.addi %add3A_328, %add3A_329 : i32
        %get3A_331 = arith.constant 2 : i32
        %get3A_332 = arith.index_cast %get3A_331 : i32 to index
        %get3A_333 = arith.index_cast %add3A_330 : i32 to index
        %get3A_334 = tpu.vector_load %arg5[%get3A_332, %get3A_333] {strides = array<i32>} : memref<8x2048xf32, #tpu.memory_space<vmem>>, vector<1x16xf32>,
        %get3A_335 = vector.shape_cast %get3A_334 : vector<1x16xf32> to vector<16xf32>
        %mul3A_336 = vector.broadcast %squeeze3A_326 : f32 to vector<16xf32>
        %mul3A_337 = arith.mulf %mul3A_336, %get3A_335 : vector<16xf32>
        %add3A_338 = arith.addf %add3A_284, %mul3A_337 : vector<16xf32>
        %slice3A_339 = vector.extract_strided_slice %get3A_192 {offsets = [11], sizes = [1], strides = [1]} : vector<16xf32> to vector<1xf32>
        %squeeze3A_340 = vector.extract %slice3A_339[0] : f32 from vector<1xf32>
        %add3A_341 = arith.constant 128 : i32
        %add3A_342 = arith.addi %mul3A_188, %add3A_341 : i32
        %add3A_343 = arith.constant 48 : i32
        %add3A_344 = arith.addi %add3A_342, %add3A_343 : i32
        %get3A_345 = arith.constant 2 : i32
        %get3A_346 = arith.index_cast %get3A_345 : i32 to index
        %get3A_347 = arith.index_cast %add3A_344 : i32 to index
        %get3A_348 = tpu.vector_load %arg5[%get3A_346, %get3A_347] {strides = array<i32>} : memref<8x2048xf32, #tpu.memory_space<vmem>>, vector<1x16xf32>,
        %get3A_349 = vector.shape_cast %get3A_348 : vector<1x16xf32> to vector<16xf32>
        %mul3A_350 = vector.broadcast %squeeze3A_340 : f32 to vector<16xf32>
        %mul3A_351 = arith.mulf %mul3A_350, %get3A_349 : vector<16xf32>
        %add3A_352 = arith.addf %add3A_298, %mul3A_351 : vector<16xf32>
        %slice3A_353 = vector.extract_strided_slice %get3A_192 {offsets = [12], sizes = [1], strides = [1]} : vector<16xf32> to vector<1xf32>
        %squeeze3A_354 = vector.extract %slice3A_353[0] : f32 from vector<1xf32>
        %add3A_355 = arith.constant 192 : i32
        %add3A_356 = arith.addi %mul3A_188, %add3A_355 : i32
        %get3A_357 = arith.constant 2 : i32
        %get3A_358 = arith.index_cast %get3A_357 : i32 to index
        %get3A_359 = arith.index_cast %add3A_356 : i32 to index
        %get3A_360 = tpu.vector_load %arg5[%get3A_358, %get3A_359] {strides = array<i32>} : memref<8x2048xf32, #tpu.memory_space<vmem>>, vector<1x16xf32>,
        %get3A_361 = vector.shape_cast %get3A_360 : vector<1x16xf32> to vector<16xf32>
        %mul3A_362 = vector.broadcast %squeeze3A_354 : f32 to vector<16xf32>
        %mul3A_363 = arith.mulf %mul3A_362, %get3A_361 : vector<16xf32>
        %add3A_364 = arith.addf %add3A_310, %mul3A_363 : vector<16xf32>
        %slice3A_365 = vector.extract_strided_slice %get3A_192 {offsets = [13], sizes = [1], strides = [1]} : vector<16xf32> to vector<1xf32>
        %squeeze3A_366 = vector.extract %slice3A_365[0] : f32 from vector<1xf32>
        %add3A_367 = arith.constant 192 : i32
        %add3A_368 = arith.addi %mul3A_188, %add3A_367 : i32
        %add3A_369 = arith.constant 16 : i32
        %add3A_370 = arith.addi %add3A_368, %add3A_369 : i32
        %get3A_371 = arith.constant 2 : i32
        %get3A_372 = arith.index_cast %get3A_371 : i32 to index
        %get3A_373 = arith.index_cast %add3A_370 : i32 to index
        %get3A_374 = tpu.vector_load %arg5[%get3A_372, %get3A_373] {strides = array<i32>} : memref<8x2048xf32, #tpu.memory_space<vmem>>, vector<1x16xf32>,
        %get3A_375 = vector.shape_cast %get3A_374 : vector<1x16xf32> to vector<16xf32>
        %mul3A_376 = vector.broadcast %squeeze3A_366 : f32 to vector<16xf32>
        %mul3A_377 = arith.mulf %mul3A_376, %get3A_375 : vector<16xf32>
        %add3A_378 = arith.addf %add3A_324, %mul3A_377 : vector<16xf32>
        %slice3A_379 = vector.extract_strided_slice %get3A_192 {offsets = [14], sizes = [1], strides = [1]} : vector<16xf32> to vector<1xf32>
        %squeeze3A_380 = vector.extract %slice3A_379[0] : f32 from vector<1xf32>
        %add3A_381 = arith.constant 192 : i32
        %add3A_382 = arith.addi %mul3A_188, %add3A_381 : i32
        %add3A_383 = arith.constant 32 : i32
        %add3A_384 = arith.addi %add3A_382, %add3A_383 : i32
        %get3A_385 = arith.constant 2 : i32
        %get3A_386 = arith.index_cast %get3A_385 : i32 to index
        %get3A_387 = arith.index_cast %add3A_384 : i32 to index
        %get3A_388 = tpu.vector_load %arg5[%get3A_386, %get3A_387] {strides = array<i32>} : memref<8x2048xf32, #tpu.memory_space<vmem>>, vector<1x16xf32>,
        %get3A_389 = vector.shape_cast %get3A_388 : vector<1x16xf32> to vector<16xf32>
        %mul3A_390 = vector.broadcast %squeeze3A_380 : f32 to vector<16xf32>
        %mul3A_391 = arith.mulf %mul3A_390, %get3A_389 : vector<16xf32>
        %add3A_392 = arith.addf %add3A_338, %mul3A_391 : vector<16xf32>
        %slice3A_393 = vector.extract_strided_slice %get3A_192 {offsets = [15], sizes = [1], strides = [1]} : vector<16xf32> to vector<1xf32>
        %squeeze3A_394 = vector.extract %slice3A_393[0] : f32 from vector<1xf32>
        %add3A_395 = arith.constant 192 : i32
        %add3A_396 = arith.addi %mul3A_188, %add3A_395 : i32
        %add3A_397 = arith.constant 48 : i32
        %add3A_398 = arith.addi %add3A_396, %add3A_397 : i32
        %get3A_399 = arith.constant 2 : i32
        %get3A_400 = arith.index_cast %get3A_399 : i32 to index
        %get3A_401 = arith.index_cast %add3A_398 : i32 to index
        %get3A_402 = tpu.vector_load %arg5[%get3A_400, %get3A_401] {strides = array<i32>} : memref<8x2048xf32, #tpu.memory_space<vmem>>, vector<1x16xf32>,
        %get3A_403 = vector.shape_cast %get3A_402 : vector<1x16xf32> to vector<16xf32>
        %mul3A_404 = vector.broadcast %squeeze3A_394 : f32 to vector<16xf32>
        %mul3A_405 = arith.mulf %mul3A_404, %get3A_403 : vector<16xf32>
        %add3A_406 = arith.addf %add3A_352, %mul3A_405 : vector<16xf32>
        scf.yield %add3A_364, %add3A_378, %add3A_392, %add3A_406 : vector<16xf32>, vector<16xf32>, vector<16xf32>, vector<16xf32>
      }
      %scan3A_61 = arith.constant 8 : i32
      %add3A_62 = arith.addf %scan3A_60#0, %scan3A_60#1 : vector<16xf32>
      %add3A_63 = arith.addf %scan3A_60#2, %scan3A_60#3 : vector<16xf32>
      %add3A_64 = arith.addf %add3A_62, %add3A_63 : vector<16xf32>
      %mul3A_65 = arith.constant 8 : i32
      %mul3A_66 = arith.muli %scan3A_10, %mul3A_65 : i32
      %add3A_67 = arith.constant 2 : i32
      %add3A_68 = arith.addi %mul3A_66, %add3A_67 : i32
      %mul3A_69 = arith.constant 16 : i32
      %mul3A_70 = arith.muli %add3A_68, %mul3A_69 : i32
      %swap3A_71 = arith.index_cast %mul3A_70 : i32 to index
      %swap3A_72 = tpu.vector_load %arg7[%swap3A_71] {strides = array<i32>} : memref<2048xf32, #tpu.memory_space<vmem>>, vector<16xf32>,
      %swap3A_73 = vector.shape_cast %swap3A_72 : vector<16xf32> to vector<16xf32>
      %swap3A_74 = vector.shape_cast %add3A_64 : vector<16xf32> to vector<16xf32>
      tpu.vector_store %arg7[%swap3A_71], %swap3A_74 {strides = array<i32>} : memref<2048xf32, #tpu.memory_space<vmem>>, vector<16xf32>,
      %broadcast_in_dim3A_75 = arith.constant 0.000000e+00 : f32
      %broadcast_in_dim3A_76 = vector.broadcast %broadcast_in_dim3A_75 : f32 to vector<16xf32>
      %scan3A_77 = arith.constant 0 : i32
      %scan3A_78 = arith.constant 8 : i32
      %scan3A_79 = arith.addi %scan3A_77, %scan3A_78 : i32
      %scan3A_80 = arith.constant 1 : i32
      %scan3A_81:4 = scf.for %scan3A_180 = %scan3A_77 to %scan3A_79 step %scan3A_80 iter_args(%scan3A_181 = %broadcast_in_dim3A_76, %scan3A_182 = %broadcast_in_dim3A_76, %scan3A_183 = %broadcast_in_dim3A_76, %scan3A_184 = %broadcast_in_dim3A_76) -> (vector<16xf32>, vector<16xf32>, vector<16xf32>, vector<16xf32>)  : i32 {
        %mul3A_185 = arith.constant 16 : i32
        %mul3A_186 = arith.muli %scan3A_180, %mul3A_185 : i32
        %mul3A_187 = arith.constant 256 : i32
        %mul3A_188 = arith.muli %scan3A_180, %mul3A_187 : i32
        %get3A = arith.constant 3 : i32
        %get3A_189 = arith.index_cast %get3A : i32 to index
        %get3A_190 = arith.index_cast %mul3A_186 : i32 to index
        %get3A_191 = tpu.vector_load %arg6[%get3A_189, %get3A_190] {strides = array<i32>} : memref<8x128xf32, #tpu.memory_space<vmem>>, vector<1x16xf32>,
        %get3A_192 = vector.shape_cast %get3A_191 : vector<1x16xf32> to vector<16xf32>
        %slice3A = vector.extract_strided_slice %get3A_192 {offsets = [0], sizes = [1], strides = [1]} : vector<16xf32> to vector<1xf32>
        %squeeze3A = vector.extract %slice3A[0] : f32 from vector<1xf32>
        %add3A_193 = arith.constant 0 : i32
        %add3A_194 = arith.addi %mul3A_188, %add3A_193 : i32
        %get3A_195 = arith.constant 3 : i32
        %get3A_196 = arith.index_cast %get3A_195 : i32 to index
        %get3A_197 = arith.index_cast %add3A_194 : i32 to index
        %get3A_198 = tpu.vector_load %arg5[%get3A_196, %get3A_197] {strides = array<i32>} : memref<8x2048xf32, #tpu.memory_space<vmem>>, vector<1x16xf32>,
        %get3A_199 = vector.shape_cast %get3A_198 : vector<1x16xf32> to vector<16xf32>
        %mul3A_200 = vector.broadcast %squeeze3A : f32 to vector<16xf32>
        %mul3A_201 = arith.mulf %mul3A_200, %get3A_199 : vector<16xf32>
        %add3A_202 = arith.addf %scan3A_181, %mul3A_201 : vector<16xf32>
        %slice3A_203 = vector.extract_strided_slice %get3A_192 {offsets = [1], sizes = [1], strides = [1]} : vector<16xf32> to vector<1xf32>
        %squeeze3A_204 = vector.extract %slice3A_203[0] : f32 from vector<1xf32>
        %add3A_205 = arith.constant 0 : i32
        %add3A_206 = arith.addi %mul3A_188, %add3A_205 : i32
        %add3A_207 = arith.constant 16 : i32
        %add3A_208 = arith.addi %add3A_206, %add3A_207 : i32
        %get3A_209 = arith.constant 3 : i32
        %get3A_210 = arith.index_cast %get3A_209 : i32 to index
        %get3A_211 = arith.index_cast %add3A_208 : i32 to index
        %get3A_212 = tpu.vector_load %arg5[%get3A_210, %get3A_211] {strides = array<i32>} : memref<8x2048xf32, #tpu.memory_space<vmem>>, vector<1x16xf32>,
        %get3A_213 = vector.shape_cast %get3A_212 : vector<1x16xf32> to vector<16xf32>
        %mul3A_214 = vector.broadcast %squeeze3A_204 : f32 to vector<16xf32>
        %mul3A_215 = arith.mulf %mul3A_214, %get3A_213 : vector<16xf32>
        %add3A_216 = arith.addf %scan3A_182, %mul3A_215 : vector<16xf32>
        %slice3A_217 = vector.extract_strided_slice %get3A_192 {offsets = [2], sizes = [1], strides = [1]} : vector<16xf32> to vector<1xf32>
        %squeeze3A_218 = vector.extract %slice3A_217[0] : f32 from vector<1xf32>
        %add3A_219 = arith.constant 0 : i32
        %add3A_220 = arith.addi %mul3A_188, %add3A_219 : i32
        %add3A_221 = arith.constant 32 : i32
        %add3A_222 = arith.addi %add3A_220, %add3A_221 : i32
        %get3A_223 = arith.constant 3 : i32
        %get3A_224 = arith.index_cast %get3A_223 : i32 to index
        %get3A_225 = arith.index_cast %add3A_222 : i32 to index
        %get3A_226 = tpu.vector_load %arg5[%get3A_224, %get3A_225] {strides = array<i32>} : memref<8x2048xf32, #tpu.memory_space<vmem>>, vector<1x16xf32>,
        %get3A_227 = vector.shape_cast %get3A_226 : vector<1x16xf32> to vector<16xf32>
        %mul3A_228 = vector.broadcast %squeeze3A_218 : f32 to vector<16xf32>
        %mul3A_229 = arith.mulf %mul3A_228, %get3A_227 : vector<16xf32>
        %add3A_230 = arith.addf %scan3A_183, %mul3A_229 : vector<16xf32>
        %slice3A_231 = vector.extract_strided_slice %get3A_192 {offsets = [3], sizes = [1], strides = [1]} : vector<16xf32> to vector<1xf32>
        %squeeze3A_232 = vector.extract %slice3A_231[0] : f32 from vector<1xf32>
        %add3A_233 = arith.constant 0 : i32
        %add3A_234 = arith.addi %mul3A_188, %add3A_233 : i32
        %add3A_235 = arith.constant 48 : i32
        %add3A_236 = arith.addi %add3A_234, %add3A_235 : i32
        %get3A_237 = arith.constant 3 : i32
        %get3A_238 = arith.index_cast %get3A_237 : i32 to index
        %get3A_239 = arith.index_cast %add3A_236 : i32 to index
        %get3A_240 = tpu.vector_load %arg5[%get3A_238, %get3A_239] {strides = array<i32>} : memref<8x2048xf32, #tpu.memory_space<vmem>>, vector<1x16xf32>,
        %get3A_241 = vector.shape_cast %get3A_240 : vector<1x16xf32> to vector<16xf32>
        %mul3A_242 = vector.broadcast %squeeze3A_232 : f32 to vector<16xf32>
        %mul3A_243 = arith.mulf %mul3A_242, %get3A_241 : vector<16xf32>
        %add3A_244 = arith.addf %scan3A_184, %mul3A_243 : vector<16xf32>
        %slice3A_245 = vector.extract_strided_slice %get3A_192 {offsets = [4], sizes = [1], strides = [1]} : vector<16xf32> to vector<1xf32>
        %squeeze3A_246 = vector.extract %slice3A_245[0] : f32 from vector<1xf32>
        %add3A_247 = arith.constant 64 : i32
        %add3A_248 = arith.addi %mul3A_188, %add3A_247 : i32
        %get3A_249 = arith.constant 3 : i32
        %get3A_250 = arith.index_cast %get3A_249 : i32 to index
        %get3A_251 = arith.index_cast %add3A_248 : i32 to index
        %get3A_252 = tpu.vector_load %arg5[%get3A_250, %get3A_251] {strides = array<i32>} : memref<8x2048xf32, #tpu.memory_space<vmem>>, vector<1x16xf32>,
        %get3A_253 = vector.shape_cast %get3A_252 : vector<1x16xf32> to vector<16xf32>
        %mul3A_254 = vector.broadcast %squeeze3A_246 : f32 to vector<16xf32>
        %mul3A_255 = arith.mulf %mul3A_254, %get3A_253 : vector<16xf32>
        %add3A_256 = arith.addf %add3A_202, %mul3A_255 : vector<16xf32>
        %slice3A_257 = vector.extract_strided_slice %get3A_192 {offsets = [5], sizes = [1], strides = [1]} : vector<16xf32> to vector<1xf32>
        %squeeze3A_258 = vector.extract %slice3A_257[0] : f32 from vector<1xf32>
        %add3A_259 = arith.constant 64 : i32
        %add3A_260 = arith.addi %mul3A_188, %add3A_259 : i32
        %add3A_261 = arith.constant 16 : i32
        %add3A_262 = arith.addi %add3A_260, %add3A_261 : i32
        %get3A_263 = arith.constant 3 : i32
        %get3A_264 = arith.index_cast %get3A_263 : i32 to index
        %get3A_265 = arith.index_cast %add3A_262 : i32 to index
        %get3A_266 = tpu.vector_load %arg5[%get3A_264, %get3A_265] {strides = array<i32>} : memref<8x2048xf32, #tpu.memory_space<vmem>>, vector<1x16xf32>,
        %get3A_267 = vector.shape_cast %get3A_266 : vector<1x16xf32> to vector<16xf32>
        %mul3A_268 = vector.broadcast %squeeze3A_258 : f32 to vector<16xf32>
        %mul3A_269 = arith.mulf %mul3A_268, %get3A_267 : vector<16xf32>
        %add3A_270 = arith.addf %add3A_216, %mul3A_269 : vector<16xf32>
        %slice3A_271 = vector.extract_strided_slice %get3A_192 {offsets = [6], sizes = [1], strides = [1]} : vector<16xf32> to vector<1xf32>
        %squeeze3A_272 = vector.extract %slice3A_271[0] : f32 from vector<1xf32>
        %add3A_273 = arith.constant 64 : i32
        %add3A_274 = arith.addi %mul3A_188, %add3A_273 : i32
        %add3A_275 = arith.constant 32 : i32
        %add3A_276 = arith.addi %add3A_274, %add3A_275 : i32
        %get3A_277 = arith.constant 3 : i32
        %get3A_278 = arith.index_cast %get3A_277 : i32 to index
        %get3A_279 = arith.index_cast %add3A_276 : i32 to index
        %get3A_280 = tpu.vector_load %arg5[%get3A_278, %get3A_279] {strides = array<i32>} : memref<8x2048xf32, #tpu.memory_space<vmem>>, vector<1x16xf32>,
        %get3A_281 = vector.shape_cast %get3A_280 : vector<1x16xf32> to vector<16xf32>
        %mul3A_282 = vector.broadcast %squeeze3A_272 : f32 to vector<16xf32>
        %mul3A_283 = arith.mulf %mul3A_282, %get3A_281 : vector<16xf32>
        %add3A_284 = arith.addf %add3A_230, %mul3A_283 : vector<16xf32>
        %slice3A_285 = vector.extract_strided_slice %get3A_192 {offsets = [7], sizes = [1], strides = [1]} : vector<16xf32> to vector<1xf32>
        %squeeze3A_286 = vector.extract %slice3A_285[0] : f32 from vector<1xf32>
        %add3A_287 = arith.constant 64 : i32
        %add3A_288 = arith.addi %mul3A_188, %add3A_287 : i32
        %add3A_289 = arith.constant 48 : i32
        %add3A_290 = arith.addi %add3A_288, %add3A_289 : i32
        %get3A_291 = arith.constant 3 : i32
        %get3A_292 = arith.index_cast %get3A_291 : i32 to index
        %get3A_293 = arith.index_cast %add3A_290 : i32 to index
        %get3A_294 = tpu.vector_load %arg5[%get3A_292, %get3A_293] {strides = array<i32>} : memref<8x2048xf32, #tpu.memory_space<vmem>>, vector<1x16xf32>,
        %get3A_295 = vector.shape_cast %get3A_294 : vector<1x16xf32> to vector<16xf32>
        %mul3A_296 = vector.broadcast %squeeze3A_286 : f32 to vector<16xf32>
        %mul3A_297 = arith.mulf %mul3A_296, %get3A_295 : vector<16xf32>
        %add3A_298 = arith.addf %add3A_244, %mul3A_297 : vector<16xf32>
        %slice3A_299 = vector.extract_strided_slice %get3A_192 {offsets = [8], sizes = [1], strides = [1]} : vector<16xf32> to vector<1xf32>
        %squeeze3A_300 = vector.extract %slice3A_299[0] : f32 from vector<1xf32>
        %add3A_301 = arith.constant 128 : i32
        %add3A_302 = arith.addi %mul3A_188, %add3A_301 : i32
        %get3A_303 = arith.constant 3 : i32
        %get3A_304 = arith.index_cast %get3A_303 : i32 to index
        %get3A_305 = arith.index_cast %add3A_302 : i32 to index
        %get3A_306 = tpu.vector_load %arg5[%get3A_304, %get3A_305] {strides = array<i32>} : memref<8x2048xf32, #tpu.memory_space<vmem>>, vector<1x16xf32>,
        %get3A_307 = vector.shape_cast %get3A_306 : vector<1x16xf32> to vector<16xf32>
        %mul3A_308 = vector.broadcast %squeeze3A_300 : f32 to vector<16xf32>
        %mul3A_309 = arith.mulf %mul3A_308, %get3A_307 : vector<16xf32>
        %add3A_310 = arith.addf %add3A_256, %mul3A_309 : vector<16xf32>
        %slice3A_311 = vector.extract_strided_slice %get3A_192 {offsets = [9], sizes = [1], strides = [1]} : vector<16xf32> to vector<1xf32>
        %squeeze3A_312 = vector.extract %slice3A_311[0] : f32 from vector<1xf32>
        %add3A_313 = arith.constant 128 : i32
        %add3A_314 = arith.addi %mul3A_188, %add3A_313 : i32
        %add3A_315 = arith.constant 16 : i32
        %add3A_316 = arith.addi %add3A_314, %add3A_315 : i32
        %get3A_317 = arith.constant 3 : i32
        %get3A_318 = arith.index_cast %get3A_317 : i32 to index
        %get3A_319 = arith.index_cast %add3A_316 : i32 to index
        %get3A_320 = tpu.vector_load %arg5[%get3A_318, %get3A_319] {strides = array<i32>} : memref<8x2048xf32, #tpu.memory_space<vmem>>, vector<1x16xf32>,
        %get3A_321 = vector.shape_cast %get3A_320 : vector<1x16xf32> to vector<16xf32>
        %mul3A_322 = vector.broadcast %squeeze3A_312 : f32 to vector<16xf32>
        %mul3A_323 = arith.mulf %mul3A_322, %get3A_321 : vector<16xf32>
        %add3A_324 = arith.addf %add3A_270, %mul3A_323 : vector<16xf32>
        %slice3A_325 = vector.extract_strided_slice %get3A_192 {offsets = [10], sizes = [1], strides = [1]} : vector<16xf32> to vector<1xf32>
        %squeeze3A_326 = vector.extract %slice3A_325[0] : f32 from vector<1xf32>
        %add3A_327 = arith.constant 128 : i32
        %add3A_328 = arith.addi %mul3A_188, %add3A_327 : i32
        %add3A_329 = arith.constant 32 : i32
        %add3A_330 = arith.addi %add3A_328, %add3A_329 : i32
        %get3A_331 = arith.constant 3 : i32
        %get3A_332 = arith.index_cast %get3A_331 : i32 to index
        %get3A_333 = arith.index_cast %add3A_330 : i32 to index
        %get3A_334 = tpu.vector_load %arg5[%get3A_332, %get3A_333] {strides = array<i32>} : memref<8x2048xf32, #tpu.memory_space<vmem>>, vector<1x16xf32>,
        %get3A_335 = vector.shape_cast %get3A_334 : vector<1x16xf32> to vector<16xf32>
        %mul3A_336 = vector.broadcast %squeeze3A_326 : f32 to vector<16xf32>
        %mul3A_337 = arith.mulf %mul3A_336, %get3A_335 : vector<16xf32>
        %add3A_338 = arith.addf %add3A_284, %mul3A_337 : vector<16xf32>
        %slice3A_339 = vector.extract_strided_slice %get3A_192 {offsets = [11], sizes = [1], strides = [1]} : vector<16xf32> to vector<1xf32>
        %squeeze3A_340 = vector.extract %slice3A_339[0] : f32 from vector<1xf32>
        %add3A_341 = arith.constant 128 : i32
        %add3A_342 = arith.addi %mul3A_188, %add3A_341 : i32
        %add3A_343 = arith.constant 48 : i32
        %add3A_344 = arith.addi %add3A_342, %add3A_343 : i32
        %get3A_345 = arith.constant 3 : i32
        %get3A_346 = arith.index_cast %get3A_345 : i32 to index
        %get3A_347 = arith.index_cast %add3A_344 : i32 to index
        %get3A_348 = tpu.vector_load %arg5[%get3A_346, %get3A_347] {strides = array<i32>} : memref<8x2048xf32, #tpu.memory_space<vmem>>, vector<1x16xf32>,
        %get3A_349 = vector.shape_cast %get3A_348 : vector<1x16xf32> to vector<16xf32>
        %mul3A_350 = vector.broadcast %squeeze3A_340 : f32 to vector<16xf32>
        %mul3A_351 = arith.mulf %mul3A_350, %get3A_349 : vector<16xf32>
        %add3A_352 = arith.addf %add3A_298, %mul3A_351 : vector<16xf32>
        %slice3A_353 = vector.extract_strided_slice %get3A_192 {offsets = [12], sizes = [1], strides = [1]} : vector<16xf32> to vector<1xf32>
        %squeeze3A_354 = vector.extract %slice3A_353[0] : f32 from vector<1xf32>
        %add3A_355 = arith.constant 192 : i32
        %add3A_356 = arith.addi %mul3A_188, %add3A_355 : i32
        %get3A_357 = arith.constant 3 : i32
        %get3A_358 = arith.index_cast %get3A_357 : i32 to index
        %get3A_359 = arith.index_cast %add3A_356 : i32 to index
        %get3A_360 = tpu.vector_load %arg5[%get3A_358, %get3A_359] {strides = array<i32>} : memref<8x2048xf32, #tpu.memory_space<vmem>>, vector<1x16xf32>,
        %get3A_361 = vector.shape_cast %get3A_360 : vector<1x16xf32> to vector<16xf32>
        %mul3A_362 = vector.broadcast %squeeze3A_354 : f32 to vector<16xf32>
        %mul3A_363 = arith.mulf %mul3A_362, %get3A_361 : vector<16xf32>
        %add3A_364 = arith.addf %add3A_310, %mul3A_363 : vector<16xf32>
        %slice3A_365 = vector.extract_strided_slice %get3A_192 {offsets = [13], sizes = [1], strides = [1]} : vector<16xf32> to vector<1xf32>
        %squeeze3A_366 = vector.extract %slice3A_365[0] : f32 from vector<1xf32>
        %add3A_367 = arith.constant 192 : i32
        %add3A_368 = arith.addi %mul3A_188, %add3A_367 : i32
        %add3A_369 = arith.constant 16 : i32
        %add3A_370 = arith.addi %add3A_368, %add3A_369 : i32
        %get3A_371 = arith.constant 3 : i32
        %get3A_372 = arith.index_cast %get3A_371 : i32 to index
        %get3A_373 = arith.index_cast %add3A_370 : i32 to index
        %get3A_374 = tpu.vector_load %arg5[%get3A_372, %get3A_373] {strides = array<i32>} : memref<8x2048xf32, #tpu.memory_space<vmem>>, vector<1x16xf32>,
        %get3A_375 = vector.shape_cast %get3A_374 : vector<1x16xf32> to vector<16xf32>
        %mul3A_376 = vector.broadcast %squeeze3A_366 : f32 to vector<16xf32>
        %mul3A_377 = arith.mulf %mul3A_376, %get3A_375 : vector<16xf32>
        %add3A_378 = arith.addf %add3A_324, %mul3A_377 : vector<16xf32>
        %slice3A_379 = vector.extract_strided_slice %get3A_192 {offsets = [14], sizes = [1], strides = [1]} : vector<16xf32> to vector<1xf32>
        %squeeze3A_380 = vector.extract %slice3A_379[0] : f32 from vector<1xf32>
        %add3A_381 = arith.constant 192 : i32
        %add3A_382 = arith.addi %mul3A_188, %add3A_381 : i32
        %add3A_383 = arith.constant 32 : i32
        %add3A_384 = arith.addi %add3A_382, %add3A_383 : i32
        %get3A_385 = arith.constant 3 : i32
        %get3A_386 = arith.index_cast %get3A_385 : i32 to index
        %get3A_387 = arith.index_cast %add3A_384 : i32 to index
        %get3A_388 = tpu.vector_load %arg5[%get3A_386, %get3A_387] {strides = array<i32>} : memref<8x2048xf32, #tpu.memory_space<vmem>>, vector<1x16xf32>,
        %get3A_389 = vector.shape_cast %get3A_388 : vector<1x16xf32> to vector<16xf32>
        %mul3A_390 = vector.broadcast %squeeze3A_380 : f32 to vector<16xf32>
        %mul3A_391 = arith.mulf %mul3A_390, %get3A_389 : vector<16xf32>
        %add3A_392 = arith.addf %add3A_338, %mul3A_391 : vector<16xf32>
        %slice3A_393 = vector.extract_strided_slice %get3A_192 {offsets = [15], sizes = [1], strides = [1]} : vector<16xf32> to vector<1xf32>
        %squeeze3A_394 = vector.extract %slice3A_393[0] : f32 from vector<1xf32>
        %add3A_395 = arith.constant 192 : i32
        %add3A_396 = arith.addi %mul3A_188, %add3A_395 : i32
        %add3A_397 = arith.constant 48 : i32
        %add3A_398 = arith.addi %add3A_396, %add3A_397 : i32
        %get3A_399 = arith.constant 3 : i32
        %get3A_400 = arith.index_cast %get3A_399 : i32 to index
        %get3A_401 = arith.index_cast %add3A_398 : i32 to index
        %get3A_402 = tpu.vector_load %arg5[%get3A_400, %get3A_401] {strides = array<i32>} : memref<8x2048xf32, #tpu.memory_space<vmem>>, vector<1x16xf32>,
        %get3A_403 = vector.shape_cast %get3A_402 : vector<1x16xf32> to vector<16xf32>
        %mul3A_404 = vector.broadcast %squeeze3A_394 : f32 to vector<16xf32>
        %mul3A_405 = arith.mulf %mul3A_404, %get3A_403 : vector<16xf32>
        %add3A_406 = arith.addf %add3A_352, %mul3A_405 : vector<16xf32>
        scf.yield %add3A_364, %add3A_378, %add3A_392, %add3A_406 : vector<16xf32>, vector<16xf32>, vector<16xf32>, vector<16xf32>
      }
      %scan3A_82 = arith.constant 8 : i32
      %add3A_83 = arith.addf %scan3A_81#0, %scan3A_81#1 : vector<16xf32>
      %add3A_84 = arith.addf %scan3A_81#2, %scan3A_81#3 : vector<16xf32>
      %add3A_85 = arith.addf %add3A_83, %add3A_84 : vector<16xf32>
      %mul3A_86 = arith.constant 8 : i32
      %mul3A_87 = arith.muli %scan3A_10, %mul3A_86 : i32
      %add3A_88 = arith.constant 3 : i32
      %add3A_89 = arith.addi %mul3A_87, %add3A_88 : i32
      %mul3A_90 = arith.constant 16 : i32
      %mul3A_91 = arith.muli %add3A_89, %mul3A_90 : i32
      %swap3A_92 = arith.index_cast %mul3A_91 : i32 to index
      %swap3A_93 = tpu.vector_load %arg7[%swap3A_92] {strides = array<i32>} : memref<2048xf32, #tpu.memory_space<vmem>>, vector<16xf32>,
      %swap3A_94 = vector.shape_cast %swap3A_93 : vector<16xf32> to vector<16xf32>
      %swap3A_95 = vector.shape_cast %add3A_85 : vector<16xf32> to vector<16xf32>
      tpu.vector_store %arg7[%swap3A_92], %swap3A_95 {strides = array<i32>} : memref<2048xf32, #tpu.memory_space<vmem>>, vector<16xf32>,
      %broadcast_in_dim3A_96 = arith.constant 0.000000e+00 : f32
      %broadcast_in_dim3A_97 = vector.broadcast %broadcast_in_dim3A_96 : f32 to vector<16xf32>
      %scan3A_98 = arith.constant 0 : i32
      %scan3A_99 = arith.constant 8 : i32
      %scan3A_100 = arith.addi %scan3A_98, %scan3A_99 : i32
      %scan3A_101 = arith.constant 1 : i32
      %scan3A_102:4 = scf.for %scan3A_180 = %scan3A_98 to %scan3A_100 step %scan3A_101 iter_args(%scan3A_181 = %broadcast_in_dim3A_97, %scan3A_182 = %broadcast_in_dim3A_97, %scan3A_183 = %broadcast_in_dim3A_97, %scan3A_184 = %broadcast_in_dim3A_97) -> (vector<16xf32>, vector<16xf32>, vector<16xf32>, vector<16xf32>)  : i32 {
        %mul3A_185 = arith.constant 16 : i32
        %mul3A_186 = arith.muli %scan3A_180, %mul3A_185 : i32
        %mul3A_187 = arith.constant 256 : i32
        %mul3A_188 = arith.muli %scan3A_180, %mul3A_187 : i32
        %get3A = arith.constant 4 : i32
        %get3A_189 = arith.index_cast %get3A : i32 to index
        %get3A_190 = arith.index_cast %mul3A_186 : i32 to index
        %get3A_191 = tpu.vector_load %arg6[%get3A_189, %get3A_190] {strides = array<i32>} : memref<8x128xf32, #tpu.memory_space<vmem>>, vector<1x16xf32>,
        %get3A_192 = vector.shape_cast %get3A_191 : vector<1x16xf32> to vector<16xf32>
        %slice3A = vector.extract_strided_slice %get3A_192 {offsets = [0], sizes = [1], strides = [1]} : vector<16xf32> to vector<1xf32>
        %squeeze3A = vector.extract %slice3A[0] : f32 from vector<1xf32>
        %add3A_193 = arith.constant 0 : i32
        %add3A_194 = arith.addi %mul3A_188, %add3A_193 : i32
        %get3A_195 = arith.constant 4 : i32
        %get3A_196 = arith.index_cast %get3A_195 : i32 to index
        %get3A_197 = arith.index_cast %add3A_194 : i32 to index
        %get3A_198 = tpu.vector_load %arg5[%get3A_196, %get3A_197] {strides = array<i32>} : memref<8x2048xf32, #tpu.memory_space<vmem>>, vector<1x16xf32>,
        %get3A_199 = vector.shape_cast %get3A_198 : vector<1x16xf32> to vector<16xf32>
        %mul3A_200 = vector.broadcast %squeeze3A : f32 to vector<16xf32>
        %mul3A_201 = arith.mulf %mul3A_200, %get3A_199 : vector<16xf32>
        %add3A_202 = arith.addf %scan3A_181, %mul3A_201 : vector<16xf32>
        %slice3A_203 = vector.extract_strided_slice %get3A_192 {offsets = [1], sizes = [1], strides = [1]} : vector<16xf32> to vector<1xf32>
        %squeeze3A_204 = vector.extract %slice3A_203[0] : f32 from vector<1xf32>
        %add3A_205 = arith.constant 0 : i32
        %add3A_206 = arith.addi %mul3A_188, %add3A_205 : i32
        %add3A_207 = arith.constant 16 : i32
        %add3A_208 = arith.addi %add3A_206, %add3A_207 : i32
        %get3A_209 = arith.constant 4 : i32
        %get3A_210 = arith.index_cast %get3A_209 : i32 to index
        %get3A_211 = arith.index_cast %add3A_208 : i32 to index
        %get3A_212 = tpu.vector_load %arg5[%get3A_210, %get3A_211] {strides = array<i32>} : memref<8x2048xf32, #tpu.memory_space<vmem>>, vector<1x16xf32>,
        %get3A_213 = vector.shape_cast %get3A_212 : vector<1x16xf32> to vector<16xf32>
        %mul3A_214 = vector.broadcast %squeeze3A_204 : f32 to vector<16xf32>
        %mul3A_215 = arith.mulf %mul3A_214, %get3A_213 : vector<16xf32>
        %add3A_216 = arith.addf %scan3A_182, %mul3A_215 : vector<16xf32>
        %slice3A_217 = vector.extract_strided_slice %get3A_192 {offsets = [2], sizes = [1], strides = [1]} : vector<16xf32> to vector<1xf32>
        %squeeze3A_218 = vector.extract %slice3A_217[0] : f32 from vector<1xf32>
        %add3A_219 = arith.constant 0 : i32
        %add3A_220 = arith.addi %mul3A_188, %add3A_219 : i32
        %add3A_221 = arith.constant 32 : i32
        %add3A_222 = arith.addi %add3A_220, %add3A_221 : i32
        %get3A_223 = arith.constant 4 : i32
        %get3A_224 = arith.index_cast %get3A_223 : i32 to index
        %get3A_225 = arith.index_cast %add3A_222 : i32 to index
        %get3A_226 = tpu.vector_load %arg5[%get3A_224, %get3A_225] {strides = array<i32>} : memref<8x2048xf32, #tpu.memory_space<vmem>>, vector<1x16xf32>,
        %get3A_227 = vector.shape_cast %get3A_226 : vector<1x16xf32> to vector<16xf32>
        %mul3A_228 = vector.broadcast %squeeze3A_218 : f32 to vector<16xf32>
        %mul3A_229 = arith.mulf %mul3A_228, %get3A_227 : vector<16xf32>
        %add3A_230 = arith.addf %scan3A_183, %mul3A_229 : vector<16xf32>
        %slice3A_231 = vector.extract_strided_slice %get3A_192 {offsets = [3], sizes = [1], strides = [1]} : vector<16xf32> to vector<1xf32>
        %squeeze3A_232 = vector.extract %slice3A_231[0] : f32 from vector<1xf32>
        %add3A_233 = arith.constant 0 : i32
        %add3A_234 = arith.addi %mul3A_188, %add3A_233 : i32
        %add3A_235 = arith.constant 48 : i32
        %add3A_236 = arith.addi %add3A_234, %add3A_235 : i32
        %get3A_237 = arith.constant 4 : i32
        %get3A_238 = arith.index_cast %get3A_237 : i32 to index
        %get3A_239 = arith.index_cast %add3A_236 : i32 to index
        %get3A_240 = tpu.vector_load %arg5[%get3A_238, %get3A_239] {strides = array<i32>} : memref<8x2048xf32, #tpu.memory_space<vmem>>, vector<1x16xf32>,
        %get3A_241 = vector.shape_cast %get3A_240 : vector<1x16xf32> to vector<16xf32>
        %mul3A_242 = vector.broadcast %squeeze3A_232 : f32 to vector<16xf32>
        %mul3A_243 = arith.mulf %mul3A_242, %get3A_241 : vector<16xf32>
        %add3A_244 = arith.addf %scan3A_184, %mul3A_243 : vector<16xf32>
        %slice3A_245 = vector.extract_strided_slice %get3A_192 {offsets = [4], sizes = [1], strides = [1]} : vector<16xf32> to vector<1xf32>
        %squeeze3A_246 = vector.extract %slice3A_245[0] : f32 from vector<1xf32>
        %add3A_247 = arith.constant 64 : i32
        %add3A_248 = arith.addi %mul3A_188, %add3A_247 : i32
        %get3A_249 = arith.constant 4 : i32
        %get3A_250 = arith.index_cast %get3A_249 : i32 to index
        %get3A_251 = arith.index_cast %add3A_248 : i32 to index
        %get3A_252 = tpu.vector_load %arg5[%get3A_250, %get3A_251] {strides = array<i32>} : memref<8x2048xf32, #tpu.memory_space<vmem>>, vector<1x16xf32>,
        %get3A_253 = vector.shape_cast %get3A_252 : vector<1x16xf32> to vector<16xf32>
        %mul3A_254 = vector.broadcast %squeeze3A_246 : f32 to vector<16xf32>
        %mul3A_255 = arith.mulf %mul3A_254, %get3A_253 : vector<16xf32>
        %add3A_256 = arith.addf %add3A_202, %mul3A_255 : vector<16xf32>
        %slice3A_257 = vector.extract_strided_slice %get3A_192 {offsets = [5], sizes = [1], strides = [1]} : vector<16xf32> to vector<1xf32>
        %squeeze3A_258 = vector.extract %slice3A_257[0] : f32 from vector<1xf32>
        %add3A_259 = arith.constant 64 : i32
        %add3A_260 = arith.addi %mul3A_188, %add3A_259 : i32
        %add3A_261 = arith.constant 16 : i32
        %add3A_262 = arith.addi %add3A_260, %add3A_261 : i32
        %get3A_263 = arith.constant 4 : i32
        %get3A_264 = arith.index_cast %get3A_263 : i32 to index
        %get3A_265 = arith.index_cast %add3A_262 : i32 to index
        %get3A_266 = tpu.vector_load %arg5[%get3A_264, %get3A_265] {strides = array<i32>} : memref<8x2048xf32, #tpu.memory_space<vmem>>, vector<1x16xf32>,
        %get3A_267 = vector.shape_cast %get3A_266 : vector<1x16xf32> to vector<16xf32>
        %mul3A_268 = vector.broadcast %squeeze3A_258 : f32 to vector<16xf32>
        %mul3A_269 = arith.mulf %mul3A_268, %get3A_267 : vector<16xf32>
        %add3A_270 = arith.addf %add3A_216, %mul3A_269 : vector<16xf32>
        %slice3A_271 = vector.extract_strided_slice %get3A_192 {offsets = [6], sizes = [1], strides = [1]} : vector<16xf32> to vector<1xf32>
        %squeeze3A_272 = vector.extract %slice3A_271[0] : f32 from vector<1xf32>
        %add3A_273 = arith.constant 64 : i32
        %add3A_274 = arith.addi %mul3A_188, %add3A_273 : i32
        %add3A_275 = arith.constant 32 : i32
        %add3A_276 = arith.addi %add3A_274, %add3A_275 : i32
        %get3A_277 = arith.constant 4 : i32
        %get3A_278 = arith.index_cast %get3A_277 : i32 to index
        %get3A_279 = arith.index_cast %add3A_276 : i32 to index
        %get3A_280 = tpu.vector_load %arg5[%get3A_278, %get3A_279] {strides = array<i32>} : memref<8x2048xf32, #tpu.memory_space<vmem>>, vector<1x16xf32>,
        %get3A_281 = vector.shape_cast %get3A_280 : vector<1x16xf32> to vector<16xf32>
        %mul3A_282 = vector.broadcast %squeeze3A_272 : f32 to vector<16xf32>
        %mul3A_283 = arith.mulf %mul3A_282, %get3A_281 : vector<16xf32>
        %add3A_284 = arith.addf %add3A_230, %mul3A_283 : vector<16xf32>
        %slice3A_285 = vector.extract_strided_slice %get3A_192 {offsets = [7], sizes = [1], strides = [1]} : vector<16xf32> to vector<1xf32>
        %squeeze3A_286 = vector.extract %slice3A_285[0] : f32 from vector<1xf32>
        %add3A_287 = arith.constant 64 : i32
        %add3A_288 = arith.addi %mul3A_188, %add3A_287 : i32
        %add3A_289 = arith.constant 48 : i32
        %add3A_290 = arith.addi %add3A_288, %add3A_289 : i32
        %get3A_291 = arith.constant 4 : i32
        %get3A_292 = arith.index_cast %get3A_291 : i32 to index
        %get3A_293 = arith.index_cast %add3A_290 : i32 to index
        %get3A_294 = tpu.vector_load %arg5[%get3A_292, %get3A_293] {strides = array<i32>} : memref<8x2048xf32, #tpu.memory_space<vmem>>, vector<1x16xf32>,
        %get3A_295 = vector.shape_cast %get3A_294 : vector<1x16xf32> to vector<16xf32>
        %mul3A_296 = vector.broadcast %squeeze3A_286 : f32 to vector<16xf32>
        %mul3A_297 = arith.mulf %mul3A_296, %get3A_295 : vector<16xf32>
        %add3A_298 = arith.addf %add3A_244, %mul3A_297 : vector<16xf32>
        %slice3A_299 = vector.extract_strided_slice %get3A_192 {offsets = [8], sizes = [1], strides = [1]} : vector<16xf32> to vector<1xf32>
        %squeeze3A_300 = vector.extract %slice3A_299[0] : f32 from vector<1xf32>
        %add3A_301 = arith.constant 128 : i32
        %add3A_302 = arith.addi %mul3A_188, %add3A_301 : i32
        %get3A_303 = arith.constant 4 : i32
        %get3A_304 = arith.index_cast %get3A_303 : i32 to index
        %get3A_305 = arith.index_cast %add3A_302 : i32 to index
        %get3A_306 = tpu.vector_load %arg5[%get3A_304, %get3A_305] {strides = array<i32>} : memref<8x2048xf32, #tpu.memory_space<vmem>>, vector<1x16xf32>,
        %get3A_307 = vector.shape_cast %get3A_306 : vector<1x16xf32> to vector<16xf32>
        %mul3A_308 = vector.broadcast %squeeze3A_300 : f32 to vector<16xf32>
        %mul3A_309 = arith.mulf %mul3A_308, %get3A_307 : vector<16xf32>
        %add3A_310 = arith.addf %add3A_256, %mul3A_309 : vector<16xf32>
        %slice3A_311 = vector.extract_strided_slice %get3A_192 {offsets = [9], sizes = [1], strides = [1]} : vector<16xf32> to vector<1xf32>
        %squeeze3A_312 = vector.extract %slice3A_311[0] : f32 from vector<1xf32>
        %add3A_313 = arith.constant 128 : i32
        %add3A_314 = arith.addi %mul3A_188, %add3A_313 : i32
        %add3A_315 = arith.constant 16 : i32
        %add3A_316 = arith.addi %add3A_314, %add3A_315 : i32
        %get3A_317 = arith.constant 4 : i32
        %get3A_318 = arith.index_cast %get3A_317 : i32 to index
        %get3A_319 = arith.index_cast %add3A_316 : i32 to index
        %get3A_320 = tpu.vector_load %arg5[%get3A_318, %get3A_319] {strides = array<i32>} : memref<8x2048xf32, #tpu.memory_space<vmem>>, vector<1x16xf32>,
        %get3A_321 = vector.shape_cast %get3A_320 : vector<1x16xf32> to vector<16xf32>
        %mul3A_322 = vector.broadcast %squeeze3A_312 : f32 to vector<16xf32>
        %mul3A_323 = arith.mulf %mul3A_322, %get3A_321 : vector<16xf32>
        %add3A_324 = arith.addf %add3A_270, %mul3A_323 : vector<16xf32>
        %slice3A_325 = vector.extract_strided_slice %get3A_192 {offsets = [10], sizes = [1], strides = [1]} : vector<16xf32> to vector<1xf32>
        %squeeze3A_326 = vector.extract %slice3A_325[0] : f32 from vector<1xf32>
        %add3A_327 = arith.constant 128 : i32
        %add3A_328 = arith.addi %mul3A_188, %add3A_327 : i32
        %add3A_329 = arith.constant 32 : i32
        %add3A_330 = arith.addi %add3A_328, %add3A_329 : i32
        %get3A_331 = arith.constant 4 : i32
        %get3A_332 = arith.index_cast %get3A_331 : i32 to index
        %get3A_333 = arith.index_cast %add3A_330 : i32 to index
        %get3A_334 = tpu.vector_load %arg5[%get3A_332, %get3A_333] {strides = array<i32>} : memref<8x2048xf32, #tpu.memory_space<vmem>>, vector<1x16xf32>,
        %get3A_335 = vector.shape_cast %get3A_334 : vector<1x16xf32> to vector<16xf32>
        %mul3A_336 = vector.broadcast %squeeze3A_326 : f32 to vector<16xf32>
        %mul3A_337 = arith.mulf %mul3A_336, %get3A_335 : vector<16xf32>
        %add3A_338 = arith.addf %add3A_284, %mul3A_337 : vector<16xf32>
        %slice3A_339 = vector.extract_strided_slice %get3A_192 {offsets = [11], sizes = [1], strides = [1]} : vector<16xf32> to vector<1xf32>
        %squeeze3A_340 = vector.extract %slice3A_339[0] : f32 from vector<1xf32>
        %add3A_341 = arith.constant 128 : i32
        %add3A_342 = arith.addi %mul3A_188, %add3A_341 : i32
        %add3A_343 = arith.constant 48 : i32
        %add3A_344 = arith.addi %add3A_342, %add3A_343 : i32
        %get3A_345 = arith.constant 4 : i32
        %get3A_346 = arith.index_cast %get3A_345 : i32 to index
        %get3A_347 = arith.index_cast %add3A_344 : i32 to index
        %get3A_348 = tpu.vector_load %arg5[%get3A_346, %get3A_347] {strides = array<i32>} : memref<8x2048xf32, #tpu.memory_space<vmem>>, vector<1x16xf32>,
        %get3A_349 = vector.shape_cast %get3A_348 : vector<1x16xf32> to vector<16xf32>
        %mul3A_350 = vector.broadcast %squeeze3A_340 : f32 to vector<16xf32>
        %mul3A_351 = arith.mulf %mul3A_350, %get3A_349 : vector<16xf32>
        %add3A_352 = arith.addf %add3A_298, %mul3A_351 : vector<16xf32>
        %slice3A_353 = vector.extract_strided_slice %get3A_192 {offsets = [12], sizes = [1], strides = [1]} : vector<16xf32> to vector<1xf32>
        %squeeze3A_354 = vector.extract %slice3A_353[0] : f32 from vector<1xf32>
        %add3A_355 = arith.constant 192 : i32
        %add3A_356 = arith.addi %mul3A_188, %add3A_355 : i32
        %get3A_357 = arith.constant 4 : i32
        %get3A_358 = arith.index_cast %get3A_357 : i32 to index
        %get3A_359 = arith.index_cast %add3A_356 : i32 to index
        %get3A_360 = tpu.vector_load %arg5[%get3A_358, %get3A_359] {strides = array<i32>} : memref<8x2048xf32, #tpu.memory_space<vmem>>, vector<1x16xf32>,
        %get3A_361 = vector.shape_cast %get3A_360 : vector<1x16xf32> to vector<16xf32>
        %mul3A_362 = vector.broadcast %squeeze3A_354 : f32 to vector<16xf32>
        %mul3A_363 = arith.mulf %mul3A_362, %get3A_361 : vector<16xf32>
        %add3A_364 = arith.addf %add3A_310, %mul3A_363 : vector<16xf32>
        %slice3A_365 = vector.extract_strided_slice %get3A_192 {offsets = [13], sizes = [1], strides = [1]} : vector<16xf32> to vector<1xf32>
        %squeeze3A_366 = vector.extract %slice3A_365[0] : f32 from vector<1xf32>
        %add3A_367 = arith.constant 192 : i32
        %add3A_368 = arith.addi %mul3A_188, %add3A_367 : i32
        %add3A_369 = arith.constant 16 : i32
        %add3A_370 = arith.addi %add3A_368, %add3A_369 : i32
        %get3A_371 = arith.constant 4 : i32
        %get3A_372 = arith.index_cast %get3A_371 : i32 to index
        %get3A_373 = arith.index_cast %add3A_370 : i32 to index
        %get3A_374 = tpu.vector_load %arg5[%get3A_372, %get3A_373] {strides = array<i32>} : memref<8x2048xf32, #tpu.memory_space<vmem>>, vector<1x16xf32>,
        %get3A_375 = vector.shape_cast %get3A_374 : vector<1x16xf32> to vector<16xf32>
        %mul3A_376 = vector.broadcast %squeeze3A_366 : f32 to vector<16xf32>
        %mul3A_377 = arith.mulf %mul3A_376, %get3A_375 : vector<16xf32>
        %add3A_378 = arith.addf %add3A_324, %mul3A_377 : vector<16xf32>
        %slice3A_379 = vector.extract_strided_slice %get3A_192 {offsets = [14], sizes = [1], strides = [1]} : vector<16xf32> to vector<1xf32>
        %squeeze3A_380 = vector.extract %slice3A_379[0] : f32 from vector<1xf32>
        %add3A_381 = arith.constant 192 : i32
        %add3A_382 = arith.addi %mul3A_188, %add3A_381 : i32
        %add3A_383 = arith.constant 32 : i32
        %add3A_384 = arith.addi %add3A_382, %add3A_383 : i32
        %get3A_385 = arith.constant 4 : i32
        %get3A_386 = arith.index_cast %get3A_385 : i32 to index
        %get3A_387 = arith.index_cast %add3A_384 : i32 to index
        %get3A_388 = tpu.vector_load %arg5[%get3A_386, %get3A_387] {strides = array<i32>} : memref<8x2048xf32, #tpu.memory_space<vmem>>, vector<1x16xf32>,
        %get3A_389 = vector.shape_cast %get3A_388 : vector<1x16xf32> to vector<16xf32>
        %mul3A_390 = vector.broadcast %squeeze3A_380 : f32 to vector<16xf32>
        %mul3A_391 = arith.mulf %mul3A_390, %get3A_389 : vector<16xf32>
        %add3A_392 = arith.addf %add3A_338, %mul3A_391 : vector<16xf32>
        %slice3A_393 = vector.extract_strided_slice %get3A_192 {offsets = [15], sizes = [1], strides = [1]} : vector<16xf32> to vector<1xf32>
        %squeeze3A_394 = vector.extract %slice3A_393[0] : f32 from vector<1xf32>
        %add3A_395 = arith.constant 192 : i32
        %add3A_396 = arith.addi %mul3A_188, %add3A_395 : i32
        %add3A_397 = arith.constant 48 : i32
        %add3A_398 = arith.addi %add3A_396, %add3A_397 : i32
        %get3A_399 = arith.constant 4 : i32
        %get3A_400 = arith.index_cast %get3A_399 : i32 to index
        %get3A_401 = arith.index_cast %add3A_398 : i32 to index
        %get3A_402 = tpu.vector_load %arg5[%get3A_400, %get3A_401] {strides = array<i32>} : memref<8x2048xf32, #tpu.memory_space<vmem>>, vector<1x16xf32>,
        %get3A_403 = vector.shape_cast %get3A_402 : vector<1x16xf32> to vector<16xf32>
        %mul3A_404 = vector.broadcast %squeeze3A_394 : f32 to vector<16xf32>
        %mul3A_405 = arith.mulf %mul3A_404, %get3A_403 : vector<16xf32>
        %add3A_406 = arith.addf %add3A_352, %mul3A_405 : vector<16xf32>
        scf.yield %add3A_364, %add3A_378, %add3A_392, %add3A_406 : vector<16xf32>, vector<16xf32>, vector<16xf32>, vector<16xf32>
      }
      %scan3A_103 = arith.constant 8 : i32
      %add3A_104 = arith.addf %scan3A_102#0, %scan3A_102#1 : vector<16xf32>
      %add3A_105 = arith.addf %scan3A_102#2, %scan3A_102#3 : vector<16xf32>
      %add3A_106 = arith.addf %add3A_104, %add3A_105 : vector<16xf32>
      %mul3A_107 = arith.constant 8 : i32
      %mul3A_108 = arith.muli %scan3A_10, %mul3A_107 : i32
      %add3A_109 = arith.constant 4 : i32
      %add3A_110 = arith.addi %mul3A_108, %add3A_109 : i32
      %mul3A_111 = arith.constant 16 : i32
      %mul3A_112 = arith.muli %add3A_110, %mul3A_111 : i32
      %swap3A_113 = arith.index_cast %mul3A_112 : i32 to index
      %swap3A_114 = tpu.vector_load %arg7[%swap3A_113] {strides = array<i32>} : memref<2048xf32, #tpu.memory_space<vmem>>, vector<16xf32>,
      %swap3A_115 = vector.shape_cast %swap3A_114 : vector<16xf32> to vector<16xf32>
      %swap3A_116 = vector.shape_cast %add3A_106 : vector<16xf32> to vector<16xf32>
      tpu.vector_store %arg7[%swap3A_113], %swap3A_116 {strides = array<i32>} : memref<2048xf32, #tpu.memory_space<vmem>>, vector<16xf32>,
      %broadcast_in_dim3A_117 = arith.constant 0.000000e+00 : f32
      %broadcast_in_dim3A_118 = vector.broadcast %broadcast_in_dim3A_117 : f32 to vector<16xf32>
      %scan3A_119 = arith.constant 0 : i32
      %scan3A_120 = arith.constant 8 : i32
      %scan3A_121 = arith.addi %scan3A_119, %scan3A_120 : i32
      %scan3A_122 = arith.constant 1 : i32
      %scan3A_123:4 = scf.for %scan3A_180 = %scan3A_119 to %scan3A_121 step %scan3A_122 iter_args(%scan3A_181 = %broadcast_in_dim3A_118, %scan3A_182 = %broadcast_in_dim3A_118, %scan3A_183 = %broadcast_in_dim3A_118, %scan3A_184 = %broadcast_in_dim3A_118) -> (vector<16xf32>, vector<16xf32>, vector<16xf32>, vector<16xf32>)  : i32 {
        %mul3A_185 = arith.constant 16 : i32
        %mul3A_186 = arith.muli %scan3A_180, %mul3A_185 : i32
        %mul3A_187 = arith.constant 256 : i32
        %mul3A_188 = arith.muli %scan3A_180, %mul3A_187 : i32
        %get3A = arith.constant 5 : i32
        %get3A_189 = arith.index_cast %get3A : i32 to index
        %get3A_190 = arith.index_cast %mul3A_186 : i32 to index
        %get3A_191 = tpu.vector_load %arg6[%get3A_189, %get3A_190] {strides = array<i32>} : memref<8x128xf32, #tpu.memory_space<vmem>>, vector<1x16xf32>,
        %get3A_192 = vector.shape_cast %get3A_191 : vector<1x16xf32> to vector<16xf32>
        %slice3A = vector.extract_strided_slice %get3A_192 {offsets = [0], sizes = [1], strides = [1]} : vector<16xf32> to vector<1xf32>
        %squeeze3A = vector.extract %slice3A[0] : f32 from vector<1xf32>
        %add3A_193 = arith.constant 0 : i32
        %add3A_194 = arith.addi %mul3A_188, %add3A_193 : i32
        %get3A_195 = arith.constant 5 : i32
        %get3A_196 = arith.index_cast %get3A_195 : i32 to index
        %get3A_197 = arith.index_cast %add3A_194 : i32 to index
        %get3A_198 = tpu.vector_load %arg5[%get3A_196, %get3A_197] {strides = array<i32>} : memref<8x2048xf32, #tpu.memory_space<vmem>>, vector<1x16xf32>,
        %get3A_199 = vector.shape_cast %get3A_198 : vector<1x16xf32> to vector<16xf32>
        %mul3A_200 = vector.broadcast %squeeze3A : f32 to vector<16xf32>
        %mul3A_201 = arith.mulf %mul3A_200, %get3A_199 : vector<16xf32>
        %add3A_202 = arith.addf %scan3A_181, %mul3A_201 : vector<16xf32>
        %slice3A_203 = vector.extract_strided_slice %get3A_192 {offsets = [1], sizes = [1], strides = [1]} : vector<16xf32> to vector<1xf32>
        %squeeze3A_204 = vector.extract %slice3A_203[0] : f32 from vector<1xf32>
        %add3A_205 = arith.constant 0 : i32
        %add3A_206 = arith.addi %mul3A_188, %add3A_205 : i32
        %add3A_207 = arith.constant 16 : i32
        %add3A_208 = arith.addi %add3A_206, %add3A_207 : i32
        %get3A_209 = arith.constant 5 : i32
        %get3A_210 = arith.index_cast %get3A_209 : i32 to index
        %get3A_211 = arith.index_cast %add3A_208 : i32 to index
        %get3A_212 = tpu.vector_load %arg5[%get3A_210, %get3A_211] {strides = array<i32>} : memref<8x2048xf32, #tpu.memory_space<vmem>>, vector<1x16xf32>,
        %get3A_213 = vector.shape_cast %get3A_212 : vector<1x16xf32> to vector<16xf32>
        %mul3A_214 = vector.broadcast %squeeze3A_204 : f32 to vector<16xf32>
        %mul3A_215 = arith.mulf %mul3A_214, %get3A_213 : vector<16xf32>
        %add3A_216 = arith.addf %scan3A_182, %mul3A_215 : vector<16xf32>
        %slice3A_217 = vector.extract_strided_slice %get3A_192 {offsets = [2], sizes = [1], strides = [1]} : vector<16xf32> to vector<1xf32>
        %squeeze3A_218 = vector.extract %slice3A_217[0] : f32 from vector<1xf32>
        %add3A_219 = arith.constant 0 : i32
        %add3A_220 = arith.addi %mul3A_188, %add3A_219 : i32
        %add3A_221 = arith.constant 32 : i32
        %add3A_222 = arith.addi %add3A_220, %add3A_221 : i32
        %get3A_223 = arith.constant 5 : i32
        %get3A_224 = arith.index_cast %get3A_223 : i32 to index
        %get3A_225 = arith.index_cast %add3A_222 : i32 to index
        %get3A_226 = tpu.vector_load %arg5[%get3A_224, %get3A_225] {strides = array<i32>} : memref<8x2048xf32, #tpu.memory_space<vmem>>, vector<1x16xf32>,
        %get3A_227 = vector.shape_cast %get3A_226 : vector<1x16xf32> to vector<16xf32>
        %mul3A_228 = vector.broadcast %squeeze3A_218 : f32 to vector<16xf32>
        %mul3A_229 = arith.mulf %mul3A_228, %get3A_227 : vector<16xf32>
        %add3A_230 = arith.addf %scan3A_183, %mul3A_229 : vector<16xf32>
        %slice3A_231 = vector.extract_strided_slice %get3A_192 {offsets = [3], sizes = [1], strides = [1]} : vector<16xf32> to vector<1xf32>
        %squeeze3A_232 = vector.extract %slice3A_231[0] : f32 from vector<1xf32>
        %add3A_233 = arith.constant 0 : i32
        %add3A_234 = arith.addi %mul3A_188, %add3A_233 : i32
        %add3A_235 = arith.constant 48 : i32
        %add3A_236 = arith.addi %add3A_234, %add3A_235 : i32
        %get3A_237 = arith.constant 5 : i32
        %get3A_238 = arith.index_cast %get3A_237 : i32 to index
        %get3A_239 = arith.index_cast %add3A_236 : i32 to index
        %get3A_240 = tpu.vector_load %arg5[%get3A_238, %get3A_239] {strides = array<i32>} : memref<8x2048xf32, #tpu.memory_space<vmem>>, vector<1x16xf32>,
        %get3A_241 = vector.shape_cast %get3A_240 : vector<1x16xf32> to vector<16xf32>
        %mul3A_242 = vector.broadcast %squeeze3A_232 : f32 to vector<16xf32>
        %mul3A_243 = arith.mulf %mul3A_242, %get3A_241 : vector<16xf32>
        %add3A_244 = arith.addf %scan3A_184, %mul3A_243 : vector<16xf32>
        %slice3A_245 = vector.extract_strided_slice %get3A_192 {offsets = [4], sizes = [1], strides = [1]} : vector<16xf32> to vector<1xf32>
        %squeeze3A_246 = vector.extract %slice3A_245[0] : f32 from vector<1xf32>
        %add3A_247 = arith.constant 64 : i32
        %add3A_248 = arith.addi %mul3A_188, %add3A_247 : i32
        %get3A_249 = arith.constant 5 : i32
        %get3A_250 = arith.index_cast %get3A_249 : i32 to index
        %get3A_251 = arith.index_cast %add3A_248 : i32 to index
        %get3A_252 = tpu.vector_load %arg5[%get3A_250, %get3A_251] {strides = array<i32>} : memref<8x2048xf32, #tpu.memory_space<vmem>>, vector<1x16xf32>,
        %get3A_253 = vector.shape_cast %get3A_252 : vector<1x16xf32> to vector<16xf32>
        %mul3A_254 = vector.broadcast %squeeze3A_246 : f32 to vector<16xf32>
        %mul3A_255 = arith.mulf %mul3A_254, %get3A_253 : vector<16xf32>
        %add3A_256 = arith.addf %add3A_202, %mul3A_255 : vector<16xf32>
        %slice3A_257 = vector.extract_strided_slice %get3A_192 {offsets = [5], sizes = [1], strides = [1]} : vector<16xf32> to vector<1xf32>
        %squeeze3A_258 = vector.extract %slice3A_257[0] : f32 from vector<1xf32>
        %add3A_259 = arith.constant 64 : i32
        %add3A_260 = arith.addi %mul3A_188, %add3A_259 : i32
        %add3A_261 = arith.constant 16 : i32
        %add3A_262 = arith.addi %add3A_260, %add3A_261 : i32
        %get3A_263 = arith.constant 5 : i32
        %get3A_264 = arith.index_cast %get3A_263 : i32 to index
        %get3A_265 = arith.index_cast %add3A_262 : i32 to index
        %get3A_266 = tpu.vector_load %arg5[%get3A_264, %get3A_265] {strides = array<i32>} : memref<8x2048xf32, #tpu.memory_space<vmem>>, vector<1x16xf32>,
        %get3A_267 = vector.shape_cast %get3A_266 : vector<1x16xf32> to vector<16xf32>
        %mul3A_268 = vector.broadcast %squeeze3A_258 : f32 to vector<16xf32>
        %mul3A_269 = arith.mulf %mul3A_268, %get3A_267 : vector<16xf32>
        %add3A_270 = arith.addf %add3A_216, %mul3A_269 : vector<16xf32>
        %slice3A_271 = vector.extract_strided_slice %get3A_192 {offsets = [6], sizes = [1], strides = [1]} : vector<16xf32> to vector<1xf32>
        %squeeze3A_272 = vector.extract %slice3A_271[0] : f32 from vector<1xf32>
        %add3A_273 = arith.constant 64 : i32
        %add3A_274 = arith.addi %mul3A_188, %add3A_273 : i32
        %add3A_275 = arith.constant 32 : i32
        %add3A_276 = arith.addi %add3A_274, %add3A_275 : i32
        %get3A_277 = arith.constant 5 : i32
        %get3A_278 = arith.index_cast %get3A_277 : i32 to index
        %get3A_279 = arith.index_cast %add3A_276 : i32 to index
        %get3A_280 = tpu.vector_load %arg5[%get3A_278, %get3A_279] {strides = array<i32>} : memref<8x2048xf32, #tpu.memory_space<vmem>>, vector<1x16xf32>,
        %get3A_281 = vector.shape_cast %get3A_280 : vector<1x16xf32> to vector<16xf32>
        %mul3A_282 = vector.broadcast %squeeze3A_272 : f32 to vector<16xf32>
        %mul3A_283 = arith.mulf %mul3A_282, %get3A_281 : vector<16xf32>
        %add3A_284 = arith.addf %add3A_230, %mul3A_283 : vector<16xf32>
        %slice3A_285 = vector.extract_strided_slice %get3A_192 {offsets = [7], sizes = [1], strides = [1]} : vector<16xf32> to vector<1xf32>
        %squeeze3A_286 = vector.extract %slice3A_285[0] : f32 from vector<1xf32>
        %add3A_287 = arith.constant 64 : i32
        %add3A_288 = arith.addi %mul3A_188, %add3A_287 : i32
        %add3A_289 = arith.constant 48 : i32
        %add3A_290 = arith.addi %add3A_288, %add3A_289 : i32
        %get3A_291 = arith.constant 5 : i32
        %get3A_292 = arith.index_cast %get3A_291 : i32 to index
        %get3A_293 = arith.index_cast %add3A_290 : i32 to index
        %get3A_294 = tpu.vector_load %arg5[%get3A_292, %get3A_293] {strides = array<i32>} : memref<8x2048xf32, #tpu.memory_space<vmem>>, vector<1x16xf32>,
        %get3A_295 = vector.shape_cast %get3A_294 : vector<1x16xf32> to vector<16xf32>
        %mul3A_296 = vector.broadcast %squeeze3A_286 : f32 to vector<16xf32>
        %mul3A_297 = arith.mulf %mul3A_296, %get3A_295 : vector<16xf32>
        %add3A_298 = arith.addf %add3A_244, %mul3A_297 : vector<16xf32>
        %slice3A_299 = vector.extract_strided_slice %get3A_192 {offsets = [8], sizes = [1], strides = [1]} : vector<16xf32> to vector<1xf32>
        %squeeze3A_300 = vector.extract %slice3A_299[0] : f32 from vector<1xf32>
        %add3A_301 = arith.constant 128 : i32
        %add3A_302 = arith.addi %mul3A_188, %add3A_301 : i32
        %get3A_303 = arith.constant 5 : i32
        %get3A_304 = arith.index_cast %get3A_303 : i32 to index
        %get3A_305 = arith.index_cast %add3A_302 : i32 to index
        %get3A_306 = tpu.vector_load %arg5[%get3A_304, %get3A_305] {strides = array<i32>} : memref<8x2048xf32, #tpu.memory_space<vmem>>, vector<1x16xf32>,
        %get3A_307 = vector.shape_cast %get3A_306 : vector<1x16xf32> to vector<16xf32>
        %mul3A_308 = vector.broadcast %squeeze3A_300 : f32 to vector<16xf32>
        %mul3A_309 = arith.mulf %mul3A_308, %get3A_307 : vector<16xf32>
        %add3A_310 = arith.addf %add3A_256, %mul3A_309 : vector<16xf32>
        %slice3A_311 = vector.extract_strided_slice %get3A_192 {offsets = [9], sizes = [1], strides = [1]} : vector<16xf32> to vector<1xf32>
        %squeeze3A_312 = vector.extract %slice3A_311[0] : f32 from vector<1xf32>
        %add3A_313 = arith.constant 128 : i32
        %add3A_314 = arith.addi %mul3A_188, %add3A_313 : i32
        %add3A_315 = arith.constant 16 : i32
        %add3A_316 = arith.addi %add3A_314, %add3A_315 : i32
        %get3A_317 = arith.constant 5 : i32
        %get3A_318 = arith.index_cast %get3A_317 : i32 to index
        %get3A_319 = arith.index_cast %add3A_316 : i32 to index
        %get3A_320 = tpu.vector_load %arg5[%get3A_318, %get3A_319] {strides = array<i32>} : memref<8x2048xf32, #tpu.memory_space<vmem>>, vector<1x16xf32>,
        %get3A_321 = vector.shape_cast %get3A_320 : vector<1x16xf32> to vector<16xf32>
        %mul3A_322 = vector.broadcast %squeeze3A_312 : f32 to vector<16xf32>
        %mul3A_323 = arith.mulf %mul3A_322, %get3A_321 : vector<16xf32>
        %add3A_324 = arith.addf %add3A_270, %mul3A_323 : vector<16xf32>
        %slice3A_325 = vector.extract_strided_slice %get3A_192 {offsets = [10], sizes = [1], strides = [1]} : vector<16xf32> to vector<1xf32>
        %squeeze3A_326 = vector.extract %slice3A_325[0] : f32 from vector<1xf32>
        %add3A_327 = arith.constant 128 : i32
        %add3A_328 = arith.addi %mul3A_188, %add3A_327 : i32
        %add3A_329 = arith.constant 32 : i32
        %add3A_330 = arith.addi %add3A_328, %add3A_329 : i32
        %get3A_331 = arith.constant 5 : i32
        %get3A_332 = arith.index_cast %get3A_331 : i32 to index
        %get3A_333 = arith.index_cast %add3A_330 : i32 to index
        %get3A_334 = tpu.vector_load %arg5[%get3A_332, %get3A_333] {strides = array<i32>} : memref<8x2048xf32, #tpu.memory_space<vmem>>, vector<1x16xf32>,
        %get3A_335 = vector.shape_cast %get3A_334 : vector<1x16xf32> to vector<16xf32>
        %mul3A_336 = vector.broadcast %squeeze3A_326 : f32 to vector<16xf32>
        %mul3A_337 = arith.mulf %mul3A_336, %get3A_335 : vector<16xf32>
        %add3A_338 = arith.addf %add3A_284, %mul3A_337 : vector<16xf32>
        %slice3A_339 = vector.extract_strided_slice %get3A_192 {offsets = [11], sizes = [1], strides = [1]} : vector<16xf32> to vector<1xf32>
        %squeeze3A_340 = vector.extract %slice3A_339[0] : f32 from vector<1xf32>
        %add3A_341 = arith.constant 128 : i32
        %add3A_342 = arith.addi %mul3A_188, %add3A_341 : i32
        %add3A_343 = arith.constant 48 : i32
        %add3A_344 = arith.addi %add3A_342, %add3A_343 : i32
        %get3A_345 = arith.constant 5 : i32
        %get3A_346 = arith.index_cast %get3A_345 : i32 to index
        %get3A_347 = arith.index_cast %add3A_344 : i32 to index
        %get3A_348 = tpu.vector_load %arg5[%get3A_346, %get3A_347] {strides = array<i32>} : memref<8x2048xf32, #tpu.memory_space<vmem>>, vector<1x16xf32>,
        %get3A_349 = vector.shape_cast %get3A_348 : vector<1x16xf32> to vector<16xf32>
        %mul3A_350 = vector.broadcast %squeeze3A_340 : f32 to vector<16xf32>
        %mul3A_351 = arith.mulf %mul3A_350, %get3A_349 : vector<16xf32>
        %add3A_352 = arith.addf %add3A_298, %mul3A_351 : vector<16xf32>
        %slice3A_353 = vector.extract_strided_slice %get3A_192 {offsets = [12], sizes = [1], strides = [1]} : vector<16xf32> to vector<1xf32>
        %squeeze3A_354 = vector.extract %slice3A_353[0] : f32 from vector<1xf32>
        %add3A_355 = arith.constant 192 : i32
        %add3A_356 = arith.addi %mul3A_188, %add3A_355 : i32
        %get3A_357 = arith.constant 5 : i32
        %get3A_358 = arith.index_cast %get3A_357 : i32 to index
        %get3A_359 = arith.index_cast %add3A_356 : i32 to index
        %get3A_360 = tpu.vector_load %arg5[%get3A_358, %get3A_359] {strides = array<i32>} : memref<8x2048xf32, #tpu.memory_space<vmem>>, vector<1x16xf32>,
        %get3A_361 = vector.shape_cast %get3A_360 : vector<1x16xf32> to vector<16xf32>
        %mul3A_362 = vector.broadcast %squeeze3A_354 : f32 to vector<16xf32>
        %mul3A_363 = arith.mulf %mul3A_362, %get3A_361 : vector<16xf32>
        %add3A_364 = arith.addf %add3A_310, %mul3A_363 : vector<16xf32>
        %slice3A_365 = vector.extract_strided_slice %get3A_192 {offsets = [13], sizes = [1], strides = [1]} : vector<16xf32> to vector<1xf32>
        %squeeze3A_366 = vector.extract %slice3A_365[0] : f32 from vector<1xf32>
        %add3A_367 = arith.constant 192 : i32
        %add3A_368 = arith.addi %mul3A_188, %add3A_367 : i32
        %add3A_369 = arith.constant 16 : i32
        %add3A_370 = arith.addi %add3A_368, %add3A_369 : i32
        %get3A_371 = arith.constant 5 : i32
        %get3A_372 = arith.index_cast %get3A_371 : i32 to index
        %get3A_373 = arith.index_cast %add3A_370 : i32 to index
        %get3A_374 = tpu.vector_load %arg5[%get3A_372, %get3A_373] {strides = array<i32>} : memref<8x2048xf32, #tpu.memory_space<vmem>>, vector<1x16xf32>,
        %get3A_375 = vector.shape_cast %get3A_374 : vector<1x16xf32> to vector<16xf32>
        %mul3A_376 = vector.broadcast %squeeze3A_366 : f32 to vector<16xf32>
        %mul3A_377 = arith.mulf %mul3A_376, %get3A_375 : vector<16xf32>
        %add3A_378 = arith.addf %add3A_324, %mul3A_377 : vector<16xf32>
        %slice3A_379 = vector.extract_strided_slice %get3A_192 {offsets = [14], sizes = [1], strides = [1]} : vector<16xf32> to vector<1xf32>
        %squeeze3A_380 = vector.extract %slice3A_379[0] : f32 from vector<1xf32>
        %add3A_381 = arith.constant 192 : i32
        %add3A_382 = arith.addi %mul3A_188, %add3A_381 : i32
        %add3A_383 = arith.constant 32 : i32
        %add3A_384 = arith.addi %add3A_382, %add3A_383 : i32
        %get3A_385 = arith.constant 5 : i32
        %get3A_386 = arith.index_cast %get3A_385 : i32 to index
        %get3A_387 = arith.index_cast %add3A_384 : i32 to index
        %get3A_388 = tpu.vector_load %arg5[%get3A_386, %get3A_387] {strides = array<i32>} : memref<8x2048xf32, #tpu.memory_space<vmem>>, vector<1x16xf32>,
        %get3A_389 = vector.shape_cast %get3A_388 : vector<1x16xf32> to vector<16xf32>
        %mul3A_390 = vector.broadcast %squeeze3A_380 : f32 to vector<16xf32>
        %mul3A_391 = arith.mulf %mul3A_390, %get3A_389 : vector<16xf32>
        %add3A_392 = arith.addf %add3A_338, %mul3A_391 : vector<16xf32>
        %slice3A_393 = vector.extract_strided_slice %get3A_192 {offsets = [15], sizes = [1], strides = [1]} : vector<16xf32> to vector<1xf32>
        %squeeze3A_394 = vector.extract %slice3A_393[0] : f32 from vector<1xf32>
        %add3A_395 = arith.constant 192 : i32
        %add3A_396 = arith.addi %mul3A_188, %add3A_395 : i32
        %add3A_397 = arith.constant 48 : i32
        %add3A_398 = arith.addi %add3A_396, %add3A_397 : i32
        %get3A_399 = arith.constant 5 : i32
        %get3A_400 = arith.index_cast %get3A_399 : i32 to index
        %get3A_401 = arith.index_cast %add3A_398 : i32 to index
        %get3A_402 = tpu.vector_load %arg5[%get3A_400, %get3A_401] {strides = array<i32>} : memref<8x2048xf32, #tpu.memory_space<vmem>>, vector<1x16xf32>,
        %get3A_403 = vector.shape_cast %get3A_402 : vector<1x16xf32> to vector<16xf32>
        %mul3A_404 = vector.broadcast %squeeze3A_394 : f32 to vector<16xf32>
        %mul3A_405 = arith.mulf %mul3A_404, %get3A_403 : vector<16xf32>
        %add3A_406 = arith.addf %add3A_352, %mul3A_405 : vector<16xf32>
        scf.yield %add3A_364, %add3A_378, %add3A_392, %add3A_406 : vector<16xf32>, vector<16xf32>, vector<16xf32>, vector<16xf32>
      }
      %scan3A_124 = arith.constant 8 : i32
      %add3A_125 = arith.addf %scan3A_123#0, %scan3A_123#1 : vector<16xf32>
      %add3A_126 = arith.addf %scan3A_123#2, %scan3A_123#3 : vector<16xf32>
      %add3A_127 = arith.addf %add3A_125, %add3A_126 : vector<16xf32>
      %mul3A_128 = arith.constant 8 : i32
      %mul3A_129 = arith.muli %scan3A_10, %mul3A_128 : i32
      %add3A_130 = arith.constant 5 : i32
      %add3A_131 = arith.addi %mul3A_129, %add3A_130 : i32
      %mul3A_132 = arith.constant 16 : i32
      %mul3A_133 = arith.muli %add3A_131, %mul3A_132 : i32
      %swap3A_134 = arith.index_cast %mul3A_133 : i32 to index
      %swap3A_135 = tpu.vector_load %arg7[%swap3A_134] {strides = array<i32>} : memref<2048xf32, #tpu.memory_space<vmem>>, vector<16xf32>,
      %swap3A_136 = vector.shape_cast %swap3A_135 : vector<16xf32> to vector<16xf32>
      %swap3A_137 = vector.shape_cast %add3A_127 : vector<16xf32> to vector<16xf32>
      tpu.vector_store %arg7[%swap3A_134], %swap3A_137 {strides = array<i32>} : memref<2048xf32, #tpu.memory_space<vmem>>, vector<16xf32>,
      %broadcast_in_dim3A_138 = arith.constant 0.000000e+00 : f32
      %broadcast_in_dim3A_139 = vector.broadcast %broadcast_in_dim3A_138 : f32 to vector<16xf32>
      %scan3A_140 = arith.constant 0 : i32
      %scan3A_141 = arith.constant 8 : i32
      %scan3A_142 = arith.addi %scan3A_140, %scan3A_141 : i32
      %scan3A_143 = arith.constant 1 : i32
      %scan3A_144:4 = scf.for %scan3A_180 = %scan3A_140 to %scan3A_142 step %scan3A_143 iter_args(%scan3A_181 = %broadcast_in_dim3A_139, %scan3A_182 = %broadcast_in_dim3A_139, %scan3A_183 = %broadcast_in_dim3A_139, %scan3A_184 = %broadcast_in_dim3A_139) -> (vector<16xf32>, vector<16xf32>, vector<16xf32>, vector<16xf32>)  : i32 {
        %mul3A_185 = arith.constant 16 : i32
        %mul3A_186 = arith.muli %scan3A_180, %mul3A_185 : i32
        %mul3A_187 = arith.constant 256 : i32
        %mul3A_188 = arith.muli %scan3A_180, %mul3A_187 : i32
        %get3A = arith.constant 6 : i32
        %get3A_189 = arith.index_cast %get3A : i32 to index
        %get3A_190 = arith.index_cast %mul3A_186 : i32 to index
        %get3A_191 = tpu.vector_load %arg6[%get3A_189, %get3A_190] {strides = array<i32>} : memref<8x128xf32, #tpu.memory_space<vmem>>, vector<1x16xf32>,
        %get3A_192 = vector.shape_cast %get3A_191 : vector<1x16xf32> to vector<16xf32>
        %slice3A = vector.extract_strided_slice %get3A_192 {offsets = [0], sizes = [1], strides = [1]} : vector<16xf32> to vector<1xf32>
        %squeeze3A = vector.extract %slice3A[0] : f32 from vector<1xf32>
        %add3A_193 = arith.constant 0 : i32
        %add3A_194 = arith.addi %mul3A_188, %add3A_193 : i32
        %get3A_195 = arith.constant 6 : i32
        %get3A_196 = arith.index_cast %get3A_195 : i32 to index
        %get3A_197 = arith.index_cast %add3A_194 : i32 to index
        %get3A_198 = tpu.vector_load %arg5[%get3A_196, %get3A_197] {strides = array<i32>} : memref<8x2048xf32, #tpu.memory_space<vmem>>, vector<1x16xf32>,
        %get3A_199 = vector.shape_cast %get3A_198 : vector<1x16xf32> to vector<16xf32>
        %mul3A_200 = vector.broadcast %squeeze3A : f32 to vector<16xf32>
        %mul3A_201 = arith.mulf %mul3A_200, %get3A_199 : vector<16xf32>
        %add3A_202 = arith.addf %scan3A_181, %mul3A_201 : vector<16xf32>
        %slice3A_203 = vector.extract_strided_slice %get3A_192 {offsets = [1], sizes = [1], strides = [1]} : vector<16xf32> to vector<1xf32>
        %squeeze3A_204 = vector.extract %slice3A_203[0] : f32 from vector<1xf32>
        %add3A_205 = arith.constant 0 : i32
        %add3A_206 = arith.addi %mul3A_188, %add3A_205 : i32
        %add3A_207 = arith.constant 16 : i32
        %add3A_208 = arith.addi %add3A_206, %add3A_207 : i32
        %get3A_209 = arith.constant 6 : i32
        %get3A_210 = arith.index_cast %get3A_209 : i32 to index
        %get3A_211 = arith.index_cast %add3A_208 : i32 to index
        %get3A_212 = tpu.vector_load %arg5[%get3A_210, %get3A_211] {strides = array<i32>} : memref<8x2048xf32, #tpu.memory_space<vmem>>, vector<1x16xf32>,
        %get3A_213 = vector.shape_cast %get3A_212 : vector<1x16xf32> to vector<16xf32>
        %mul3A_214 = vector.broadcast %squeeze3A_204 : f32 to vector<16xf32>
        %mul3A_215 = arith.mulf %mul3A_214, %get3A_213 : vector<16xf32>
        %add3A_216 = arith.addf %scan3A_182, %mul3A_215 : vector<16xf32>
        %slice3A_217 = vector.extract_strided_slice %get3A_192 {offsets = [2], sizes = [1], strides = [1]} : vector<16xf32> to vector<1xf32>
        %squeeze3A_218 = vector.extract %slice3A_217[0] : f32 from vector<1xf32>
        %add3A_219 = arith.constant 0 : i32
        %add3A_220 = arith.addi %mul3A_188, %add3A_219 : i32
        %add3A_221 = arith.constant 32 : i32
        %add3A_222 = arith.addi %add3A_220, %add3A_221 : i32
        %get3A_223 = arith.constant 6 : i32
        %get3A_224 = arith.index_cast %get3A_223 : i32 to index
        %get3A_225 = arith.index_cast %add3A_222 : i32 to index
        %get3A_226 = tpu.vector_load %arg5[%get3A_224, %get3A_225] {strides = array<i32>} : memref<8x2048xf32, #tpu.memory_space<vmem>>, vector<1x16xf32>,
        %get3A_227 = vector.shape_cast %get3A_226 : vector<1x16xf32> to vector<16xf32>
        %mul3A_228 = vector.broadcast %squeeze3A_218 : f32 to vector<16xf32>
        %mul3A_229 = arith.mulf %mul3A_228, %get3A_227 : vector<16xf32>
        %add3A_230 = arith.addf %scan3A_183, %mul3A_229 : vector<16xf32>
        %slice3A_231 = vector.extract_strided_slice %get3A_192 {offsets = [3], sizes = [1], strides = [1]} : vector<16xf32> to vector<1xf32>
        %squeeze3A_232 = vector.extract %slice3A_231[0] : f32 from vector<1xf32>
        %add3A_233 = arith.constant 0 : i32
        %add3A_234 = arith.addi %mul3A_188, %add3A_233 : i32
        %add3A_235 = arith.constant 48 : i32
        %add3A_236 = arith.addi %add3A_234, %add3A_235 : i32
        %get3A_237 = arith.constant 6 : i32
        %get3A_238 = arith.index_cast %get3A_237 : i32 to index
        %get3A_239 = arith.index_cast %add3A_236 : i32 to index
        %get3A_240 = tpu.vector_load %arg5[%get3A_238, %get3A_239] {strides = array<i32>} : memref<8x2048xf32, #tpu.memory_space<vmem>>, vector<1x16xf32>,
        %get3A_241 = vector.shape_cast %get3A_240 : vector<1x16xf32> to vector<16xf32>
        %mul3A_242 = vector.broadcast %squeeze3A_232 : f32 to vector<16xf32>
        %mul3A_243 = arith.mulf %mul3A_242, %get3A_241 : vector<16xf32>
        %add3A_244 = arith.addf %scan3A_184, %mul3A_243 : vector<16xf32>
        %slice3A_245 = vector.extract_strided_slice %get3A_192 {offsets = [4], sizes = [1], strides = [1]} : vector<16xf32> to vector<1xf32>
        %squeeze3A_246 = vector.extract %slice3A_245[0] : f32 from vector<1xf32>
        %add3A_247 = arith.constant 64 : i32
        %add3A_248 = arith.addi %mul3A_188, %add3A_247 : i32
        %get3A_249 = arith.constant 6 : i32
        %get3A_250 = arith.index_cast %get3A_249 : i32 to index
        %get3A_251 = arith.index_cast %add3A_248 : i32 to index
        %get3A_252 = tpu.vector_load %arg5[%get3A_250, %get3A_251] {strides = array<i32>} : memref<8x2048xf32, #tpu.memory_space<vmem>>, vector<1x16xf32>,
        %get3A_253 = vector.shape_cast %get3A_252 : vector<1x16xf32> to vector<16xf32>
        %mul3A_254 = vector.broadcast %squeeze3A_246 : f32 to vector<16xf32>
        %mul3A_255 = arith.mulf %mul3A_254, %get3A_253 : vector<16xf32>
        %add3A_256 = arith.addf %add3A_202, %mul3A_255 : vector<16xf32>
        %slice3A_257 = vector.extract_strided_slice %get3A_192 {offsets = [5], sizes = [1], strides = [1]} : vector<16xf32> to vector<1xf32>
        %squeeze3A_258 = vector.extract %slice3A_257[0] : f32 from vector<1xf32>
        %add3A_259 = arith.constant 64 : i32
        %add3A_260 = arith.addi %mul3A_188, %add3A_259 : i32
        %add3A_261 = arith.constant 16 : i32
        %add3A_262 = arith.addi %add3A_260, %add3A_261 : i32
        %get3A_263 = arith.constant 6 : i32
        %get3A_264 = arith.index_cast %get3A_263 : i32 to index
        %get3A_265 = arith.index_cast %add3A_262 : i32 to index
        %get3A_266 = tpu.vector_load %arg5[%get3A_264, %get3A_265] {strides = array<i32>} : memref<8x2048xf32, #tpu.memory_space<vmem>>, vector<1x16xf32>,
        %get3A_267 = vector.shape_cast %get3A_266 : vector<1x16xf32> to vector<16xf32>
        %mul3A_268 = vector.broadcast %squeeze3A_258 : f32 to vector<16xf32>
        %mul3A_269 = arith.mulf %mul3A_268, %get3A_267 : vector<16xf32>
        %add3A_270 = arith.addf %add3A_216, %mul3A_269 : vector<16xf32>
        %slice3A_271 = vector.extract_strided_slice %get3A_192 {offsets = [6], sizes = [1], strides = [1]} : vector<16xf32> to vector<1xf32>
        %squeeze3A_272 = vector.extract %slice3A_271[0] : f32 from vector<1xf32>
        %add3A_273 = arith.constant 64 : i32
        %add3A_274 = arith.addi %mul3A_188, %add3A_273 : i32
        %add3A_275 = arith.constant 32 : i32
        %add3A_276 = arith.addi %add3A_274, %add3A_275 : i32
        %get3A_277 = arith.constant 6 : i32
        %get3A_278 = arith.index_cast %get3A_277 : i32 to index
        %get3A_279 = arith.index_cast %add3A_276 : i32 to index
        %get3A_280 = tpu.vector_load %arg5[%get3A_278, %get3A_279] {strides = array<i32>} : memref<8x2048xf32, #tpu.memory_space<vmem>>, vector<1x16xf32>,
        %get3A_281 = vector.shape_cast %get3A_280 : vector<1x16xf32> to vector<16xf32>
        %mul3A_282 = vector.broadcast %squeeze3A_272 : f32 to vector<16xf32>
        %mul3A_283 = arith.mulf %mul3A_282, %get3A_281 : vector<16xf32>
        %add3A_284 = arith.addf %add3A_230, %mul3A_283 : vector<16xf32>
        %slice3A_285 = vector.extract_strided_slice %get3A_192 {offsets = [7], sizes = [1], strides = [1]} : vector<16xf32> to vector<1xf32>
        %squeeze3A_286 = vector.extract %slice3A_285[0] : f32 from vector<1xf32>
        %add3A_287 = arith.constant 64 : i32
        %add3A_288 = arith.addi %mul3A_188, %add3A_287 : i32
        %add3A_289 = arith.constant 48 : i32
        %add3A_290 = arith.addi %add3A_288, %add3A_289 : i32
        %get3A_291 = arith.constant 6 : i32
        %get3A_292 = arith.index_cast %get3A_291 : i32 to index
        %get3A_293 = arith.index_cast %add3A_290 : i32 to index
        %get3A_294 = tpu.vector_load %arg5[%get3A_292, %get3A_293] {strides = array<i32>} : memref<8x2048xf32, #tpu.memory_space<vmem>>, vector<1x16xf32>,
        %get3A_295 = vector.shape_cast %get3A_294 : vector<1x16xf32> to vector<16xf32>
        %mul3A_296 = vector.broadcast %squeeze3A_286 : f32 to vector<16xf32>
        %mul3A_297 = arith.mulf %mul3A_296, %get3A_295 : vector<16xf32>
        %add3A_298 = arith.addf %add3A_244, %mul3A_297 : vector<16xf32>
        %slice3A_299 = vector.extract_strided_slice %get3A_192 {offsets = [8], sizes = [1], strides = [1]} : vector<16xf32> to vector<1xf32>
        %squeeze3A_300 = vector.extract %slice3A_299[0] : f32 from vector<1xf32>
        %add3A_301 = arith.constant 128 : i32
        %add3A_302 = arith.addi %mul3A_188, %add3A_301 : i32
        %get3A_303 = arith.constant 6 : i32
        %get3A_304 = arith.index_cast %get3A_303 : i32 to index
        %get3A_305 = arith.index_cast %add3A_302 : i32 to index
        %get3A_306 = tpu.vector_load %arg5[%get3A_304, %get3A_305] {strides = array<i32>} : memref<8x2048xf32, #tpu.memory_space<vmem>>, vector<1x16xf32>,
        %get3A_307 = vector.shape_cast %get3A_306 : vector<1x16xf32> to vector<16xf32>
        %mul3A_308 = vector.broadcast %squeeze3A_300 : f32 to vector<16xf32>
        %mul3A_309 = arith.mulf %mul3A_308, %get3A_307 : vector<16xf32>
        %add3A_310 = arith.addf %add3A_256, %mul3A_309 : vector<16xf32>
        %slice3A_311 = vector.extract_strided_slice %get3A_192 {offsets = [9], sizes = [1], strides = [1]} : vector<16xf32> to vector<1xf32>
        %squeeze3A_312 = vector.extract %slice3A_311[0] : f32 from vector<1xf32>
        %add3A_313 = arith.constant 128 : i32
        %add3A_314 = arith.addi %mul3A_188, %add3A_313 : i32
        %add3A_315 = arith.constant 16 : i32
        %add3A_316 = arith.addi %add3A_314, %add3A_315 : i32
        %get3A_317 = arith.constant 6 : i32
        %get3A_318 = arith.index_cast %get3A_317 : i32 to index
        %get3A_319 = arith.index_cast %add3A_316 : i32 to index
        %get3A_320 = tpu.vector_load %arg5[%get3A_318, %get3A_319] {strides = array<i32>} : memref<8x2048xf32, #tpu.memory_space<vmem>>, vector<1x16xf32>,
        %get3A_321 = vector.shape_cast %get3A_320 : vector<1x16xf32> to vector<16xf32>
        %mul3A_322 = vector.broadcast %squeeze3A_312 : f32 to vector<16xf32>
        %mul3A_323 = arith.mulf %mul3A_322, %get3A_321 : vector<16xf32>
        %add3A_324 = arith.addf %add3A_270, %mul3A_323 : vector<16xf32>
        %slice3A_325 = vector.extract_strided_slice %get3A_192 {offsets = [10], sizes = [1], strides = [1]} : vector<16xf32> to vector<1xf32>
        %squeeze3A_326 = vector.extract %slice3A_325[0] : f32 from vector<1xf32>
        %add3A_327 = arith.constant 128 : i32
        %add3A_328 = arith.addi %mul3A_188, %add3A_327 : i32
        %add3A_329 = arith.constant 32 : i32
        %add3A_330 = arith.addi %add3A_328, %add3A_329 : i32
        %get3A_331 = arith.constant 6 : i32
        %get3A_332 = arith.index_cast %get3A_331 : i32 to index
        %get3A_333 = arith.index_cast %add3A_330 : i32 to index
        %get3A_334 = tpu.vector_load %arg5[%get3A_332, %get3A_333] {strides = array<i32>} : memref<8x2048xf32, #tpu.memory_space<vmem>>, vector<1x16xf32>,
        %get3A_335 = vector.shape_cast %get3A_334 : vector<1x16xf32> to vector<16xf32>
        %mul3A_336 = vector.broadcast %squeeze3A_326 : f32 to vector<16xf32>
        %mul3A_337 = arith.mulf %mul3A_336, %get3A_335 : vector<16xf32>
        %add3A_338 = arith.addf %add3A_284, %mul3A_337 : vector<16xf32>
        %slice3A_339 = vector.extract_strided_slice %get3A_192 {offsets = [11], sizes = [1], strides = [1]} : vector<16xf32> to vector<1xf32>
        %squeeze3A_340 = vector.extract %slice3A_339[0] : f32 from vector<1xf32>
        %add3A_341 = arith.constant 128 : i32
        %add3A_342 = arith.addi %mul3A_188, %add3A_341 : i32
        %add3A_343 = arith.constant 48 : i32
        %add3A_344 = arith.addi %add3A_342, %add3A_343 : i32
        %get3A_345 = arith.constant 6 : i32
        %get3A_346 = arith.index_cast %get3A_345 : i32 to index
        %get3A_347 = arith.index_cast %add3A_344 : i32 to index
        %get3A_348 = tpu.vector_load %arg5[%get3A_346, %get3A_347] {strides = array<i32>} : memref<8x2048xf32, #tpu.memory_space<vmem>>, vector<1x16xf32>,
        %get3A_349 = vector.shape_cast %get3A_348 : vector<1x16xf32> to vector<16xf32>
        %mul3A_350 = vector.broadcast %squeeze3A_340 : f32 to vector<16xf32>
        %mul3A_351 = arith.mulf %mul3A_350, %get3A_349 : vector<16xf32>
        %add3A_352 = arith.addf %add3A_298, %mul3A_351 : vector<16xf32>
        %slice3A_353 = vector.extract_strided_slice %get3A_192 {offsets = [12], sizes = [1], strides = [1]} : vector<16xf32> to vector<1xf32>
        %squeeze3A_354 = vector.extract %slice3A_353[0] : f32 from vector<1xf32>
        %add3A_355 = arith.constant 192 : i32
        %add3A_356 = arith.addi %mul3A_188, %add3A_355 : i32
        %get3A_357 = arith.constant 6 : i32
        %get3A_358 = arith.index_cast %get3A_357 : i32 to index
        %get3A_359 = arith.index_cast %add3A_356 : i32 to index
        %get3A_360 = tpu.vector_load %arg5[%get3A_358, %get3A_359] {strides = array<i32>} : memref<8x2048xf32, #tpu.memory_space<vmem>>, vector<1x16xf32>,
        %get3A_361 = vector.shape_cast %get3A_360 : vector<1x16xf32> to vector<16xf32>
        %mul3A_362 = vector.broadcast %squeeze3A_354 : f32 to vector<16xf32>
        %mul3A_363 = arith.mulf %mul3A_362, %get3A_361 : vector<16xf32>
        %add3A_364 = arith.addf %add3A_310, %mul3A_363 : vector<16xf32>
        %slice3A_365 = vector.extract_strided_slice %get3A_192 {offsets = [13], sizes = [1], strides = [1]} : vector<16xf32> to vector<1xf32>
        %squeeze3A_366 = vector.extract %slice3A_365[0] : f32 from vector<1xf32>
        %add3A_367 = arith.constant 192 : i32
        %add3A_368 = arith.addi %mul3A_188, %add3A_367 : i32
        %add3A_369 = arith.constant 16 : i32
        %add3A_370 = arith.addi %add3A_368, %add3A_369 : i32
        %get3A_371 = arith.constant 6 : i32
        %get3A_372 = arith.index_cast %get3A_371 : i32 to index
        %get3A_373 = arith.index_cast %add3A_370 : i32 to index
        %get3A_374 = tpu.vector_load %arg5[%get3A_372, %get3A_373] {strides = array<i32>} : memref<8x2048xf32, #tpu.memory_space<vmem>>, vector<1x16xf32>,
        %get3A_375 = vector.shape_cast %get3A_374 : vector<1x16xf32> to vector<16xf32>
        %mul3A_376 = vector.broadcast %squeeze3A_366 : f32 to vector<16xf32>
        %mul3A_377 = arith.mulf %mul3A_376, %get3A_375 : vector<16xf32>
        %add3A_378 = arith.addf %add3A_324, %mul3A_377 : vector<16xf32>
        %slice3A_379 = vector.extract_strided_slice %get3A_192 {offsets = [14], sizes = [1], strides = [1]} : vector<16xf32> to vector<1xf32>
        %squeeze3A_380 = vector.extract %slice3A_379[0] : f32 from vector<1xf32>
        %add3A_381 = arith.constant 192 : i32
        %add3A_382 = arith.addi %mul3A_188, %add3A_381 : i32
        %add3A_383 = arith.constant 32 : i32
        %add3A_384 = arith.addi %add3A_382, %add3A_383 : i32
        %get3A_385 = arith.constant 6 : i32
        %get3A_386 = arith.index_cast %get3A_385 : i32 to index
        %get3A_387 = arith.index_cast %add3A_384 : i32 to index
        %get3A_388 = tpu.vector_load %arg5[%get3A_386, %get3A_387] {strides = array<i32>} : memref<8x2048xf32, #tpu.memory_space<vmem>>, vector<1x16xf32>,
        %get3A_389 = vector.shape_cast %get3A_388 : vector<1x16xf32> to vector<16xf32>
        %mul3A_390 = vector.broadcast %squeeze3A_380 : f32 to vector<16xf32>
        %mul3A_391 = arith.mulf %mul3A_390, %get3A_389 : vector<16xf32>
        %add3A_392 = arith.addf %add3A_338, %mul3A_391 : vector<16xf32>
        %slice3A_393 = vector.extract_strided_slice %get3A_192 {offsets = [15], sizes = [1], strides = [1]} : vector<16xf32> to vector<1xf32>
        %squeeze3A_394 = vector.extract %slice3A_393[0] : f32 from vector<1xf32>
        %add3A_395 = arith.constant 192 : i32
        %add3A_396 = arith.addi %mul3A_188, %add3A_395 : i32
        %add3A_397 = arith.constant 48 : i32
        %add3A_398 = arith.addi %add3A_396, %add3A_397 : i32
        %get3A_399 = arith.constant 6 : i32
        %get3A_400 = arith.index_cast %get3A_399 : i32 to index
        %get3A_401 = arith.index_cast %add3A_398 : i32 to index
        %get3A_402 = tpu.vector_load %arg5[%get3A_400, %get3A_401] {strides = array<i32>} : memref<8x2048xf32, #tpu.memory_space<vmem>>, vector<1x16xf32>,
        %get3A_403 = vector.shape_cast %get3A_402 : vector<1x16xf32> to vector<16xf32>
        %mul3A_404 = vector.broadcast %squeeze3A_394 : f32 to vector<16xf32>
        %mul3A_405 = arith.mulf %mul3A_404, %get3A_403 : vector<16xf32>
        %add3A_406 = arith.addf %add3A_352, %mul3A_405 : vector<16xf32>
        scf.yield %add3A_364, %add3A_378, %add3A_392, %add3A_406 : vector<16xf32>, vector<16xf32>, vector<16xf32>, vector<16xf32>
      }
      %scan3A_145 = arith.constant 8 : i32
      %add3A_146 = arith.addf %scan3A_144#0, %scan3A_144#1 : vector<16xf32>
      %add3A_147 = arith.addf %scan3A_144#2, %scan3A_144#3 : vector<16xf32>
      %add3A_148 = arith.addf %add3A_146, %add3A_147 : vector<16xf32>
      %mul3A_149 = arith.constant 8 : i32
      %mul3A_150 = arith.muli %scan3A_10, %mul3A_149 : i32
      %add3A_151 = arith.constant 6 : i32
      %add3A_152 = arith.addi %mul3A_150, %add3A_151 : i32
      %mul3A_153 = arith.constant 16 : i32
      %mul3A_154 = arith.muli %add3A_152, %mul3A_153 : i32
      %swap3A_155 = arith.index_cast %mul3A_154 : i32 to index
      %swap3A_156 = tpu.vector_load %arg7[%swap3A_155] {strides = array<i32>} : memref<2048xf32, #tpu.memory_space<vmem>>, vector<16xf32>,
      %swap3A_157 = vector.shape_cast %swap3A_156 : vector<16xf32> to vector<16xf32>
      %swap3A_158 = vector.shape_cast %add3A_148 : vector<16xf32> to vector<16xf32>
      tpu.vector_store %arg7[%swap3A_155], %swap3A_158 {strides = array<i32>} : memref<2048xf32, #tpu.memory_space<vmem>>, vector<16xf32>,
      %broadcast_in_dim3A_159 = arith.constant 0.000000e+00 : f32
      %broadcast_in_dim3A_160 = vector.broadcast %broadcast_in_dim3A_159 : f32 to vector<16xf32>
      %scan3A_161 = arith.constant 0 : i32
      %scan3A_162 = arith.constant 8 : i32
      %scan3A_163 = arith.addi %scan3A_161, %scan3A_162 : i32
      %scan3A_164 = arith.constant 1 : i32
      %scan3A_165:4 = scf.for %scan3A_180 = %scan3A_161 to %scan3A_163 step %scan3A_164 iter_args(%scan3A_181 = %broadcast_in_dim3A_160, %scan3A_182 = %broadcast_in_dim3A_160, %scan3A_183 = %broadcast_in_dim3A_160, %scan3A_184 = %broadcast_in_dim3A_160) -> (vector<16xf32>, vector<16xf32>, vector<16xf32>, vector<16xf32>)  : i32 {
        %mul3A_185 = arith.constant 16 : i32
        %mul3A_186 = arith.muli %scan3A_180, %mul3A_185 : i32
        %mul3A_187 = arith.constant 256 : i32
        %mul3A_188 = arith.muli %scan3A_180, %mul3A_187 : i32
        %get3A = arith.constant 7 : i32
        %get3A_189 = arith.index_cast %get3A : i32 to index
        %get3A_190 = arith.index_cast %mul3A_186 : i32 to index
        %get3A_191 = tpu.vector_load %arg6[%get3A_189, %get3A_190] {strides = array<i32>} : memref<8x128xf32, #tpu.memory_space<vmem>>, vector<1x16xf32>,
        %get3A_192 = vector.shape_cast %get3A_191 : vector<1x16xf32> to vector<16xf32>
        %slice3A = vector.extract_strided_slice %get3A_192 {offsets = [0], sizes = [1], strides = [1]} : vector<16xf32> to vector<1xf32>
        %squeeze3A = vector.extract %slice3A[0] : f32 from vector<1xf32>
        %add3A_193 = arith.constant 0 : i32
        %add3A_194 = arith.addi %mul3A_188, %add3A_193 : i32
        %get3A_195 = arith.constant 7 : i32
        %get3A_196 = arith.index_cast %get3A_195 : i32 to index
        %get3A_197 = arith.index_cast %add3A_194 : i32 to index
        %get3A_198 = tpu.vector_load %arg5[%get3A_196, %get3A_197] {strides = array<i32>} : memref<8x2048xf32, #tpu.memory_space<vmem>>, vector<1x16xf32>,
        %get3A_199 = vector.shape_cast %get3A_198 : vector<1x16xf32> to vector<16xf32>
        %mul3A_200 = vector.broadcast %squeeze3A : f32 to vector<16xf32>
        %mul3A_201 = arith.mulf %mul3A_200, %get3A_199 : vector<16xf32>
        %add3A_202 = arith.addf %scan3A_181, %mul3A_201 : vector<16xf32>
        %slice3A_203 = vector.extract_strided_slice %get3A_192 {offsets = [1], sizes = [1], strides = [1]} : vector<16xf32> to vector<1xf32>
        %squeeze3A_204 = vector.extract %slice3A_203[0] : f32 from vector<1xf32>
        %add3A_205 = arith.constant 0 : i32
        %add3A_206 = arith.addi %mul3A_188, %add3A_205 : i32
        %add3A_207 = arith.constant 16 : i32
        %add3A_208 = arith.addi %add3A_206, %add3A_207 : i32
        %get3A_209 = arith.constant 7 : i32
        %get3A_210 = arith.index_cast %get3A_209 : i32 to index
        %get3A_211 = arith.index_cast %add3A_208 : i32 to index
        %get3A_212 = tpu.vector_load %arg5[%get3A_210, %get3A_211] {strides = array<i32>} : memref<8x2048xf32, #tpu.memory_space<vmem>>, vector<1x16xf32>,
        %get3A_213 = vector.shape_cast %get3A_212 : vector<1x16xf32> to vector<16xf32>
        %mul3A_214 = vector.broadcast %squeeze3A_204 : f32 to vector<16xf32>
        %mul3A_215 = arith.mulf %mul3A_214, %get3A_213 : vector<16xf32>
        %add3A_216 = arith.addf %scan3A_182, %mul3A_215 : vector<16xf32>
        %slice3A_217 = vector.extract_strided_slice %get3A_192 {offsets = [2], sizes = [1], strides = [1]} : vector<16xf32> to vector<1xf32>
        %squeeze3A_218 = vector.extract %slice3A_217[0] : f32 from vector<1xf32>
        %add3A_219 = arith.constant 0 : i32
        %add3A_220 = arith.addi %mul3A_188, %add3A_219 : i32
        %add3A_221 = arith.constant 32 : i32
        %add3A_222 = arith.addi %add3A_220, %add3A_221 : i32
        %get3A_223 = arith.constant 7 : i32
        %get3A_224 = arith.index_cast %get3A_223 : i32 to index
        %get3A_225 = arith.index_cast %add3A_222 : i32 to index
        %get3A_226 = tpu.vector_load %arg5[%get3A_224, %get3A_225] {strides = array<i32>} : memref<8x2048xf32, #tpu.memory_space<vmem>>, vector<1x16xf32>,
        %get3A_227 = vector.shape_cast %get3A_226 : vector<1x16xf32> to vector<16xf32>
        %mul3A_228 = vector.broadcast %squeeze3A_218 : f32 to vector<16xf32>
        %mul3A_229 = arith.mulf %mul3A_228, %get3A_227 : vector<16xf32>
        %add3A_230 = arith.addf %scan3A_183, %mul3A_229 : vector<16xf32>
        %slice3A_231 = vector.extract_strided_slice %get3A_192 {offsets = [3], sizes = [1], strides = [1]} : vector<16xf32> to vector<1xf32>
        %squeeze3A_232 = vector.extract %slice3A_231[0] : f32 from vector<1xf32>
        %add3A_233 = arith.constant 0 : i32
        %add3A_234 = arith.addi %mul3A_188, %add3A_233 : i32
        %add3A_235 = arith.constant 48 : i32
        %add3A_236 = arith.addi %add3A_234, %add3A_235 : i32
        %get3A_237 = arith.constant 7 : i32
        %get3A_238 = arith.index_cast %get3A_237 : i32 to index
        %get3A_239 = arith.index_cast %add3A_236 : i32 to index
        %get3A_240 = tpu.vector_load %arg5[%get3A_238, %get3A_239] {strides = array<i32>} : memref<8x2048xf32, #tpu.memory_space<vmem>>, vector<1x16xf32>,
        %get3A_241 = vector.shape_cast %get3A_240 : vector<1x16xf32> to vector<16xf32>
        %mul3A_242 = vector.broadcast %squeeze3A_232 : f32 to vector<16xf32>
        %mul3A_243 = arith.mulf %mul3A_242, %get3A_241 : vector<16xf32>
        %add3A_244 = arith.addf %scan3A_184, %mul3A_243 : vector<16xf32>
        %slice3A_245 = vector.extract_strided_slice %get3A_192 {offsets = [4], sizes = [1], strides = [1]} : vector<16xf32> to vector<1xf32>
        %squeeze3A_246 = vector.extract %slice3A_245[0] : f32 from vector<1xf32>
        %add3A_247 = arith.constant 64 : i32
        %add3A_248 = arith.addi %mul3A_188, %add3A_247 : i32
        %get3A_249 = arith.constant 7 : i32
        %get3A_250 = arith.index_cast %get3A_249 : i32 to index
        %get3A_251 = arith.index_cast %add3A_248 : i32 to index
        %get3A_252 = tpu.vector_load %arg5[%get3A_250, %get3A_251] {strides = array<i32>} : memref<8x2048xf32, #tpu.memory_space<vmem>>, vector<1x16xf32>,
        %get3A_253 = vector.shape_cast %get3A_252 : vector<1x16xf32> to vector<16xf32>
        %mul3A_254 = vector.broadcast %squeeze3A_246 : f32 to vector<16xf32>
        %mul3A_255 = arith.mulf %mul3A_254, %get3A_253 : vector<16xf32>
        %add3A_256 = arith.addf %add3A_202, %mul3A_255 : vector<16xf32>
        %slice3A_257 = vector.extract_strided_slice %get3A_192 {offsets = [5], sizes = [1], strides = [1]} : vector<16xf32> to vector<1xf32>
        %squeeze3A_258 = vector.extract %slice3A_257[0] : f32 from vector<1xf32>
        %add3A_259 = arith.constant 64 : i32
        %add3A_260 = arith.addi %mul3A_188, %add3A_259 : i32
        %add3A_261 = arith.constant 16 : i32
        %add3A_262 = arith.addi %add3A_260, %add3A_261 : i32
        %get3A_263 = arith.constant 7 : i32
        %get3A_264 = arith.index_cast %get3A_263 : i32 to index
        %get3A_265 = arith.index_cast %add3A_262 : i32 to index
        %get3A_266 = tpu.vector_load %arg5[%get3A_264, %get3A_265] {strides = array<i32>} : memref<8x2048xf32, #tpu.memory_space<vmem>>, vector<1x16xf32>,
        %get3A_267 = vector.shape_cast %get3A_266 : vector<1x16xf32> to vector<16xf32>
        %mul3A_268 = vector.broadcast %squeeze3A_258 : f32 to vector<16xf32>
        %mul3A_269 = arith.mulf %mul3A_268, %get3A_267 : vector<16xf32>
        %add3A_270 = arith.addf %add3A_216, %mul3A_269 : vector<16xf32>
        %slice3A_271 = vector.extract_strided_slice %get3A_192 {offsets = [6], sizes = [1], strides = [1]} : vector<16xf32> to vector<1xf32>
        %squeeze3A_272 = vector.extract %slice3A_271[0] : f32 from vector<1xf32>
        %add3A_273 = arith.constant 64 : i32
        %add3A_274 = arith.addi %mul3A_188, %add3A_273 : i32
        %add3A_275 = arith.constant 32 : i32
        %add3A_276 = arith.addi %add3A_274, %add3A_275 : i32
        %get3A_277 = arith.constant 7 : i32
        %get3A_278 = arith.index_cast %get3A_277 : i32 to index
        %get3A_279 = arith.index_cast %add3A_276 : i32 to index
        %get3A_280 = tpu.vector_load %arg5[%get3A_278, %get3A_279] {strides = array<i32>} : memref<8x2048xf32, #tpu.memory_space<vmem>>, vector<1x16xf32>,
        %get3A_281 = vector.shape_cast %get3A_280 : vector<1x16xf32> to vector<16xf32>
        %mul3A_282 = vector.broadcast %squeeze3A_272 : f32 to vector<16xf32>
        %mul3A_283 = arith.mulf %mul3A_282, %get3A_281 : vector<16xf32>
        %add3A_284 = arith.addf %add3A_230, %mul3A_283 : vector<16xf32>
        %slice3A_285 = vector.extract_strided_slice %get3A_192 {offsets = [7], sizes = [1], strides = [1]} : vector<16xf32> to vector<1xf32>
        %squeeze3A_286 = vector.extract %slice3A_285[0] : f32 from vector<1xf32>
        %add3A_287 = arith.constant 64 : i32
        %add3A_288 = arith.addi %mul3A_188, %add3A_287 : i32
        %add3A_289 = arith.constant 48 : i32
        %add3A_290 = arith.addi %add3A_288, %add3A_289 : i32
        %get3A_291 = arith.constant 7 : i32
        %get3A_292 = arith.index_cast %get3A_291 : i32 to index
        %get3A_293 = arith.index_cast %add3A_290 : i32 to index
        %get3A_294 = tpu.vector_load %arg5[%get3A_292, %get3A_293] {strides = array<i32>} : memref<8x2048xf32, #tpu.memory_space<vmem>>, vector<1x16xf32>,
        %get3A_295 = vector.shape_cast %get3A_294 : vector<1x16xf32> to vector<16xf32>
        %mul3A_296 = vector.broadcast %squeeze3A_286 : f32 to vector<16xf32>
        %mul3A_297 = arith.mulf %mul3A_296, %get3A_295 : vector<16xf32>
        %add3A_298 = arith.addf %add3A_244, %mul3A_297 : vector<16xf32>
        %slice3A_299 = vector.extract_strided_slice %get3A_192 {offsets = [8], sizes = [1], strides = [1]} : vector<16xf32> to vector<1xf32>
        %squeeze3A_300 = vector.extract %slice3A_299[0] : f32 from vector<1xf32>
        %add3A_301 = arith.constant 128 : i32
        %add3A_302 = arith.addi %mul3A_188, %add3A_301 : i32
        %get3A_303 = arith.constant 7 : i32
        %get3A_304 = arith.index_cast %get3A_303 : i32 to index
        %get3A_305 = arith.index_cast %add3A_302 : i32 to index
        %get3A_306 = tpu.vector_load %arg5[%get3A_304, %get3A_305] {strides = array<i32>} : memref<8x2048xf32, #tpu.memory_space<vmem>>, vector<1x16xf32>,
        %get3A_307 = vector.shape_cast %get3A_306 : vector<1x16xf32> to vector<16xf32>
        %mul3A_308 = vector.broadcast %squeeze3A_300 : f32 to vector<16xf32>
        %mul3A_309 = arith.mulf %mul3A_308, %get3A_307 : vector<16xf32>
        %add3A_310 = arith.addf %add3A_256, %mul3A_309 : vector<16xf32>
        %slice3A_311 = vector.extract_strided_slice %get3A_192 {offsets = [9], sizes = [1], strides = [1]} : vector<16xf32> to vector<1xf32>
        %squeeze3A_312 = vector.extract %slice3A_311[0] : f32 from vector<1xf32>
        %add3A_313 = arith.constant 128 : i32
        %add3A_314 = arith.addi %mul3A_188, %add3A_313 : i32
        %add3A_315 = arith.constant 16 : i32
        %add3A_316 = arith.addi %add3A_314, %add3A_315 : i32
        %get3A_317 = arith.constant 7 : i32
        %get3A_318 = arith.index_cast %get3A_317 : i32 to index
        %get3A_319 = arith.index_cast %add3A_316 : i32 to index
        %get3A_320 = tpu.vector_load %arg5[%get3A_318, %get3A_319] {strides = array<i32>} : memref<8x2048xf32, #tpu.memory_space<vmem>>, vector<1x16xf32>,
        %get3A_321 = vector.shape_cast %get3A_320 : vector<1x16xf32> to vector<16xf32>
        %mul3A_322 = vector.broadcast %squeeze3A_312 : f32 to vector<16xf32>
        %mul3A_323 = arith.mulf %mul3A_322, %get3A_321 : vector<16xf32>
        %add3A_324 = arith.addf %add3A_270, %mul3A_323 : vector<16xf32>
        %slice3A_325 = vector.extract_strided_slice %get3A_192 {offsets = [10], sizes = [1], strides = [1]} : vector<16xf32> to vector<1xf32>
        %squeeze3A_326 = vector.extract %slice3A_325[0] : f32 from vector<1xf32>
        %add3A_327 = arith.constant 128 : i32
        %add3A_328 = arith.addi %mul3A_188, %add3A_327 : i32
        %add3A_329 = arith.constant 32 : i32
        %add3A_330 = arith.addi %add3A_328, %add3A_329 : i32
        %get3A_331 = arith.constant 7 : i32
        %get3A_332 = arith.index_cast %get3A_331 : i32 to index
        %get3A_333 = arith.index_cast %add3A_330 : i32 to index
        %get3A_334 = tpu.vector_load %arg5[%get3A_332, %get3A_333] {strides = array<i32>} : memref<8x2048xf32, #tpu.memory_space<vmem>>, vector<1x16xf32>,
        %get3A_335 = vector.shape_cast %get3A_334 : vector<1x16xf32> to vector<16xf32>
        %mul3A_336 = vector.broadcast %squeeze3A_326 : f32 to vector<16xf32>
        %mul3A_337 = arith.mulf %mul3A_336, %get3A_335 : vector<16xf32>
        %add3A_338 = arith.addf %add3A_284, %mul3A_337 : vector<16xf32>
        %slice3A_339 = vector.extract_strided_slice %get3A_192 {offsets = [11], sizes = [1], strides = [1]} : vector<16xf32> to vector<1xf32>
        %squeeze3A_340 = vector.extract %slice3A_339[0] : f32 from vector<1xf32>
        %add3A_341 = arith.constant 128 : i32
        %add3A_342 = arith.addi %mul3A_188, %add3A_341 : i32
        %add3A_343 = arith.constant 48 : i32
        %add3A_344 = arith.addi %add3A_342, %add3A_343 : i32
        %get3A_345 = arith.constant 7 : i32
        %get3A_346 = arith.index_cast %get3A_345 : i32 to index
        %get3A_347 = arith.index_cast %add3A_344 : i32 to index
        %get3A_348 = tpu.vector_load %arg5[%get3A_346, %get3A_347] {strides = array<i32>} : memref<8x2048xf32, #tpu.memory_space<vmem>>, vector<1x16xf32>,
        %get3A_349 = vector.shape_cast %get3A_348 : vector<1x16xf32> to vector<16xf32>
        %mul3A_350 = vector.broadcast %squeeze3A_340 : f32 to vector<16xf32>
        %mul3A_351 = arith.mulf %mul3A_350, %get3A_349 : vector<16xf32>
        %add3A_352 = arith.addf %add3A_298, %mul3A_351 : vector<16xf32>
        %slice3A_353 = vector.extract_strided_slice %get3A_192 {offsets = [12], sizes = [1], strides = [1]} : vector<16xf32> to vector<1xf32>
        %squeeze3A_354 = vector.extract %slice3A_353[0] : f32 from vector<1xf32>
        %add3A_355 = arith.constant 192 : i32
        %add3A_356 = arith.addi %mul3A_188, %add3A_355 : i32
        %get3A_357 = arith.constant 7 : i32
        %get3A_358 = arith.index_cast %get3A_357 : i32 to index
        %get3A_359 = arith.index_cast %add3A_356 : i32 to index
        %get3A_360 = tpu.vector_load %arg5[%get3A_358, %get3A_359] {strides = array<i32>} : memref<8x2048xf32, #tpu.memory_space<vmem>>, vector<1x16xf32>,
        %get3A_361 = vector.shape_cast %get3A_360 : vector<1x16xf32> to vector<16xf32>
        %mul3A_362 = vector.broadcast %squeeze3A_354 : f32 to vector<16xf32>
        %mul3A_363 = arith.mulf %mul3A_362, %get3A_361 : vector<16xf32>
        %add3A_364 = arith.addf %add3A_310, %mul3A_363 : vector<16xf32>
        %slice3A_365 = vector.extract_strided_slice %get3A_192 {offsets = [13], sizes = [1], strides = [1]} : vector<16xf32> to vector<1xf32>
        %squeeze3A_366 = vector.extract %slice3A_365[0] : f32 from vector<1xf32>
        %add3A_367 = arith.constant 192 : i32
        %add3A_368 = arith.addi %mul3A_188, %add3A_367 : i32
        %add3A_369 = arith.constant 16 : i32
        %add3A_370 = arith.addi %add3A_368, %add3A_369 : i32
        %get3A_371 = arith.constant 7 : i32
        %get3A_372 = arith.index_cast %get3A_371 : i32 to index
        %get3A_373 = arith.index_cast %add3A_370 : i32 to index
        %get3A_374 = tpu.vector_load %arg5[%get3A_372, %get3A_373] {strides = array<i32>} : memref<8x2048xf32, #tpu.memory_space<vmem>>, vector<1x16xf32>,
        %get3A_375 = vector.shape_cast %get3A_374 : vector<1x16xf32> to vector<16xf32>
        %mul3A_376 = vector.broadcast %squeeze3A_366 : f32 to vector<16xf32>
        %mul3A_377 = arith.mulf %mul3A_376, %get3A_375 : vector<16xf32>
        %add3A_378 = arith.addf %add3A_324, %mul3A_377 : vector<16xf32>
        %slice3A_379 = vector.extract_strided_slice %get3A_192 {offsets = [14], sizes = [1], strides = [1]} : vector<16xf32> to vector<1xf32>
        %squeeze3A_380 = vector.extract %slice3A_379[0] : f32 from vector<1xf32>
        %add3A_381 = arith.constant 192 : i32
        %add3A_382 = arith.addi %mul3A_188, %add3A_381 : i32
        %add3A_383 = arith.constant 32 : i32
        %add3A_384 = arith.addi %add3A_382, %add3A_383 : i32
        %get3A_385 = arith.constant 7 : i32
        %get3A_386 = arith.index_cast %get3A_385 : i32 to index
        %get3A_387 = arith.index_cast %add3A_384 : i32 to index
        %get3A_388 = tpu.vector_load %arg5[%get3A_386, %get3A_387] {strides = array<i32>} : memref<8x2048xf32, #tpu.memory_space<vmem>>, vector<1x16xf32>,
        %get3A_389 = vector.shape_cast %get3A_388 : vector<1x16xf32> to vector<16xf32>
        %mul3A_390 = vector.broadcast %squeeze3A_380 : f32 to vector<16xf32>
        %mul3A_391 = arith.mulf %mul3A_390, %get3A_389 : vector<16xf32>
        %add3A_392 = arith.addf %add3A_338, %mul3A_391 : vector<16xf32>
        %slice3A_393 = vector.extract_strided_slice %get3A_192 {offsets = [15], sizes = [1], strides = [1]} : vector<16xf32> to vector<1xf32>
        %squeeze3A_394 = vector.extract %slice3A_393[0] : f32 from vector<1xf32>
        %add3A_395 = arith.constant 192 : i32
        %add3A_396 = arith.addi %mul3A_188, %add3A_395 : i32
        %add3A_397 = arith.constant 48 : i32
        %add3A_398 = arith.addi %add3A_396, %add3A_397 : i32
        %get3A_399 = arith.constant 7 : i32
        %get3A_400 = arith.index_cast %get3A_399 : i32 to index
        %get3A_401 = arith.index_cast %add3A_398 : i32 to index
        %get3A_402 = tpu.vector_load %arg5[%get3A_400, %get3A_401] {strides = array<i32>} : memref<8x2048xf32, #tpu.memory_space<vmem>>, vector<1x16xf32>,
        %get3A_403 = vector.shape_cast %get3A_402 : vector<1x16xf32> to vector<16xf32>
        %mul3A_404 = vector.broadcast %squeeze3A_394 : f32 to vector<16xf32>
        %mul3A_405 = arith.mulf %mul3A_404, %get3A_403 : vector<16xf32>
        %add3A_406 = arith.addf %add3A_352, %mul3A_405 : vector<16xf32>
        scf.yield %add3A_364, %add3A_378, %add3A_392, %add3A_406 : vector<16xf32>, vector<16xf32>, vector<16xf32>, vector<16xf32>
      }
      %scan3A_166 = arith.constant 8 : i32
      %add3A_167 = arith.addf %scan3A_165#0, %scan3A_165#1 : vector<16xf32>
      %add3A_168 = arith.addf %scan3A_165#2, %scan3A_165#3 : vector<16xf32>
      %add3A_169 = arith.addf %add3A_167, %add3A_168 : vector<16xf32>
      %mul3A_170 = arith.constant 8 : i32
      %mul3A_171 = arith.muli %scan3A_10, %mul3A_170 : i32
      %add3A_172 = arith.constant 7 : i32
      %add3A_173 = arith.addi %mul3A_171, %add3A_172 : i32
      %mul3A_174 = arith.constant 16 : i32
      %mul3A_175 = arith.muli %add3A_173, %mul3A_174 : i32
      %swap3A_176 = arith.index_cast %mul3A_175 : i32 to index
      %swap3A_177 = tpu.vector_load %arg7[%swap3A_176] {strides = array<i32>} : memref<2048xf32, #tpu.memory_space<vmem>>, vector<16xf32>,
      %swap3A_178 = vector.shape_cast %swap3A_177 : vector<16xf32> to vector<16xf32>
      %swap3A_179 = vector.shape_cast %add3A_169 : vector<16xf32> to vector<16xf32>
      tpu.vector_store %arg7[%swap3A_176], %swap3A_179 {strides = array<i32>} : memref<2048xf32, #tpu.memory_space<vmem>>, vector<16xf32>,
    }
    %scan3A_7 = arith.constant 16 : i32
    %mul3A_8 = arith.constant 16 : i32
    %mul3A_9 = arith.muli %mul3A_2, %mul3A_8 : i32
    "tpu.region"() ({
      %run_scoped3A = tpu.sem_alloc : memref<!tpu.dma_semaphore, #tpu.memory_space<semaphore_mem>>
      %dma_start3A = tpu.memref_slice %arg4[%mul3A_9] : memref<65536xf32, #tpu.memory_space<hbm>> -> memref<2048xf32, #tpu.memory_space<hbm>>
      %dma_start3A_10 = tpu.memref_slice %arg4[%mul3A_9] : memref<65536xf32, #tpu.memory_space<hbm>> -> memref<2048xf32, #tpu.memory_space<hbm>>
      tpu.enqueue_dma source(%arg7 : memref<2048xf32, #tpu.memory_space<vmem>>) target(%dma_start3A_10 : memref<2048xf32, #tpu.memory_space<hbm>>) target_semaphore(%run_scoped3A : memref<!tpu.dma_semaphore, #tpu.memory_space<semaphore_mem>>)
      %dma_wait3A = tpu.memref_slice %arg4[%mul3A_9] : memref<65536xf32, #tpu.memory_space<hbm>> -> memref<2048xf32, #tpu.memory_space<hbm>>
      %dma_wait3A_11 = tpu.memref_slice %arg4[%mul3A_9] : memref<65536xf32, #tpu.memory_space<hbm>> -> memref<2048xf32, #tpu.memory_space<hbm>>
      tpu.wait_dma2 semaphore(%run_scoped3A : memref<!tpu.dma_semaphore, #tpu.memory_space<semaphore_mem>>) src(%arg7 : memref<2048xf32, #tpu.memory_space<vmem>>) dst(%dma_wait3A_11 : memref<2048xf32, #tpu.memory_space<hbm>>)
      tpu.yield
    }) : () -> ()
    return
  }
}

module attributes {stable_mosaic.version = 14 : i64} {
  func.func @_dense_kernel(%arg0: i32, %arg1: memref<2x128x512xf32, #tpu.memory_space<vmem>>, %arg2: memref<2x128x128xf32, #tpu.memory_space<vmem>>, %arg3: memref<512x1024xbf16, #tpu.memory_space<vmem>>, %arg4: memref<1x512xf32, #tpu.memory_space<vmem>>, %arg5: memref<2x128x512xbf16, #tpu.memory_space<vmem>>) attributes {dimension_semantics = [#tpu.dimension_semantics<arbitrary>], iteration_bounds = array<i64: 16>, scalar_prefetch = 0 : i64, scratch_operands = 0 : i64, tpu.core_type = #tpu.core_type<tc>, window_params = [{transform_indices = @transform_0, window_bounds = array<i64: 2, 128, 512>}, {transform_indices = @transform_1, window_bounds = array<i64: 2, 128, 128>}, {pipeline_mode = #tpu.pipeline_mode<synchronous>, transform_indices = @transform_2, window_bounds = array<i64: 512, 1024>}, {pipeline_mode = #tpu.pipeline_mode<synchronous>, transform_indices = @transform_3, window_bounds = array<i64: 1, 512>}, {transform_indices = @transform_4, window_bounds = array<i64: 2, 128, 512>}]} {
    %get3A = arith.constant 0 : index
    %get3A_0 = arith.constant 0 : index
    %get3A_1 = arith.constant 0 : index
    %get3A_2 = vector.load %arg1[%get3A, %get3A_0, %get3A_1] : memref<2x128x512xf32, #tpu.memory_space<vmem>>, vector<2x128x512xf32>
    %reshape3A = vector.shape_cast %get3A_2 : vector<2x128x512xf32> to vector<256x512xf32>
    %get3A_3 = arith.constant 0 : index
    %get3A_4 = arith.constant 0 : index
    %get3A_5 = arith.constant 0 : index
    %get3A_6 = vector.load %arg2[%get3A_3, %get3A_4, %get3A_5] : memref<2x128x128xf32, #tpu.memory_space<vmem>>, vector<2x128x128xf32>
    %reshape3A_7 = vector.shape_cast %get3A_6 : vector<2x128x128xf32> to vector<256x128xf32>
    %reduce_sum3A = arith.constant dense<0.000000e+00> : vector<256xf32>
    %reduce_sum3A_8 = vector.multi_reduction <add>, %reshape3A_7, %reduce_sum3A [1] : vector<256x128xf32> to vector<256xf32>
    %broadcast_in_dim3A = vector.shape_cast %reduce_sum3A_8 : vector<256xf32> to vector<256x1xf32>
    %convert_element_type3A = arith.truncf %reshape3A : vector<256x512xf32> to vector<256x512xbf16>
    %get3A_9 = arith.constant 0 : index
    %get3A_10 = arith.constant 0 : index
    %get3A_11 = vector.load %arg3[%get3A_9, %get3A_10] : memref<512x1024xbf16, #tpu.memory_space<vmem>>, vector<512x1024xbf16>
    %dot_general3A = arith.constant dense<0.000000e+00> : vector<256x1024xf32>
    %dot_general3A_12 = tpu.matmul %convert_element_type3A, %get3A_11, %dot_general3A {dimension_numbers = #tpu.dot_dimension_numbers<[1], [0], [0], [1], [0, 0, 1, 1], [], []>, transpose_lhs_hint = false} : vector<256x512xbf16>, vector<512x1024xbf16>, vector<256x1024xf32> -> vector<256x1024xf32>
    %slice3A = vector.extract_strided_slice %dot_general3A_12 {offsets = [0, 0], sizes = [256, 512], strides = [1, 1]} : vector<256x1024xf32> to vector<256x512xf32>
    %slice3A_13 = vector.extract_strided_slice %dot_general3A_12 {offsets = [0, 512], sizes = [256, 512], strides = [1, 1]} : vector<256x1024xf32> to vector<256x512xf32>
    %mul3A = vector.broadcast %broadcast_in_dim3A : vector<256x1xf32> to vector<256x512xf32>
    %mul3A_14 = arith.mulf %mul3A, %slice3A_13 : vector<256x512xf32>
    %add3A = arith.addf %slice3A, %mul3A_14 : vector<256x512xf32>
    %get3A_15 = arith.constant 0 : index
    %get3A_16 = arith.constant 0 : index
    %get3A_17 = vector.load %arg4[%get3A_15, %get3A_16] : memref<1x512xf32, #tpu.memory_space<vmem>>, vector<1x512xf32>
    %add3A_18 = vector.broadcast %get3A_17 : vector<1x512xf32> to vector<256x512xf32>
    %add3A_19 = arith.addf %add3A, %add3A_18 : vector<256x512xf32>
    %reshape3A_20 = vector.shape_cast %add3A_19 : vector<256x512xf32> to vector<2x128x512xf32>
    %convert_element_type3A_21 = arith.truncf %reshape3A_20 : vector<2x128x512xf32> to vector<2x128x512xbf16>
    %swap3A = arith.constant 0 : index
    %swap3A_22 = arith.constant 0 : index
    %swap3A_23 = arith.constant 0 : index
    %swap3A_24 = vector.load %arg5[%swap3A, %swap3A_22, %swap3A_23] : memref<2x128x512xbf16, #tpu.memory_space<vmem>>, vector<2x128x512xbf16>
    tpu.vector_store %arg5[%swap3A, %swap3A_22, %swap3A_23], %convert_element_type3A_21 {strides = array<i32>} : memref<2x128x512xbf16, #tpu.memory_space<vmem>>, vector<2x128x512xbf16>,
    return
  }
  func.func @transform_0(%arg0: i32) -> (i32, i32, i32) {
    %c0_i32 = arith.constant 0 : i32
    %c0_i32_0 = arith.constant 0 : i32
    %c0_i32_1 = arith.constant 0 : i32
    return %arg0, %c0_i32, %c0_i32_0 : i32, i32, i32
  }
  func.func @transform_1(%arg0: i32) -> (i32, i32, i32) {
    %c0_i32 = arith.constant 0 : i32
    %c0_i32_0 = arith.constant 0 : i32
    %c0_i32_1 = arith.constant 0 : i32
    return %arg0, %c0_i32, %c0_i32_0 : i32, i32, i32
  }
  func.func @transform_2(%arg0: i32) -> (i32, i32) {
    %c0_i32 = arith.constant 0 : i32
    %c0_i32_0 = arith.constant 0 : i32
    %c0_i32_1 = arith.constant 0 : i32
    return %c0_i32, %c0_i32_0 : i32, i32
  }
  func.func @transform_3(%arg0: i32) -> (i32, i32) {
    %c0_i32 = arith.constant 0 : i32
    %c0_i32_0 = arith.constant 0 : i32
    %c0_i32_1 = arith.constant 0 : i32
    return %c0_i32, %c0_i32_0 : i32, i32
  }
  func.func @transform_4(%arg0: i32) -> (i32, i32, i32) {
    %c0_i32 = arith.constant 0 : i32
    %c0_i32_0 = arith.constant 0 : i32
    %c0_i32_1 = arith.constant 0 : i32
    return %arg0, %c0_i32, %c0_i32_0 : i32, i32, i32
  }
}

module attributes {stable_mosaic.version = 14 : i64} {
  func.func @_final_kernel(%arg0: i32, %arg1: memref<2x128x512xbf16, #tpu.memory_space<vmem>>, %arg2: memref<256x16xf32, #tpu.memory_space<vmem>>, %arg3: memref<16x512xbf16, #tpu.memory_space<vmem>>, %arg4: memref<2x128x512xf32, #tpu.memory_space<vmem>>) attributes {dimension_semantics = [#tpu.dimension_semantics<arbitrary>], iteration_bounds = array<i64: 16>, scalar_prefetch = 0 : i64, scratch_operands = 0 : i64, tpu.core_type = #tpu.core_type<tc>, window_params = [{transform_indices = @transform_0, window_bounds = array<i64: 2, 128, 512>}, {transform_indices = @transform_1, window_bounds = array<i64: 256, 16>}, {pipeline_mode = #tpu.pipeline_mode<synchronous>, transform_indices = @transform_2, window_bounds = array<i64: 16, 512>}, {transform_indices = @transform_3, window_bounds = array<i64: 2, 128, 512>}]} {
    %get3A = arith.constant 0 : index
    %get3A_0 = arith.constant 0 : index
    %get3A_1 = vector.load %arg2[%get3A, %get3A_0] : memref<256x16xf32, #tpu.memory_space<vmem>>, vector<256x16xf32>
    %convert_element_type3A = arith.truncf %get3A_1 : vector<256x16xf32> to vector<256x16xbf16>
    %get3A_2 = arith.constant 0 : index
    %get3A_3 = arith.constant 0 : index
    %get3A_4 = vector.load %arg3[%get3A_2, %get3A_3] : memref<16x512xbf16, #tpu.memory_space<vmem>>, vector<16x512xbf16>
    %dot_general3A = arith.constant dense<0.000000e+00> : vector<256x512xf32>
    %dot_general3A_5 = tpu.matmul %convert_element_type3A, %get3A_4, %dot_general3A {dimension_numbers = #tpu.dot_dimension_numbers<[1], [0], [0], [1], [0, 0, 1, 1], [], []>, transpose_lhs_hint = false} : vector<256x16xbf16>, vector<16x512xbf16>, vector<256x512xf32> -> vector<256x512xf32>
    %get3A_6 = arith.constant 0 : index
    %get3A_7 = arith.constant 0 : index
    %get3A_8 = arith.constant 0 : index
    %get3A_9 = vector.load %arg1[%get3A_6, %get3A_7, %get3A_8] : memref<2x128x512xbf16, #tpu.memory_space<vmem>>, vector<2x128x512xbf16>
    %reshape3A = vector.shape_cast %get3A_9 : vector<2x128x512xbf16> to vector<256x512xbf16>
    %convert_element_type3A_10 = arith.extf %reshape3A : vector<256x512xbf16> to vector<256x512xf32>
    %add3A = arith.addf %dot_general3A_5, %convert_element_type3A_10 : vector<256x512xf32>
    %reshape3A_11 = vector.shape_cast %add3A : vector<256x512xf32> to vector<2x128x512xf32>
    %swap3A = arith.constant 0 : index
    %swap3A_12 = arith.constant 0 : index
    %swap3A_13 = arith.constant 0 : index
    %swap3A_14 = vector.load %arg4[%swap3A, %swap3A_12, %swap3A_13] : memref<2x128x512xf32, #tpu.memory_space<vmem>>, vector<2x128x512xf32>
    tpu.vector_store %arg4[%swap3A, %swap3A_12, %swap3A_13], %reshape3A_11 {strides = array<i32>} : memref<2x128x512xf32, #tpu.memory_space<vmem>>, vector<2x128x512xf32>,
    return
  }
  func.func @transform_0(%arg0: i32) -> (i32, i32, i32) {
    %c0_i32 = arith.constant 0 : i32
    %c0_i32_0 = arith.constant 0 : i32
    %c0_i32_1 = arith.constant 0 : i32
    return %arg0, %c0_i32, %c0_i32_0 : i32, i32, i32
  }
  func.func @transform_1(%arg0: i32) -> (i32, i32) {
    %c0_i32 = arith.constant 0 : i32
    %c0_i32_0 = arith.constant 0 : i32
    return %arg0, %c0_i32 : i32, i32
  }
  func.func @transform_2(%arg0: i32) -> (i32, i32) {
    %c0_i32 = arith.constant 0 : i32
    %c0_i32_0 = arith.constant 0 : i32
    %c0_i32_1 = arith.constant 0 : i32
    return %c0_i32, %c0_i32_0 : i32, i32
  }
  func.func @transform_3(%arg0: i32) -> (i32, i32, i32) {
    %c0_i32 = arith.constant 0 : i32
    %c0_i32_0 = arith.constant 0 : i32
    %c0_i32_1 = arith.constant 0 : i32
    return %arg0, %c0_i32, %c0_i32_0 : i32, i32, i32
  }
}

</mosaic_0001>

<sc_bundles>
// kernel: kernel.5.cloned.1.call-start
scs
__scs_entry_jumppad:
0x0: {  	(pc) =	sbr.rel $0x88, $3  }
0x1: {  	(tag) =	ssettag $0x0;
	lr =	simm.s32 $0x1  }
0x2: {  	[smem:$0x3F9B] =	sst lr;
	_ =	strace $0xD0000000  }
0x3: {  	_ = 	snop  }
0x4: {  	_ = 	snop  }
0x5: {  	_ = 	snop  }
0x6: {  	_ = 	snop  }
0x7: {  	_ = 	snop  }
__scs_overlays_trampoline_lowered:
0x8: {  	[smem:$0x3FAA] =	sst s0  }
0x9: {  	[smem:$0x3FAB] =	sst s1  }
0xa: {  	[smem:$0x3FAC] =	sst s2  }
0xb: {  	[smem:$0x3FAD] =	sst s3  }
0xc: {  	[smem:$0x3FAE] =	sst s4  }
0xd: {  	[smem:$0x3FAF] =	sst s5  }
0xe: {  	[smem:$0x3FB0] =	sst s6  }
0xf: {  	[smem:$0x3FB1] =	sst s7  }
0x10: {  	[smem:$0x3FB2] =	sst s8  }
0x11: {  	[smem:$0x3FB3] =	sst s9;
	s0 =	simm.s32 @!p0 $0x0  }
0x12: {  	s1 =	sld [smem:$0x3F99];
	s0 =	simm.s32 @p0 $0x1  }
0x13: {  	[smem:$0x3FB4] =	sst s0;
	s0 =	simm.s32 @!p1 $0x0  }
0x14: {  	s2 =	sld [smem:$0x3F98];
	s0 =	simm.s32 @p1 $0x1  }
0x15: {  	[smem:$0x3FB5] =	sst s0;
	s0 =	simm.s32 @!p2 $0x0  }
0x16: {  	s3 =	sld [smem:$0x3FDB];
	s0 =	simm.s32 @p2 $0x1  }
0x17: {  	s4 =	simm.s32 $0x1BF5;
	[smem:$0x3FB7] =	sst s0  }
0x18: {  	s0 =	sld [smem:$0x3F9A];
	_ =	swait.ge [sflag:s4], $0x0  }
0x19: {  	s7 =	sld [smem:$0x3F9B]  }
0x1a: {  	s8 =	sadd.s32 $0xFFFFE003, lr  }
0x1b: {  	s9 =	sadd.s32 $0xFFFFFEF7, lr;
	s5 =	simm.s32 $0xFFFFFFFF;
	p2 =	slt.u32 s8, $0xFFFFF086  }
0x1c: {  	p1 =	slt.u32 s9, $0xF7A;
	s5 =	simm.s32 @!p2 $0x0  }
0x1d: {  	s5 =	simm.s32 @p1 $0x1;
	p0 =	seq.s32 s7, s2  }
0x1e: {  	s7 =	smul.u32 @!p0 $0xF7A, s2;
	p2 =	seq.s32 @!p0 s5, $0x0  }
0x1f: {  	s9 =	smul.u32 $0xF7A, s1;
	s8 =	simm.s32 @!p0 $0x1BF5;
	p2 =	por !p2, p0  }
0x20: {  	[sflag:s8] =	ssyncset.s32 @!p0 $0xFFFFF086;
	s6 =	sadd.s32 @!p0 s3, s7;
	s7 =	simm.s32 @!p0 $0x108  }
0x21: {  	s3 =	sadd.s32 s3, s9;
	s6 =	sadd.s32 @!p0 $0x88, s6;
	s7 =	simm.s32 @p2 $0x1082  }
0x22: {  	[simem:s7], [sflag:s8] =	dma.local @!p0 [hbm:s6], $0xF7A  }
0x23: {  	s9 =	sor.u32 $0xD0000000, s2;
	s6 =	simm.s32 $0x108;
	_ =	swait.ge @!p0 [sflag:s8], $0x0  }
0x24: {  	s3 =	sadd.s32 $0x88, s3;
	s6 =	simm.s32 @!p1 $0x1082;
	[sflag:s4] =	ssyncset.s32 $0xFFFFF086  }
0x25: {  	[simem:s6], [sflag:s4] =	dma.local [hbm:s3], $0xF7A  }
0x26: {  	[smem:$0x3F9B] =	sst s1;
	(tag) =	ssettag s2;
	_ =	strace s9  }
0x27: {  	s1 =	sld [smem:$0x3FAB]  }
0x28: {  	s2 =	sld [smem:$0x3FAC]  }
0x29: {  	s4 =	sld [smem:$0x3FAE]  }
0x2a: {  	p0 =	seq.s32 s5, $0x0;
	s5 =	sld [smem:$0x3FAF]  }
0x2b: {  	s6 =	sld [smem:$0x3FB0]  }
0x2c: {  	s7 =	sld [smem:$0x3FB1]  }
0x2d: {  	s3 =	simm.s32 $0x108;
	s8 =	sld [smem:$0x3FB2]  }
0x2e: {  	s3 =	simm.s32 @!p0 $0x1082;
	s9 =	sld [smem:$0x3FB3]  }
0x2f: {  	lr =	sadd.s32 s0, s3;
	s0 =	sld [smem:$0x3FAA]  }
0x30: {  	s3 =	sld [smem:$0x3FAD]  }
0x31: {  	[smem:$0x3FB6] =	sst s10  }
0x32: {  	s10 =	sld [smem:$0x3FB4];
	_ =	sdelay $0x3  }
0x33: {  	p0 =	seq.s32 s10, $0x1;
	s10 =	sld [smem:$0x3FB6];
	_ =	sdelay $0x3  }
0x34: {  	[smem:$0x3FB6] =	sst s10  }
0x35: {  	s10 =	sld [smem:$0x3FB5];
	_ =	sdelay $0x3  }
0x36: {  	p1 =	seq.s32 s10, $0x1;
	s10 =	sld [smem:$0x3FB6];
	_ =	sdelay $0x3  }
0x37: {  	[smem:$0x3FB6] =	sst s10  }
0x38: {  	s10 =	sld [smem:$0x3FB7]  }
0x39: {  	_ = 	snop;
	(pc) =	sbr.ind lr, $3  }
0x3a: {  	_ = 	snop  }
0x3b: {  	_ = 	snop  }
0x3c: {  	p2 =	seq.s32 s10, $0x1;
	s10 =	sld [smem:$0x3FB6]  }
0x3d: {  	_ =	shalt  }
0x3e: {  	_ =	shalt  }
0x3f: {  	_ =	shalt  }
0x40: {  	_ =	shalt  }
0x41: {  	_ =	shalt  }
0x42: {  	_ =	shalt  }
0x43: {  	_ =	shalt  }
0x44: {  	_ =	shalt  }
0x45: {  	_ =	shalt  }
0x46: {  	_ =	shalt  }
0x47: {  	_ =	shalt  }
0x48: {  	_ =	shalt  }
0x49: {  	_ =	shalt  }
0x4a: {  	_ =	shalt  }
0x4b: {  	_ =	shalt  }
0x4c: {  	_ =	shalt  }
0x4d: {  	_ =	shalt  }
0x4e: {  	_ =	shalt  }
0x4f: {  	_ =	shalt  }
0x50: {  	_ =	shalt  }
0x51: {  	_ =	shalt  }
0x52: {  	_ =	shalt  }
0x53: {  	_ =	shalt  }
0x54: {  	_ =	shalt  }
0x55: {  	_ =	shalt  }
0x56: {  	_ =	shalt  }
0x57: {  	_ =	shalt  }
0x58: {  	_ =	shalt  }
0x59: {  	_ =	shalt  }
0x5a: {  	_ =	shalt  }
0x5b: {  	_ =	shalt  }
0x5c: {  	_ =	shalt  }
0x5d: {  	_ =	shalt  }
0x5e: {  	_ =	shalt  }
0x5f: {  	_ =	shalt  }
0x60: {  	_ =	shalt  }
0x61: {  	_ =	shalt  }
0x62: {  	_ =	shalt  }
0x63: {  	_ =	shalt  }
0x64: {  	_ =	shalt  }
0x65: {  	_ =	shalt  }
0x66: {  	_ =	shalt  }
0x67: {  	_ =	shalt  }
0x68: {  	_ =	shalt  }
0x69: {  	_ =	shalt  }
0x6a: {  	_ =	shalt  }
0x6b: {  	_ =	shalt  }
0x6c: {  	_ =	shalt  }
0x6d: {  	_ =	shalt  }
0x6e: {  	_ =	shalt  }
0x6f: {  	_ =	shalt  }
0x70: {  	_ =	shalt  }
0x71: {  	_ =	shalt  }
0x72: {  	_ =	shalt  }
0x73: {  	_ =	shalt  }
0x74: {  	_ =	shalt  }
0x75: {  	_ =	shalt  }
0x76: {  	_ =	shalt  }
0x77: {  	_ =	shalt  }
0x78: {  	_ =	shalt  }
0x79: {  	_ =	shalt  }
0x7a: {  	_ =	shalt  }
0x7b: {  	_ =	shalt  }
0x7c: {  	_ =	shalt  }
0x7d: {  	_ =	shalt  }
0x7e: {  	_ =	shalt  }
0x7f: {  	_ =	shalt  }
0x80: {  	_ =	shalt  }
0x81: {  	_ =	shalt  }
0x82: {  	_ =	shalt  }
0x83: {  	_ =	shalt  }
0x84: {  	_ =	shalt  }
0x85: {  	_ =	shalt  }
0x86: {  	_ =	shalt  }
0x87: {  	_ =	shalt  }
.Lfunc_end0:
.L_simem_size_0:
called_computation.1_lowered:
.L_overlay_start_0:
0x88: {  	s2 =	sld [smem:$0x3FD9]  }
0x89: {  	s3 =	sld [smem:$0x3FFE];
	_ =	sdelay $0x1  }
0x8a: {  	s1 =	srdreg.scid  }
0x8b: {  	s0 =	sand.u32 $0x1, s1  }
0x8c: {  	s17 =	sshll.u32 s0, $0xA;
	s2 =	sadd.s32 s3, s2  }
0x8d: {  	s2 =	sadd.s32 s2, s17  }
0x8e: {  	[smem:$0x3FC2] =	sst s2  }
0x8f: {  	_ = 	snop  }
0x90: {  	s2 =	sld [smem:$0x3FC8]  }
0x91: {  	s18 =	sld [smem:$0x3FD0];
	(tm) =	ssettm $0x1  }
0x92: {  	s4 =	sld [smem:$0x3FFB];
	_ =	sdelay $0x3  }
0x93: {  	_ =	strace s4  }
0x94: {  	s4 =	sld [smem:$0x3FFC];
	_ =	sdelay $0x3  }
0x95: {  	_ =	strace s4  }
0x96: {  	s4 =	sld [smem:$0x3FFD];
	_ =	sdelay $0x3  }
0x97: {  	_ =	strace s4  }
0x98: {  	_ =	strace $0x8FFFFFFF  }
0x99: {  	s19 =	sld [smem:$0x3FDB];
	_ =	sdelay $0x1  }
0x9a: {  	s5 =	simm.s32 $_scs_section_size  }
0x9b: {  	s6 =	simm.s32 $_size__tile_overlayer_lowered;
	s7 =	simm.s32 $_tile_overlayer_lowered  }
0x9c: {  	s22 =	simm.s32 $0x1BFF;
	s21 =	sshll.u32 s7, $0x1;
	s4 =	sadd.s32 s5, s19  }
0x9d: {  	s8 =	simm.s32 $0x0;
	s20 =	sshll.u32 s6, $0x1;
	s6 =	sadd.s32 s21, s4  }
0x9e: {  	[timem:s8], [sflag:s22] =	dma.local [hbm:s6], s20  }
0x9f: {  	_ =	swait.ge [sflag:s22], s20  }
0xa0: {  	s5 =	ssub.s32 $0x0, s20;
	[sflag:s22] =	ssyncset.done $0x0  }
0xa1: {  	[sflag:s22] =	ssyncadd.s32 s5;
	_ =	sdelay $0x1  }
0xa2: {  	s23 =	simm.s32 $0x1B8B  }
0xa3: {  	_ =	swait.ge [sflag:s23], $0x1  }
0xa4: {  	[sflag:s23] =	ssyncset.done $0x0  }
0xa5: {  	s25 =	simm.s32 $0x1B8E;
	s24 =	sld [smem:$0x3FFE];
	[sflag:s23] =	ssyncadd.s32 $0xFFFFFFFF  }
0xa6: {  	s26 =	simm.s32 $execute0_lowered;
	[smem:$0x3FD2] =	sst s25  }
0xa7: {  	s6 =	sshll.u32 s26, $0x1;
	_ =	strace $0x80000049;
	[dreg:$0x1] =	wrdreg $0xFFFFFFFF  }
0xa8: {  	s28 =	simm.s32 $_size_execute0_lowered;
	s4 =	sadd.s32 s4, s6;
	[dreg:$0x0] =	wrdreg $0x0  }
0xa9: {  	s6 =	sshll.u32 s28, $0x1;
	[dreg:$0x2] =	wrdreg s4  }
0xaa: {  	[dreg:$0x3] =	wrdreg s6  }
0xab: {  	[dreg:$0x4] =	wrdreg $0xC0  }
0xac: {  	_ =	task [dreg:s8], $0x5FFFF  }
0xad: {  	[dreg:$0x1] =	wrdreg $0xFFFFFFFF  }
0xae: {  	[dreg:$0x0] =	wrdreg $0x60  }
0xaf: {  	[dreg:$0x2] =	wrdreg s24  }
0xb0: {  	[dreg:$0x3] =	wrdreg s2  }
0xb1: {  	[dreg:$0x4] =	wrdreg s18  }
0xb2: {  	[dreg:$0x5] =	wrdreg $0x9  }
0xb3: {  	_ =	task.clear_ibuf [dreg:s8], $0x6FFFF;
	_ =	strace $0x90000049  }
0xb4: {  	s29 =	simm.s32 $0x9;
	_ =	strace $0x8000004B  }
0xb5: {  	_ =	swait.ge [sflag:s29], $0x1  }
0xb6: {  	[sflag:s29] =	ssyncadd.s32 $0xFFFFFFFF  }
0xb7: {  	_ =	strace $0x9000004B  }
0xb8: {  	_ =	sfence  }
0xb9: {  	s30 =	sld [smem:$0x0];
	_ =	sdelay $0x2  }
0xba: {  	s31 =	sshll.u32 s1, $0xD;
	s1 =	sshrl.u32 s1, $0x2  }
0xbb: {  	s3 =	sand.u32 $0x4000, s31;
	s1 =	sadd.s32 s1, s30  }
0xbc: {  	s0 =	sor.u32 s3, s0;
	s1 =	sshll.u32 s1, $0x11  }
0xbd: {  	s0 =	sor.u32 s1, s0  }
0xbe: {  	s0 =	sadd.s32 $0x8F2B, s0  }
0xbf: {  	[sflag:s0] =	ssyncadd.remote.s32 $0x1  }
0xc0: {  	_ =	sfence.sel $0xFFFF  }
0xc1: {  	[dreg:$0x0] =	wrdreg $0xFFFFFFFF;
	(pc) =	sbr.abs _section_cstart, $3  }
0xc2: {  	[dreg:$0x1] =	wrdreg $0xFFFFFFFF  }
0xc3: {  	_ =	task.clear_ibuf [dreg:s8], $0x2FFFF;
	_ =	strace $0x9FFFFFFF  }
0xc4: {  	(tm) =	ssettm $0x7FFFFFFF  }
0xc5: {  	_ =	shalt  }
tec
execute0_lowered:
.L_overlay_start_1:
0x0: {  	(tag) =	ssettag $0x1  }
0x1: {  	s4 =	rddreg [dreg:$0x0]  }
0x2: {  	s1 =	rddreg [dreg:$0x1]  }
0x3: {  	s6 =	rddreg [dreg:$0x2]  }
0x4: {  	s0 =	rddreg [dreg:$0x3];
	s3 =	simm.s32 $0x0;
	s5 =	srdreg.scid  }
0x5: {  	s2 =	stileid.u32;
	s10 =	simm.s32 $0x4400;
	s11 =	simm.s32 $0x0  }
0x6: {  	[smem:$0x7FF] =	sst s3;
	s5 =	sand.u32 $0x1, s5;
	s8 =	sshll.u32 s2, $0x1  }
0x7: {  	s4 =	sadd.s32 $0x1800, s4;
	s7 =	ssub.s32 $0x2, s5;
	s8 =	sor.u32 s5, s8  }
0x8: {  	s9 =	sshrl.u32 s7, $0x1;
	s5 =	sshll.u32 s8, $0x7;
	s8 =	sshll.u32 s8, $0x8  }
0x9: {  	_ =	strace $0x8000004A;
	s7 =	ssub.s32 s7, s9;
	s6 =	sadd.s32 s6, s8  }
0xa: {  	s8 =	simm.s32 $0x1;
	s9 =	simm.s32 $0x4000;
	s7 =	smax.u32 s7, $0x1  }
.LBB2_1:
0xb: {  	s12 =	simm.s32 $0x0  }
.LBB2_2:
0xc: {  	s13 =	sshll.u32 s12, $0x3  }
0xd: {  	s13 =	sadd.s32 s5, s13  }
0xe: {  	s14 =	sshll.u32 s13, $0x8  }
0xf: {  	s15 =	simm.s32 $0x0;
	s14 =	sadd.s32 s4, s14  }
0x10: {  	[tilespmem:s15], [sflag:$0x1] =	stream.linear.gather [hbm4b:s14+s15], $0x4000, $0x38;
	[tilespmem:$0x4C00] =	vst v63  }
0x11: {  	_ =	swait.ge [sflag:s8], $0x4000  }
0x12: {  	s13 =	sshll.u32 s13, $0x4;
	[sflag:s8] =	ssyncset.done $0x0  }
0x13: {  	s13 =	sadd.s32 s1, s13;
	[sflag:s8] =	ssyncadd.s32 $0xFFFFC000  }
0x14: {  	[tilespmem:s9], [sflag:$0x1] =	stream.linear.gather [hbm4b:s13+s15], $0x400, $0x38;
	[tilespmem:$0x4C00] =	vst v63  }
0x15: {  	_ =	swait.ge [sflag:s8], $0x400  }
0x16: {  	[sflag:s8] =	ssyncset.done $0x0  }
0x17: {  	s30 =	simm.s32 $0x400;
	[sflag:s8] =	ssyncadd.s32 $0xFFFFFC00  }
0x18: {  	s31 =	simm.s32 $0x0;
	v6 =	vld [tilespmem:s30+$0xFFFFFC30]  }
0x19: {  	v4 =	vld [tilespmem:s31+$0x4000]  }
0x1a: {  	v0 =	vld [tilespmem:s30+$0x70]  }
0x1b: {  	v7 =	vld [tilespmem:s30+$0xFFFFFC00]  }
0x1c: {  	v8 =	vld [tilespmem:s30+$0xFFFFFC10]  }
0x1d: {  	v2 =	vld [tilespmem:s30+$0xFFFFFC20]  }
0x1e: {  	v5 =	vld [tilespmem:s30+$0xFFFFFC50]  }
0x1f: {  	v18 =	vld [tilespmem:s30+$0xFFFFFC40];
	v9 =	vbroadcast v4, $0x0;
	v3 =	vbroadcast v4, $0xC  }
0x20: {  	v15 =	vld [tilespmem:s30+$0x0];
	v10 =	vbroadcast v4, $0x1;
	v1 =	vbroadcast v4, $0xE  }
0x21: {  	v11 =	vld [tilespmem:s30+$0xFFFFFC60];
	v12 =	vbroadcast v4, $0x9;
	v19 =	vbroadcast v4, $0x8  }
0x22: {  	v20 =	vld [tilespmem:s30+$0x10];
	v17 =	vbroadcast v4, $0x3;
	v23 =	vbroadcast v4, $0x4  }
0x23: {  	v22 =	vld [tilespmem:s30+$0x30];
	v14 =	vbroadcast v4, $0xB;
	v21 =	vbroadcast v4, $0xA  }
0x24: {  	v29 =	vbroadcast v4, $0x6;
	v13 =	vmul.f32 v8, v10;
	v10 =	vld [tilespmem:s30+$0xFFFFFC70]  }
0x25: {  	v24 =	vimm.f32 $0.0e+00;
	v26 =	vbroadcast v4, $0x7;
	v16 =	vmul.f32 v7, v9;
	v7 =	vld [tilespmem:s30+$0x50]  }
0x26: {  	v25 =	vimm.f32 $0.0e+00;
	v9 =	vbroadcast v4, $0xF;
	v15 =	vmul.f32 v15, v19;
	v19 =	vld [tilespmem:s30+$0x20]  }
0x27: {  	v27 =	vbroadcast v4, $0x2;
	v8 =	vld [tilespmem:s30+$0x60];
	v28 =	vmul.f32 v18, v23;
	v18 =	vimm.f32 $0.0e+00  }
0x28: {  	s14 =	simm.s32 $0xC00;
	s13 =	simm.s32 $0x40;
	v23 =	vld [tilespmem:s30+$0x40];
	v0 =	vmul.f32 v0, v9;
	v9 =	vbroadcast v4, $0xD;
	v16 =	vadd.f32 v16, v24  }
.LBB2_3:
0x29: {  	s15 =	sshra.s32 s13, $0x2;
	v30 =	vld [tilespmem:s14+$0xFFFFFC30];
	p0 =	sne.s32 s13, $0x1C0;
	s13 =	sadd.s32 $0x40, s13;
	v31 =	vbroadcast v4, $0x5;
	v29 =	vmul.f32 v11, v29  }
0x2a: {  	v11 =	vadd.f32 v13, v24;
	v6 =	vmul.f32 v6, v17;
	v32 =	vld [tilespmem:s14+$0x70];
	v12 =	vmul.f32 v20, v12  }
0x2b: {  	v10 =	vmul.f32 v10, v26;
	v13 =	vadd.f32 v28, v16;
	v4 =	vld [tilespmem:s15+$0x4000];
	v16 =	vmul.f32 v19, v21  }
0x2c: {  	v21 =	vadd.f32 v6, v25;
	v5 =	vmul.f32 v5, v31;
	v17 =	vld [tilespmem:s14+$0xFFFFFC00];
	v14 =	vmul.f32 v22, v14  }
0x2d: {  	v19 =	vmul.f32 v2, v27;
	v13 =	vadd.f32 v15, v13;
	v2 =	vld [tilespmem:s14+$0xFFFFFC20];
	v3 =	vmul.f32 v23, v3  }
0x2e: {  	v20 =	vmul.f32 v7, v9;
	v11 =	vadd.f32 v5, v11;
	v10 =	vadd.f32 v10, v21;
	v15 =	vld [tilespmem:s14+$0xFFFFFC10];
	v6 =	vmovc v30  }
0x2f: {  	v7 =	vadd.f32 v19, v18;
	v18 =	vmul.f32 v8, v1;
	v5 =	vld [tilespmem:s14+$0xFFFFFC50];
	v9 =	vadd.f32 v3, v13  }
0x30: {  	v19 =	vadd.f32 v12, v11;
	v8 =	vbroadcast v4, $0x0;
	v23 =	vld [tilespmem:s14+$0xFFFFFC40];
	v3 =	vbroadcast v4, $0xC  }
0x31: {  	v7 =	vadd.f32 v29, v7;
	v12 =	vbroadcast v4, $0x1;
	v1 =	vbroadcast v4, $0xE;
	v11 =	vld [tilespmem:s14+$0xFFFFFC60]  }
0x32: {  	v22 =	vadd.f32 v14, v10;
	v8 =	vmul.f32 v17, v8;
	v21 =	vld [tilespmem:s14+$0x0];
	v17 =	vbroadcast v4, $0xF  }
0x33: {  	v26 =	vadd.f32 v16, v7;
	v13 =	vmul.f32 v15, v12;
	v10 =	vld [tilespmem:s14+$0xFFFFFC70];
	v12 =	vbroadcast v4, $0x9  }
0x34: {  	v15 =	vbroadcast v4, $0x8;
	v16 =	vadd.f32 v8, v9;
	v7 =	vld [tilespmem:s14+$0x50];
	v27 =	vmul.f32 v32, v17  }
.Ltmp0:
0x35: {  	v24 =	vadd.f32 v20, v19;
	v17 =	vbroadcast v4, $0x3;
	v9 =	vbroadcast v4, $0xD;
	v8 =	vld [tilespmem:s14+$0x60];
	(pc) =	sbr.rel @p0 .LBB2_3-.Ltmp0, $4  }
0x36: {  	v28 =	vbroadcast v4, $0x4;
	v14 =	vbroadcast v4, $0xB;
	v25 =	vadd.f32 v0, v22;
	v20 =	vld [tilespmem:s14+$0x10];
	v0 =	vmovc v27  }
0x37: {  	v18 =	vadd.f32 v18, v26;
	v15 =	vmul.f32 v21, v15;
	v19 =	vld [tilespmem:s14+$0x20];
	v21 =	vbroadcast v4, $0xA  }
0x38: {  	v29 =	vbroadcast v4, $0x6;
	v26 =	vbroadcast v4, $0x7;
	v22 =	vld [tilespmem:s14+$0x30]  }
0x39: {  	v28 =	vmul.f32 v23, v28;
	v27 =	vbroadcast v4, $0x2;
	v23 =	vld [tilespmem:s14+$0x40];
	s14 =	sadd.s32 $0x800, s14  }
0x3a: {  	v4 =	vbroadcast v4, $0x5;
	v11 =	vmul.f32 v11, v29  }
0x3b: {  	v13 =	vadd.f32 v13, v24;
	v6 =	vmul.f32 v6, v17;
	v2 =	vmul.f32 v2, v27  }
0x3c: {  	v12 =	vmul.f32 v20, v12;
	v16 =	vadd.f32 v28, v16;
	v4 =	vmul.f32 v5, v4  }
0x3d: {  	v5 =	vmul.f32 v10, v26;
	v6 =	vadd.f32 v6, v25;
	v2 =	vadd.f32 v2, v18  }
0x3e: {  	v10 =	vmul.f32 v19, v21;
	v15 =	vadd.f32 v15, v16;
	v4 =	vadd.f32 v4, v13  }
0x3f: {  	v13 =	vmul.f32 v22, v14;
	v5 =	vadd.f32 v5, v6;
	v2 =	vadd.f32 v11, v2  }
0x40: {  	v3 =	vmul.f32 v23, v3;
	v6 =	vmul.f32 v7, v9;
	v4 =	vadd.f32 v12, v4  }
0x41: {  	v1 =	vmul.f32 v8, v1;
	v5 =	vadd.f32 v13, v5;
	v2 =	vadd.f32 v10, v2  }
0x42: {  	v3 =	vadd.f32 v3, v15;
	v4 =	vadd.f32 v6, v4  }
0x43: {  	v0 =	vadd.f32 v0, v5;
	v1 =	vadd.f32 v1, v2;
	_ =	sdelay $0x1  }
0x44: {  	v2 =	vadd.f32 v4, v3;
	v0 =	vadd.f32 v0, v1;
	_ =	sdelay $0x1  }
0x45: {  	s13 =	sshll.u32 s12, $0x7;
	v0 =	vadd.f32 v0, v2  }
0x46: {  	s13 =	sand.u32 $0x3FFFFF80, s13  }
0x47: {  	s15 =	simm.s32 $0x480;
	[tilespmem:s13+$0x4400] =	vst v0  }
0x48: {  	s14 =	simm.s32 $0x0;
	v6 =	vld [tilespmem:s15+$0xFFFFFC30]  }
0x49: {  	v4 =	vld [tilespmem:s14+$0x4080]  }
0x4a: {  	v0 =	vld [tilespmem:s15+$0x70]  }
0x4b: {  	v7 =	vld [tilespmem:s15+$0xFFFFFC00]  }
0x4c: {  	v8 =	vld [tilespmem:s15+$0xFFFFFC10]  }
0x4d: {  	v2 =	vld [tilespmem:s15+$0xFFFFFC20]  }
0x4e: {  	v5 =	vld [tilespmem:s15+$0xFFFFFC50]  }
0x4f: {  	v18 =	vld [tilespmem:s15+$0xFFFFFC40];
	v9 =	vbroadcast v4, $0x0;
	v3 =	vbroadcast v4, $0xC  }
0x50: {  	v15 =	vld [tilespmem:s15+$0x0];
	v10 =	vbroadcast v4, $0x1;
	v1 =	vbroadcast v4, $0xE  }
0x51: {  	v11 =	vld [tilespmem:s15+$0xFFFFFC60];
	v12 =	vbroadcast v4, $0x9;
	v19 =	vbroadcast v4, $0x8  }
0x52: {  	v20 =	vld [tilespmem:s15+$0x10];
	v17 =	vbroadcast v4, $0x3;
	v23 =	vbroadcast v4, $0x4  }
0x53: {  	v22 =	vld [tilespmem:s15+$0x30];
	v14 =	vbroadcast v4, $0xB;
	v21 =	vbroadcast v4, $0xA  }
0x54: {  	v29 =	vbroadcast v4, $0x6;
	v13 =	vmul.f32 v8, v10;
	v10 =	vld [tilespmem:s15+$0xFFFFFC70]  }
0x55: {  	v24 =	vimm.f32 $0.0e+00;
	v26 =	vbroadcast v4, $0x7;
	v16 =	vmul.f32 v7, v9;
	v7 =	vld [tilespmem:s15+$0x50]  }
0x56: {  	v25 =	vimm.f32 $0.0e+00;
	v9 =	vbroadcast v4, $0xF;
	v15 =	vmul.f32 v15, v19;
	v19 =	vld [tilespmem:s15+$0x20]  }
0x57: {  	v27 =	vbroadcast v4, $0x2;
	v8 =	vld [tilespmem:s15+$0x60];
	v28 =	vmul.f32 v18, v23;
	v18 =	vimm.f32 $0.0e+00  }
0x58: {  	s14 =	simm.s32 $0x40;
	v23 =	vld [tilespmem:s15+$0x40];
	s15 =	simm.s32 $0xC80;
	v0 =	vmul.f32 v0, v9;
	v9 =	vbroadcast v4, $0xD;
	v16 =	vadd.f32 v16, v24  }
.LBB2_5:
0x59: {  	s16 =	sshra.s32 s14, $0x2;
	v30 =	vld [tilespmem:s15+$0xFFFFFC30];
	p0 =	sne.s32 s14, $0x1C0;
	s14 =	sadd.s32 $0x40, s14;
	v31 =	vbroadcast v4, $0x5;
	v29 =	vmul.f32 v11, v29  }
0x5a: {  	v11 =	vadd.f32 v13, v24;
	v6 =	vmul.f32 v6, v17;
	v32 =	vld [tilespmem:s15+$0x70];
	v12 =	vmul.f32 v20, v12  }
0x5b: {  	v10 =	vmul.f32 v10, v26;
	v13 =	vadd.f32 v28, v16;
	v4 =	vld [tilespmem:s16+$0x4080];
	v16 =	vmul.f32 v19, v21  }
0x5c: {  	v21 =	vadd.f32 v6, v25;
	v5 =	vmul.f32 v5, v31;
	v17 =	vld [tilespmem:s15+$0xFFFFFC00];
	v14 =	vmul.f32 v22, v14  }
0x5d: {  	v19 =	vmul.f32 v2, v27;
	v13 =	vadd.f32 v15, v13;
	v2 =	vld [tilespmem:s15+$0xFFFFFC20];
	v3 =	vmul.f32 v23, v3  }
0x5e: {  	v20 =	vmul.f32 v7, v9;
	v11 =	vadd.f32 v5, v11;
	v10 =	vadd.f32 v10, v21;
	v15 =	vld [tilespmem:s15+$0xFFFFFC10];
	v6 =	vmovc v30  }
0x5f: {  	v7 =	vadd.f32 v19, v18;
	v18 =	vmul.f32 v8, v1;
	v5 =	vld [tilespmem:s15+$0xFFFFFC50];
	v9 =	vadd.f32 v3, v13  }
0x60: {  	v19 =	vadd.f32 v12, v11;
	v8 =	vbroadcast v4, $0x0;
	v23 =	vld [tilespmem:s15+$0xFFFFFC40];
	v3 =	vbroadcast v4, $0xC  }
0x61: {  	v7 =	vadd.f32 v29, v7;
	v12 =	vbroadcast v4, $0x1;
	v1 =	vbroadcast v4, $0xE;
	v11 =	vld [tilespmem:s15+$0xFFFFFC60]  }
0x62: {  	v22 =	vadd.f32 v14, v10;
	v8 =	vmul.f32 v17, v8;
	v21 =	vld [tilespmem:s15+$0x0];
	v17 =	vbroadcast v4, $0xF  }
0x63: {  	v26 =	vadd.f32 v16, v7;
	v13 =	vmul.f32 v15, v12;
	v10 =	vld [tilespmem:s15+$0xFFFFFC70];
	v12 =	vbroadcast v4, $0x9  }
0x64: {  	v15 =	vbroadcast v4, $0x8;
	v16 =	vadd.f32 v8, v9;
	v7 =	vld [tilespmem:s15+$0x50];
	v27 =	vmul.f32 v32, v17  }
.Ltmp1:
0x65: {  	v24 =	vadd.f32 v20, v19;
	v17 =	vbroadcast v4, $0x3;
	v9 =	vbroadcast v4, $0xD;
	v8 =	vld [tilespmem:s15+$0x60];
	(pc) =	sbr.rel @p0 .LBB2_5-.Ltmp1, $4  }
0x66: {  	v28 =	vbroadcast v4, $0x4;
	v14 =	vbroadcast v4, $0xB;
	v25 =	vadd.f32 v0, v22;
	v20 =	vld [tilespmem:s15+$0x10];
	v0 =	vmovc v27  }
0x67: {  	v18 =	vadd.f32 v18, v26;
	v15 =	vmul.f32 v21, v15;
	v19 =	vld [tilespmem:s15+$0x20];
	v21 =	vbroadcast v4, $0xA  }
0x68: {  	v29 =	vbroadcast v4, $0x6;
	v26 =	vbroadcast v4, $0x7;
	v22 =	vld [tilespmem:s15+$0x30]  }
0x69: {  	v28 =	vmul.f32 v23, v28;
	v27 =	vbroadcast v4, $0x2;
	v23 =	vld [tilespmem:s15+$0x40];
	s15 =	sadd.s32 $0x800, s15  }
0x6a: {  	v4 =	vbroadcast v4, $0x5;
	v11 =	vmul.f32 v11, v29  }
0x6b: {  	v13 =	vadd.f32 v13, v24;
	v6 =	vmul.f32 v6, v17;
	v2 =	vmul.f32 v2, v27  }
0x6c: {  	v12 =	vmul.f32 v20, v12;
	v16 =	vadd.f32 v28, v16;
	v4 =	vmul.f32 v5, v4  }
0x6d: {  	v5 =	vmul.f32 v10, v26;
	v6 =	vadd.f32 v6, v25;
	v2 =	vadd.f32 v2, v18  }
0x6e: {  	v10 =	vmul.f32 v19, v21;
	v15 =	vadd.f32 v15, v16;
	v4 =	vadd.f32 v4, v13  }
0x6f: {  	v13 =	vmul.f32 v22, v14;
	v5 =	vadd.f32 v5, v6;
	v2 =	vadd.f32 v11, v2  }
0x70: {  	v3 =	vmul.f32 v23, v3;
	v6 =	vmul.f32 v7, v9;
	v4 =	vadd.f32 v12, v4  }
0x71: {  	v1 =	vmul.f32 v8, v1;
	v5 =	vadd.f32 v13, v5;
	v2 =	vadd.f32 v10, v2  }
0x72: {  	v3 =	vadd.f32 v3, v15;
	v4 =	vadd.f32 v6, v4  }
0x73: {  	v0 =	vadd.f32 v0, v5;
	v1 =	vadd.f32 v1, v2;
	_ =	sdelay $0x1  }
0x74: {  	v2 =	vadd.f32 v4, v3;
	v0 =	vadd.f32 v0, v1;
	_ =	sdelay $0x1  }
0x75: {  	v0 =	vadd.f32 v0, v2;
	_ =	sdelay $0x1  }
0x76: {  	s15 =	simm.s32 $0x500;
	[tilespmem:s13+$0x4410] =	vst v0  }
0x77: {  	s14 =	simm.s32 $0x0;
	v6 =	vld [tilespmem:s15+$0xFFFFFC30]  }
0x78: {  	v4 =	vld [tilespmem:s14+$0x4100]  }
0x79: {  	v0 =	vld [tilespmem:s15+$0x70]  }
0x7a: {  	v7 =	vld [tilespmem:s15+$0xFFFFFC00]  }
0x7b: {  	v8 =	vld [tilespmem:s15+$0xFFFFFC10]  }
0x7c: {  	v2 =	vld [tilespmem:s15+$0xFFFFFC20]  }
0x7d: {  	v5 =	vld [tilespmem:s15+$0xFFFFFC50]  }
0x7e: {  	v18 =	vld [tilespmem:s15+$0xFFFFFC40];
	v9 =	vbroadcast v4, $0x0;
	v3 =	vbroadcast v4, $0xC  }
0x7f: {  	v15 =	vld [tilespmem:s15+$0x0];
	v10 =	vbroadcast v4, $0x1;
	v1 =	vbroadcast v4, $0xE  }
0x80: {  	v11 =	vld [tilespmem:s15+$0xFFFFFC60];
	v12 =	vbroadcast v4, $0x9;
	v19 =	vbroadcast v4, $0x8  }
0x81: {  	v20 =	vld [tilespmem:s15+$0x10];
	v17 =	vbroadcast v4, $0x3;
	v23 =	vbroadcast v4, $0x4  }
0x82: {  	v22 =	vld [tilespmem:s15+$0x30];
	v14 =	vbroadcast v4, $0xB;
	v21 =	vbroadcast v4, $0xA  }
0x83: {  	v29 =	vbroadcast v4, $0x6;
	v13 =	vmul.f32 v8, v10;
	v10 =	vld [tilespmem:s15+$0xFFFFFC70]  }
0x84: {  	v24 =	vimm.f32 $0.0e+00;
	v26 =	vbroadcast v4, $0x7;
	v16 =	vmul.f32 v7, v9;
	v7 =	vld [tilespmem:s15+$0x50]  }
0x85: {  	v25 =	vimm.f32 $0.0e+00;
	v9 =	vbroadcast v4, $0xF;
	v15 =	vmul.f32 v15, v19;
	v19 =	vld [tilespmem:s15+$0x20]  }
0x86: {  	v27 =	vbroadcast v4, $0x2;
	v8 =	vld [tilespmem:s15+$0x60];
	v28 =	vmul.f32 v18, v23;
	v18 =	vimm.f32 $0.0e+00  }
0x87: {  	s14 =	simm.s32 $0x40;
	v23 =	vld [tilespmem:s15+$0x40];
	s15 =	simm.s32 $0xD00;
	v0 =	vmul.f32 v0, v9;
	v9 =	vbroadcast v4, $0xD;
	v16 =	vadd.f32 v16, v24  }
.LBB2_7:
0x88: {  	s16 =	sshra.s32 s14, $0x2;
	v30 =	vld [tilespmem:s15+$0xFFFFFC30];
	p0 =	sne.s32 s14, $0x1C0;
	s14 =	sadd.s32 $0x40, s14;
	v31 =	vbroadcast v4, $0x5;
	v29 =	vmul.f32 v11, v29  }
0x89: {  	v11 =	vadd.f32 v13, v24;
	v6 =	vmul.f32 v6, v17;
	v32 =	vld [tilespmem:s15+$0x70];
	v12 =	vmul.f32 v20, v12  }
0x8a: {  	v10 =	vmul.f32 v10, v26;
	v13 =	vadd.f32 v28, v16;
	v4 =	vld [tilespmem:s16+$0x4100];
	v16 =	vmul.f32 v19, v21  }
0x8b: {  	v21 =	vadd.f32 v6, v25;
	v5 =	vmul.f32 v5, v31;
	v17 =	vld [tilespmem:s15+$0xFFFFFC00];
	v14 =	vmul.f32 v22, v14  }
0x8c: {  	v19 =	vmul.f32 v2, v27;
	v13 =	vadd.f32 v15, v13;
	v2 =	vld [tilespmem:s15+$0xFFFFFC20];
	v3 =	vmul.f32 v23, v3  }
0x8d: {  	v20 =	vmul.f32 v7, v9;
	v11 =	vadd.f32 v5, v11;
	v10 =	vadd.f32 v10, v21;
	v15 =	vld [tilespmem:s15+$0xFFFFFC10];
	v6 =	vmovc v30  }
0x8e: {  	v7 =	vadd.f32 v19, v18;
	v18 =	vmul.f32 v8, v1;
	v5 =	vld [tilespmem:s15+$0xFFFFFC50];
	v9 =	vadd.f32 v3, v13  }
0x8f: {  	v19 =	vadd.f32 v12, v11;
	v8 =	vbroadcast v4, $0x0;
	v23 =	vld [tilespmem:s15+$0xFFFFFC40];
	v3 =	vbroadcast v4, $0xC  }
0x90: {  	v7 =	vadd.f32 v29, v7;
	v12 =	vbroadcast v4, $0x1;
	v1 =	vbroadcast v4, $0xE;
	v11 =	vld [tilespmem:s15+$0xFFFFFC60]  }
0x91: {  	v22 =	vadd.f32 v14, v10;
	v8 =	vmul.f32 v17, v8;
	v21 =	vld [tilespmem:s15+$0x0];
	v17 =	vbroadcast v4, $0xF  }
0x92: {  	v26 =	vadd.f32 v16, v7;
	v13 =	vmul.f32 v15, v12;
	v10 =	vld [tilespmem:s15+$0xFFFFFC70];
	v12 =	vbroadcast v4, $0x9  }
0x93: {  	v15 =	vbroadcast v4, $0x8;
	v16 =	vadd.f32 v8, v9;
	v7 =	vld [tilespmem:s15+$0x50];
	v27 =	vmul.f32 v32, v17  }
.Ltmp2:
0x94: {  	v24 =	vadd.f32 v20, v19;
	v17 =	vbroadcast v4, $0x3;
	v9 =	vbroadcast v4, $0xD;
	v8 =	vld [tilespmem:s15+$0x60];
	(pc) =	sbr.rel @p0 .LBB2_7-.Ltmp2, $4  }
0x95: {  	v28 =	vbroadcast v4, $0x4;
	v14 =	vbroadcast v4, $0xB;
	v25 =	vadd.f32 v0, v22;
	v20 =	vld [tilespmem:s15+$0x10];
	v0 =	vmovc v27  }
0x96: {  	v18 =	vadd.f32 v18, v26;
	v15 =	vmul.f32 v21, v15;
	v19 =	vld [tilespmem:s15+$0x20];
	v21 =	vbroadcast v4, $0xA  }
0x97: {  	v29 =	vbroadcast v4, $0x6;
	v26 =	vbroadcast v4, $0x7;
	v22 =	vld [tilespmem:s15+$0x30]  }
0x98: {  	v28 =	vmul.f32 v23, v28;
	v27 =	vbroadcast v4, $0x2;
	v23 =	vld [tilespmem:s15+$0x40];
	s15 =	sadd.s32 $0x800, s15  }
0x99: {  	v4 =	vbroadcast v4, $0x5;
	v11 =	vmul.f32 v11, v29  }
0x9a: {  	v13 =	vadd.f32 v13, v24;
	v6 =	vmul.f32 v6, v17;
	v2 =	vmul.f32 v2, v27  }
0x9b: {  	v12 =	vmul.f32 v20, v12;
	v16 =	vadd.f32 v28, v16;
	v4 =	vmul.f32 v5, v4  }
0x9c: {  	v5 =	vmul.f32 v10, v26;
	v6 =	vadd.f32 v6, v25;
	v2 =	vadd.f32 v2, v18  }
0x9d: {  	v10 =	vmul.f32 v19, v21;
	v15 =	vadd.f32 v15, v16;
	v4 =	vadd.f32 v4, v13  }
0x9e: {  	v13 =	vmul.f32 v22, v14;
	v5 =	vadd.f32 v5, v6;
	v2 =	vadd.f32 v11, v2  }
0x9f: {  	v3 =	vmul.f32 v23, v3;
	v6 =	vmul.f32 v7, v9;
	v4 =	vadd.f32 v12, v4  }
0xa0: {  	v1 =	vmul.f32 v8, v1;
	v5 =	vadd.f32 v13, v5;
	v2 =	vadd.f32 v10, v2  }
0xa1: {  	v3 =	vadd.f32 v3, v15;
	v4 =	vadd.f32 v6, v4  }
0xa2: {  	v0 =	vadd.f32 v0, v5;
	v1 =	vadd.f32 v1, v2;
	_ =	sdelay $0x1  }
0xa3: {  	v2 =	vadd.f32 v4, v3;
	v0 =	vadd.f32 v0, v1;
	_ =	sdelay $0x1  }
0xa4: {  	v0 =	vadd.f32 v0, v2;
	_ =	sdelay $0x1  }
0xa5: {  	s15 =	simm.s32 $0x580;
	[tilespmem:s13+$0x4420] =	vst v0  }
0xa6: {  	s14 =	simm.s32 $0x0;
	v6 =	vld [tilespmem:s15+$0xFFFFFC30]  }
0xa7: {  	v4 =	vld [tilespmem:s14+$0x4180]  }
0xa8: {  	v0 =	vld [tilespmem:s15+$0x70]  }
0xa9: {  	v7 =	vld [tilespmem:s15+$0xFFFFFC00]  }
0xaa: {  	v8 =	vld [tilespmem:s15+$0xFFFFFC10]  }
0xab: {  	v2 =	vld [tilespmem:s15+$0xFFFFFC20]  }
0xac: {  	v5 =	vld [tilespmem:s15+$0xFFFFFC50]  }
0xad: {  	v18 =	vld [tilespmem:s15+$0xFFFFFC40];
	v9 =	vbroadcast v4, $0x0;
	v3 =	vbroadcast v4, $0xC  }
0xae: {  	v15 =	vld [tilespmem:s15+$0x0];
	v10 =	vbroadcast v4, $0x1;
	v1 =	vbroadcast v4, $0xE  }
0xaf: {  	v11 =	vld [tilespmem:s15+$0xFFFFFC60];
	v12 =	vbroadcast v4, $0x9;
	v19 =	vbroadcast v4, $0x8  }
0xb0: {  	v20 =	vld [tilespmem:s15+$0x10];
	v17 =	vbroadcast v4, $0x3;
	v23 =	vbroadcast v4, $0x4  }
0xb1: {  	v22 =	vld [tilespmem:s15+$0x30];
	v14 =	vbroadcast v4, $0xB;
	v21 =	vbroadcast v4, $0xA  }
0xb2: {  	v29 =	vbroadcast v4, $0x6;
	v13 =	vmul.f32 v8, v10;
	v10 =	vld [tilespmem:s15+$0xFFFFFC70]  }
0xb3: {  	v24 =	vimm.f32 $0.0e+00;
	v26 =	vbroadcast v4, $0x7;
	v16 =	vmul.f32 v7, v9;
	v7 =	vld [tilespmem:s15+$0x50]  }
0xb4: {  	v25 =	vimm.f32 $0.0e+00;
	v9 =	vbroadcast v4, $0xF;
	v15 =	vmul.f32 v15, v19;
	v19 =	vld [tilespmem:s15+$0x20]  }
0xb5: {  	v27 =	vbroadcast v4, $0x2;
	v8 =	vld [tilespmem:s15+$0x60];
	v28 =	vmul.f32 v18, v23;
	v18 =	vimm.f32 $0.0e+00  }
0xb6: {  	s14 =	simm.s32 $0x40;
	v23 =	vld [tilespmem:s15+$0x40];
	s15 =	simm.s32 $0xD80;
	v0 =	vmul.f32 v0, v9;
	v9 =	vbroadcast v4, $0xD;
	v16 =	vadd.f32 v16, v24  }
.LBB2_9:
0xb7: {  	s16 =	sshra.s32 s14, $0x2;
	v30 =	vld [tilespmem:s15+$0xFFFFFC30];
	p0 =	sne.s32 s14, $0x1C0;
	s14 =	sadd.s32 $0x40, s14;
	v31 =	vbroadcast v4, $0x5;
	v29 =	vmul.f32 v11, v29  }
0xb8: {  	v11 =	vadd.f32 v13, v24;
	v6 =	vmul.f32 v6, v17;
	v32 =	vld [tilespmem:s15+$0x70];
	v12 =	vmul.f32 v20, v12  }
0xb9: {  	v10 =	vmul.f32 v10, v26;
	v13 =	vadd.f32 v28, v16;
	v4 =	vld [tilespmem:s16+$0x4180];
	v16 =	vmul.f32 v19, v21  }
0xba: {  	v21 =	vadd.f32 v6, v25;
	v5 =	vmul.f32 v5, v31;
	v17 =	vld [tilespmem:s15+$0xFFFFFC00];
	v14 =	vmul.f32 v22, v14  }
0xbb: {  	v19 =	vmul.f32 v2, v27;
	v13 =	vadd.f32 v15, v13;
	v2 =	vld [tilespmem:s15+$0xFFFFFC20];
	v3 =	vmul.f32 v23, v3  }
0xbc: {  	v20 =	vmul.f32 v7, v9;
	v11 =	vadd.f32 v5, v11;
	v10 =	vadd.f32 v10, v21;
	v15 =	vld [tilespmem:s15+$0xFFFFFC10];
	v6 =	vmovc v30  }
0xbd: {  	v7 =	vadd.f32 v19, v18;
	v18 =	vmul.f32 v8, v1;
	v5 =	vld [tilespmem:s15+$0xFFFFFC50];
	v9 =	vadd.f32 v3, v13  }
0xbe: {  	v19 =	vadd.f32 v12, v11;
	v8 =	vbroadcast v4, $0x0;
	v23 =	vld [tilespmem:s15+$0xFFFFFC40];
	v3 =	vbroadcast v4, $0xC  }
0xbf: {  	v7 =	vadd.f32 v29, v7;
	v12 =	vbroadcast v4, $0x1;
	v1 =	vbroadcast v4, $0xE;
	v11 =	vld [tilespmem:s15+$0xFFFFFC60]  }
0xc0: {  	v22 =	vadd.f32 v14, v10;
	v8 =	vmul.f32 v17, v8;
	v21 =	vld [tilespmem:s15+$0x0];
	v17 =	vbroadcast v4, $0xF  }
0xc1: {  	v26 =	vadd.f32 v16, v7;
	v13 =	vmul.f32 v15, v12;
	v10 =	vld [tilespmem:s15+$0xFFFFFC70];
	v12 =	vbroadcast v4, $0x9  }
0xc2: {  	v15 =	vbroadcast v4, $0x8;
	v16 =	vadd.f32 v8, v9;
	v7 =	vld [tilespmem:s15+$0x50];
	v27 =	vmul.f32 v32, v17  }
.Ltmp3:
0xc3: {  	v24 =	vadd.f32 v20, v19;
	v17 =	vbroadcast v4, $0x3;
	v9 =	vbroadcast v4, $0xD;
	v8 =	vld [tilespmem:s15+$0x60];
	(pc) =	sbr.rel @p0 .LBB2_9-.Ltmp3, $4  }
0xc4: {  	v28 =	vbroadcast v4, $0x4;
	v14 =	vbroadcast v4, $0xB;
	v25 =	vadd.f32 v0, v22;
	v20 =	vld [tilespmem:s15+$0x10];
	v0 =	vmovc v27  }
0xc5: {  	v18 =	vadd.f32 v18, v26;
	v15 =	vmul.f32 v21, v15;
	v19 =	vld [tilespmem:s15+$0x20];
	v21 =	vbroadcast v4, $0xA  }
0xc6: {  	v29 =	vbroadcast v4, $0x6;
	v26 =	vbroadcast v4, $0x7;
	v22 =	vld [tilespmem:s15+$0x30]  }
0xc7: {  	v28 =	vmul.f32 v23, v28;
	v27 =	vbroadcast v4, $0x2;
	v23 =	vld [tilespmem:s15+$0x40];
	s15 =	sadd.s32 $0x800, s15  }
0xc8: {  	v4 =	vbroadcast v4, $0x5;
	v11 =	vmul.f32 v11, v29  }
0xc9: {  	v13 =	vadd.f32 v13, v24;
	v6 =	vmul.f32 v6, v17;
	v2 =	vmul.f32 v2, v27  }
0xca: {  	v12 =	vmul.f32 v20, v12;
	v16 =	vadd.f32 v28, v16;
	v4 =	vmul.f32 v5, v4  }
0xcb: {  	v5 =	vmul.f32 v10, v26;
	v6 =	vadd.f32 v6, v25;
	v2 =	vadd.f32 v2, v18  }
0xcc: {  	v10 =	vmul.f32 v19, v21;
	v15 =	vadd.f32 v15, v16;
	v4 =	vadd.f32 v4, v13  }
0xcd: {  	v13 =	vmul.f32 v22, v14;
	v5 =	vadd.f32 v5, v6;
	v2 =	vadd.f32 v11, v2  }
0xce: {  	v3 =	vmul.f32 v23, v3;
	v6 =	vmul.f32 v7, v9;
	v4 =	vadd.f32 v12, v4  }
0xcf: {  	v1 =	vmul.f32 v8, v1;
	v5 =	vadd.f32 v13, v5;
	v2 =	vadd.f32 v10, v2  }
0xd0: {  	v3 =	vadd.f32 v3, v15;
	v4 =	vadd.f32 v6, v4  }
0xd1: {  	v0 =	vadd.f32 v0, v5;
	v1 =	vadd.f32 v1, v2;
	_ =	sdelay $0x1  }
0xd2: {  	v2 =	vadd.f32 v4, v3;
	v0 =	vadd.f32 v0, v1;
	_ =	sdelay $0x1  }
0xd3: {  	v0 =	vadd.f32 v0, v2;
	_ =	sdelay $0x1  }
0xd4: {  	s15 =	simm.s32 $0x600;
	[tilespmem:s13+$0x4430] =	vst v0  }
0xd5: {  	s14 =	simm.s32 $0x0;
	v6 =	vld [tilespmem:s15+$0xFFFFFC30]  }
0xd6: {  	v4 =	vld [tilespmem:s14+$0x4200]  }
0xd7: {  	v0 =	vld [tilespmem:s15+$0x70]  }
0xd8: {  	v7 =	vld [tilespmem:s15+$0xFFFFFC00]  }
0xd9: {  	v8 =	vld [tilespmem:s15+$0xFFFFFC10]  }
0xda: {  	v2 =	vld [tilespmem:s15+$0xFFFFFC20]  }
0xdb: {  	v5 =	vld [tilespmem:s15+$0xFFFFFC50]  }
0xdc: {  	v18 =	vld [tilespmem:s15+$0xFFFFFC40];
	v9 =	vbroadcast v4, $0x0;
	v3 =	vbroadcast v4, $0xC  }
0xdd: {  	v15 =	vld [tilespmem:s15+$0x0];
	v10 =	vbroadcast v4, $0x1;
	v1 =	vbroadcast v4, $0xE  }
0xde: {  	v11 =	vld [tilespmem:s15+$0xFFFFFC60];
	v12 =	vbroadcast v4, $0x9;
	v19 =	vbroadcast v4, $0x8  }
0xdf: {  	v20 =	vld [tilespmem:s15+$0x10];
	v17 =	vbroadcast v4, $0x3;
	v23 =	vbroadcast v4, $0x4  }
0xe0: {  	v22 =	vld [tilespmem:s15+$0x30];
	v14 =	vbroadcast v4, $0xB;
	v21 =	vbroadcast v4, $0xA  }
0xe1: {  	v29 =	vbroadcast v4, $0x6;
	v13 =	vmul.f32 v8, v10;
	v10 =	vld [tilespmem:s15+$0xFFFFFC70]  }
0xe2: {  	v24 =	vimm.f32 $0.0e+00;
	v26 =	vbroadcast v4, $0x7;
	v16 =	vmul.f32 v7, v9;
	v7 =	vld [tilespmem:s15+$0x50]  }
0xe3: {  	v25 =	vimm.f32 $0.0e+00;
	v9 =	vbroadcast v4, $0xF;
	v15 =	vmul.f32 v15, v19;
	v19 =	vld [tilespmem:s15+$0x20]  }
0xe4: {  	v27 =	vbroadcast v4, $0x2;
	v8 =	vld [tilespmem:s15+$0x60];
	v28 =	vmul.f32 v18, v23;
	v18 =	vimm.f32 $0.0e+00  }
0xe5: {  	s14 =	simm.s32 $0x40;
	v23 =	vld [tilespmem:s15+$0x40];
	s15 =	simm.s32 $0xE00;
	v0 =	vmul.f32 v0, v9;
	v9 =	vbroadcast v4, $0xD;
	v16 =	vadd.f32 v16, v24  }
.LBB2_11:
0xe6: {  	s16 =	sshra.s32 s14, $0x2;
	v30 =	vld [tilespmem:s15+$0xFFFFFC30];
	p0 =	sne.s32 s14, $0x1C0;
	s14 =	sadd.s32 $0x40, s14;
	v31 =	vbroadcast v4, $0x5;
	v29 =	vmul.f32 v11, v29  }
0xe7: {  	v11 =	vadd.f32 v13, v24;
	v6 =	vmul.f32 v6, v17;
	v32 =	vld [tilespmem:s15+$0x70];
	v12 =	vmul.f32 v20, v12  }
0xe8: {  	v10 =	vmul.f32 v10, v26;
	v13 =	vadd.f32 v28, v16;
	v4 =	vld [tilespmem:s16+$0x4200];
	v16 =	vmul.f32 v19, v21  }
0xe9: {  	v21 =	vadd.f32 v6, v25;
	v5 =	vmul.f32 v5, v31;
	v17 =	vld [tilespmem:s15+$0xFFFFFC00];
	v14 =	vmul.f32 v22, v14  }
0xea: {  	v19 =	vmul.f32 v2, v27;
	v13 =	vadd.f32 v15, v13;
	v2 =	vld [tilespmem:s15+$0xFFFFFC20];
	v3 =	vmul.f32 v23, v3  }
0xeb: {  	v20 =	vmul.f32 v7, v9;
	v11 =	vadd.f32 v5, v11;
	v10 =	vadd.f32 v10, v21;
	v15 =	vld [tilespmem:s15+$0xFFFFFC10];
	v6 =	vmovc v30  }
0xec: {  	v7 =	vadd.f32 v19, v18;
	v18 =	vmul.f32 v8, v1;
	v5 =	vld [tilespmem:s15+$0xFFFFFC50];
	v9 =	vadd.f32 v3, v13  }
0xed: {  	v19 =	vadd.f32 v12, v11;
	v8 =	vbroadcast v4, $0x0;
	v23 =	vld [tilespmem:s15+$0xFFFFFC40];
	v3 =	vbroadcast v4, $0xC  }
0xee: {  	v7 =	vadd.f32 v29, v7;
	v12 =	vbroadcast v4, $0x1;
	v1 =	vbroadcast v4, $0xE;
	v11 =	vld [tilespmem:s15+$0xFFFFFC60]  }
0xef: {  	v22 =	vadd.f32 v14, v10;
	v8 =	vmul.f32 v17, v8;
	v21 =	vld [tilespmem:s15+$0x0];
	v17 =	vbroadcast v4, $0xF  }
0xf0: {  	v26 =	vadd.f32 v16, v7;
	v13 =	vmul.f32 v15, v12;
	v10 =	vld [tilespmem:s15+$0xFFFFFC70];
	v12 =	vbroadcast v4, $0x9  }
0xf1: {  	v15 =	vbroadcast v4, $0x8;
	v16 =	vadd.f32 v8, v9;
	v7 =	vld [tilespmem:s15+$0x50];
	v27 =	vmul.f32 v32, v17  }
.Ltmp4:
0xf2: {  	v24 =	vadd.f32 v20, v19;
	v17 =	vbroadcast v4, $0x3;
	v9 =	vbroadcast v4, $0xD;
	v8 =	vld [tilespmem:s15+$0x60];
	(pc) =	sbr.rel @p0 .LBB2_11-.Ltmp4, $4  }
0xf3: {  	v28 =	vbroadcast v4, $0x4;
	v14 =	vbroadcast v4, $0xB;
	v25 =	vadd.f32 v0, v22;
	v20 =	vld [tilespmem:s15+$0x10];
	v0 =	vmovc v27  }
0xf4: {  	v18 =	vadd.f32 v18, v26;
	v15 =	vmul.f32 v21, v15;
	v19 =	vld [tilespmem:s15+$0x20];
	v21 =	vbroadcast v4, $0xA  }
0xf5: {  	v29 =	vbroadcast v4, $0x6;
	v26 =	vbroadcast v4, $0x7;
	v22 =	vld [tilespmem:s15+$0x30]  }
0xf6: {  	v28 =	vmul.f32 v23, v28;
	v27 =	vbroadcast v4, $0x2;
	v23 =	vld [tilespmem:s15+$0x40];
	s15 =	sadd.s32 $0x800, s15  }
0xf7: {  	v4 =	vbroadcast v4, $0x5;
	v11 =	vmul.f32 v11, v29  }
0xf8: {  	v13 =	vadd.f32 v13, v24;
	v6 =	vmul.f32 v6, v17;
	v2 =	vmul.f32 v2, v27  }
0xf9: {  	v12 =	vmul.f32 v20, v12;
	v16 =	vadd.f32 v28, v16;
	v4 =	vmul.f32 v5, v4  }
0xfa: {  	v5 =	vmul.f32 v10, v26;
	v6 =	vadd.f32 v6, v25;
	v2 =	vadd.f32 v2, v18  }
0xfb: {  	v10 =	vmul.f32 v19, v21;
	v15 =	vadd.f32 v15, v16;
	v4 =	vadd.f32 v4, v13  }
0xfc: {  	v13 =	vmul.f32 v22, v14;
	v5 =	vadd.f32 v5, v6;
	v2 =	vadd.f32 v11, v2  }
0xfd: {  	v3 =	vmul.f32 v23, v3;
	v6 =	vmul.f32 v7, v9;
	v4 =	vadd.f32 v12, v4  }
0xfe: {  	v1 =	vmul.f32 v8, v1;
	v5 =	vadd.f32 v13, v5;
	v2 =	vadd.f32 v10, v2  }
0xff: {  	v3 =	vadd.f32 v3, v15;
	v4 =	vadd.f32 v6, v4  }
0x100: {  	v0 =	vadd.f32 v0, v5;
	v1 =	vadd.f32 v1, v2;
	_ =	sdelay $0x1  }
0x101: {  	v2 =	vadd.f32 v4, v3;
	v0 =	vadd.f32 v0, v1;
	_ =	sdelay $0x1  }
0x102: {  	v0 =	vadd.f32 v0, v2;
	_ =	sdelay $0x1  }
0x103: {  	s15 =	simm.s32 $0x680;
	[tilespmem:s13+$0x4440] =	vst v0  }
0x104: {  	s14 =	simm.s32 $0x0;
	v6 =	vld [tilespmem:s15+$0xFFFFFC30]  }
0x105: {  	v4 =	vld [tilespmem:s14+$0x4280]  }
0x106: {  	v0 =	vld [tilespmem:s15+$0x70]  }
0x107: {  	v7 =	vld [tilespmem:s15+$0xFFFFFC00]  }
0x108: {  	v8 =	vld [tilespmem:s15+$0xFFFFFC10]  }
0x109: {  	v2 =	vld [tilespmem:s15+$0xFFFFFC20]  }
0x10a: {  	v5 =	vld [tilespmem:s15+$0xFFFFFC50]  }
0x10b: {  	v18 =	vld [tilespmem:s15+$0xFFFFFC40];
	v9 =	vbroadcast v4, $0x0;
	v3 =	vbroadcast v4, $0xC  }
0x10c: {  	v15 =	vld [tilespmem:s15+$0x0];
	v10 =	vbroadcast v4, $0x1;
	v1 =	vbroadcast v4, $0xE  }
0x10d: {  	v11 =	vld [tilespmem:s15+$0xFFFFFC60];
	v12 =	vbroadcast v4, $0x9;
	v19 =	vbroadcast v4, $0x8  }
0x10e: {  	v20 =	vld [tilespmem:s15+$0x10];
	v17 =	vbroadcast v4, $0x3;
	v23 =	vbroadcast v4, $0x4  }
0x10f: {  	v22 =	vld [tilespmem:s15+$0x30];
	v14 =	vbroadcast v4, $0xB;
	v21 =	vbroadcast v4, $0xA  }
0x110: {  	v29 =	vbroadcast v4, $0x6;
	v13 =	vmul.f32 v8, v10;
	v10 =	vld [tilespmem:s15+$0xFFFFFC70]  }
0x111: {  	v24 =	vimm.f32 $0.0e+00;
	v26 =	vbroadcast v4, $0x7;
	v16 =	vmul.f32 v7, v9;
	v7 =	vld [tilespmem:s15+$0x50]  }
0x112: {  	v25 =	vimm.f32 $0.0e+00;
	v9 =	vbroadcast v4, $0xF;
	v15 =	vmul.f32 v15, v19;
	v19 =	vld [tilespmem:s15+$0x20]  }
0x113: {  	v27 =	vbroadcast v4, $0x2;
	v8 =	vld [tilespmem:s15+$0x60];
	v28 =	vmul.f32 v18, v23;
	v18 =	vimm.f32 $0.0e+00  }
0x114: {  	s14 =	simm.s32 $0x40;
	v23 =	vld [tilespmem:s15+$0x40];
	s15 =	simm.s32 $0xE80;
	v0 =	vmul.f32 v0, v9;
	v9 =	vbroadcast v4, $0xD;
	v16 =	vadd.f32 v16, v24  }
.LBB2_13:
0x115: {  	s16 =	sshra.s32 s14, $0x2;
	v30 =	vld [tilespmem:s15+$0xFFFFFC30];
	p0 =	sne.s32 s14, $0x1C0;
	s14 =	sadd.s32 $0x40, s14;
	v31 =	vbroadcast v4, $0x5;
	v29 =	vmul.f32 v11, v29  }
0x116: {  	v11 =	vadd.f32 v13, v24;
	v6 =	vmul.f32 v6, v17;
	v32 =	vld [tilespmem:s15+$0x70];
	v12 =	vmul.f32 v20, v12  }
0x117: {  	v10 =	vmul.f32 v10, v26;
	v13 =	vadd.f32 v28, v16;
	v4 =	vld [tilespmem:s16+$0x4280];
	v16 =	vmul.f32 v19, v21  }
0x118: {  	v21 =	vadd.f32 v6, v25;
	v5 =	vmul.f32 v5, v31;
	v17 =	vld [tilespmem:s15+$0xFFFFFC00];
	v14 =	vmul.f32 v22, v14  }
0x119: {  	v19 =	vmul.f32 v2, v27;
	v13 =	vadd.f32 v15, v13;
	v2 =	vld [tilespmem:s15+$0xFFFFFC20];
	v3 =	vmul.f32 v23, v3  }
0x11a: {  	v20 =	vmul.f32 v7, v9;
	v11 =	vadd.f32 v5, v11;
	v10 =	vadd.f32 v10, v21;
	v15 =	vld [tilespmem:s15+$0xFFFFFC10];
	v6 =	vmovc v30  }
0x11b: {  	v7 =	vadd.f32 v19, v18;
	v18 =	vmul.f32 v8, v1;
	v5 =	vld [tilespmem:s15+$0xFFFFFC50];
	v9 =	vadd.f32 v3, v13  }
0x11c: {  	v19 =	vadd.f32 v12, v11;
	v8 =	vbroadcast v4, $0x0;
	v23 =	vld [tilespmem:s15+$0xFFFFFC40];
	v3 =	vbroadcast v4, $0xC  }
0x11d: {  	v7 =	vadd.f32 v29, v7;
	v12 =	vbroadcast v4, $0x1;
	v1 =	vbroadcast v4, $0xE;
	v11 =	vld [tilespmem:s15+$0xFFFFFC60]  }
0x11e: {  	v22 =	vadd.f32 v14, v10;
	v8 =	vmul.f32 v17, v8;
	v21 =	vld [tilespmem:s15+$0x0];
	v17 =	vbroadcast v4, $0xF  }
0x11f: {  	v26 =	vadd.f32 v16, v7;
	v13 =	vmul.f32 v15, v12;
	v10 =	vld [tilespmem:s15+$0xFFFFFC70];
	v12 =	vbroadcast v4, $0x9  }
0x120: {  	v15 =	vbroadcast v4, $0x8;
	v16 =	vadd.f32 v8, v9;
	v7 =	vld [tilespmem:s15+$0x50];
	v27 =	vmul.f32 v32, v17  }
.Ltmp5:
0x121: {  	v24 =	vadd.f32 v20, v19;
	v17 =	vbroadcast v4, $0x3;
	v9 =	vbroadcast v4, $0xD;
	v8 =	vld [tilespmem:s15+$0x60];
	(pc) =	sbr.rel @p0 .LBB2_13-.Ltmp5, $4  }
0x122: {  	v28 =	vbroadcast v4, $0x4;
	v14 =	vbroadcast v4, $0xB;
	v25 =	vadd.f32 v0, v22;
	v20 =	vld [tilespmem:s15+$0x10];
	v0 =	vmovc v27  }
0x123: {  	v18 =	vadd.f32 v18, v26;
	v15 =	vmul.f32 v21, v15;
	v19 =	vld [tilespmem:s15+$0x20];
	v21 =	vbroadcast v4, $0xA  }
0x124: {  	v29 =	vbroadcast v4, $0x6;
	v26 =	vbroadcast v4, $0x7;
	v22 =	vld [tilespmem:s15+$0x30]  }
0x125: {  	v28 =	vmul.f32 v23, v28;
	v27 =	vbroadcast v4, $0x2;
	v23 =	vld [tilespmem:s15+$0x40];
	s15 =	sadd.s32 $0x800, s15  }
0x126: {  	v4 =	vbroadcast v4, $0x5;
	v11 =	vmul.f32 v11, v29  }
0x127: {  	v13 =	vadd.f32 v13, v24;
	v6 =	vmul.f32 v6, v17;
	v2 =	vmul.f32 v2, v27  }
0x128: {  	v12 =	vmul.f32 v20, v12;
	v16 =	vadd.f32 v28, v16;
	v4 =	vmul.f32 v5, v4  }
0x129: {  	v5 =	vmul.f32 v10, v26;
	v6 =	vadd.f32 v6, v25;
	v2 =	vadd.f32 v2, v18  }
0x12a: {  	v10 =	vmul.f32 v19, v21;
	v15 =	vadd.f32 v15, v16;
	v4 =	vadd.f32 v4, v13  }
0x12b: {  	v13 =	vmul.f32 v22, v14;
	v5 =	vadd.f32 v5, v6;
	v2 =	vadd.f32 v11, v2  }
0x12c: {  	v3 =	vmul.f32 v23, v3;
	v6 =	vmul.f32 v7, v9;
	v4 =	vadd.f32 v12, v4  }
0x12d: {  	v1 =	vmul.f32 v8, v1;
	v5 =	vadd.f32 v13, v5;
	v2 =	vadd.f32 v10, v2  }
0x12e: {  	v3 =	vadd.f32 v3, v15;
	v4 =	vadd.f32 v6, v4  }
0x12f: {  	v0 =	vadd.f32 v0, v5;
	v1 =	vadd.f32 v1, v2;
	_ =	sdelay $0x1  }
0x130: {  	v2 =	vadd.f32 v4, v3;
	v0 =	vadd.f32 v0, v1;
	_ =	sdelay $0x1  }
0x131: {  	v0 =	vadd.f32 v0, v2;
	_ =	sdelay $0x1  }
0x132: {  	s15 =	simm.s32 $0x700;
	[tilespmem:s13+$0x4450] =	vst v0  }
0x133: {  	s14 =	simm.s32 $0x0;
	v6 =	vld [tilespmem:s15+$0xFFFFFC30]  }
0x134: {  	v4 =	vld [tilespmem:s14+$0x4300]  }
0x135: {  	v0 =	vld [tilespmem:s15+$0x70]  }
0x136: {  	v7 =	vld [tilespmem:s15+$0xFFFFFC00]  }
0x137: {  	v8 =	vld [tilespmem:s15+$0xFFFFFC10]  }
0x138: {  	v2 =	vld [tilespmem:s15+$0xFFFFFC20]  }
0x139: {  	v5 =	vld [tilespmem:s15+$0xFFFFFC50]  }
0x13a: {  	v18 =	vld [tilespmem:s15+$0xFFFFFC40];
	v9 =	vbroadcast v4, $0x0;
	v3 =	vbroadcast v4, $0xC  }
0x13b: {  	v15 =	vld [tilespmem:s15+$0x0];
	v10 =	vbroadcast v4, $0x1;
	v1 =	vbroadcast v4, $0xE  }
0x13c: {  	v11 =	vld [tilespmem:s15+$0xFFFFFC60];
	v12 =	vbroadcast v4, $0x9;
	v19 =	vbroadcast v4, $0x8  }
0x13d: {  	v20 =	vld [tilespmem:s15+$0x10];
	v17 =	vbroadcast v4, $0x3;
	v23 =	vbroadcast v4, $0x4  }
0x13e: {  	v22 =	vld [tilespmem:s15+$0x30];
	v14 =	vbroadcast v4, $0xB;
	v21 =	vbroadcast v4, $0xA  }
0x13f: {  	v29 =	vbroadcast v4, $0x6;
	v13 =	vmul.f32 v8, v10;
	v10 =	vld [tilespmem:s15+$0xFFFFFC70]  }
0x140: {  	v24 =	vimm.f32 $0.0e+00;
	v26 =	vbroadcast v4, $0x7;
	v16 =	vmul.f32 v7, v9;
	v7 =	vld [tilespmem:s15+$0x50]  }
0x141: {  	v25 =	vimm.f32 $0.0e+00;
	v9 =	vbroadcast v4, $0xF;
	v15 =	vmul.f32 v15, v19;
	v19 =	vld [tilespmem:s15+$0x20]  }
0x142: {  	v27 =	vbroadcast v4, $0x2;
	v8 =	vld [tilespmem:s15+$0x60];
	v28 =	vmul.f32 v18, v23;
	v18 =	vimm.f32 $0.0e+00  }
0x143: {  	s14 =	simm.s32 $0x40;
	v23 =	vld [tilespmem:s15+$0x40];
	s15 =	simm.s32 $0xF00;
	v0 =	vmul.f32 v0, v9;
	v9 =	vbroadcast v4, $0xD;
	v16 =	vadd.f32 v16, v24  }
.LBB2_15:
0x144: {  	s16 =	sshra.s32 s14, $0x2;
	v30 =	vld [tilespmem:s15+$0xFFFFFC30];
	p0 =	sne.s32 s14, $0x1C0;
	s14 =	sadd.s32 $0x40, s14;
	v31 =	vbroadcast v4, $0x5;
	v29 =	vmul.f32 v11, v29  }
0x145: {  	v11 =	vadd.f32 v13, v24;
	v6 =	vmul.f32 v6, v17;
	v32 =	vld [tilespmem:s15+$0x70];
	v12 =	vmul.f32 v20, v12  }
0x146: {  	v10 =	vmul.f32 v10, v26;
	v13 =	vadd.f32 v28, v16;
	v4 =	vld [tilespmem:s16+$0x4300];
	v16 =	vmul.f32 v19, v21  }
0x147: {  	v21 =	vadd.f32 v6, v25;
	v5 =	vmul.f32 v5, v31;
	v17 =	vld [tilespmem:s15+$0xFFFFFC00];
	v14 =	vmul.f32 v22, v14  }
0x148: {  	v19 =	vmul.f32 v2, v27;
	v13 =	vadd.f32 v15, v13;
	v2 =	vld [tilespmem:s15+$0xFFFFFC20];
	v3 =	vmul.f32 v23, v3  }
0x149: {  	v20 =	vmul.f32 v7, v9;
	v11 =	vadd.f32 v5, v11;
	v10 =	vadd.f32 v10, v21;
	v15 =	vld [tilespmem:s15+$0xFFFFFC10];
	v6 =	vmovc v30  }
0x14a: {  	v7 =	vadd.f32 v19, v18;
	v18 =	vmul.f32 v8, v1;
	v5 =	vld [tilespmem:s15+$0xFFFFFC50];
	v9 =	vadd.f32 v3, v13  }
0x14b: {  	v19 =	vadd.f32 v12, v11;
	v8 =	vbroadcast v4, $0x0;
	v23 =	vld [tilespmem:s15+$0xFFFFFC40];
	v3 =	vbroadcast v4, $0xC  }
0x14c: {  	v7 =	vadd.f32 v29, v7;
	v12 =	vbroadcast v4, $0x1;
	v1 =	vbroadcast v4, $0xE;
	v11 =	vld [tilespmem:s15+$0xFFFFFC60]  }
0x14d: {  	v22 =	vadd.f32 v14, v10;
	v8 =	vmul.f32 v17, v8;
	v21 =	vld [tilespmem:s15+$0x0];
	v17 =	vbroadcast v4, $0xF  }
0x14e: {  	v26 =	vadd.f32 v16, v7;
	v13 =	vmul.f32 v15, v12;
	v10 =	vld [tilespmem:s15+$0xFFFFFC70];
	v12 =	vbroadcast v4, $0x9  }
0x14f: {  	v15 =	vbroadcast v4, $0x8;
	v16 =	vadd.f32 v8, v9;
	v7 =	vld [tilespmem:s15+$0x50];
	v27 =	vmul.f32 v32, v17  }
.Ltmp6:
0x150: {  	v24 =	vadd.f32 v20, v19;
	v17 =	vbroadcast v4, $0x3;
	v9 =	vbroadcast v4, $0xD;
	v8 =	vld [tilespmem:s15+$0x60];
	(pc) =	sbr.rel @p0 .LBB2_15-.Ltmp6, $4  }
0x151: {  	v28 =	vbroadcast v4, $0x4;
	v14 =	vbroadcast v4, $0xB;
	v25 =	vadd.f32 v0, v22;
	v20 =	vld [tilespmem:s15+$0x10];
	v0 =	vmovc v27  }
0x152: {  	v18 =	vadd.f32 v18, v26;
	v15 =	vmul.f32 v21, v15;
	v19 =	vld [tilespmem:s15+$0x20];
	v21 =	vbroadcast v4, $0xA  }
0x153: {  	v29 =	vbroadcast v4, $0x6;
	v26 =	vbroadcast v4, $0x7;
	v22 =	vld [tilespmem:s15+$0x30]  }
0x154: {  	v28 =	vmul.f32 v23, v28;
	v27 =	vbroadcast v4, $0x2;
	v23 =	vld [tilespmem:s15+$0x40];
	s15 =	sadd.s32 $0x800, s15  }
0x155: {  	v4 =	vbroadcast v4, $0x5;
	v11 =	vmul.f32 v11, v29  }
0x156: {  	v13 =	vadd.f32 v13, v24;
	v6 =	vmul.f32 v6, v17;
	v2 =	vmul.f32 v2, v27  }
0x157: {  	v12 =	vmul.f32 v20, v12;
	v16 =	vadd.f32 v28, v16;
	v4 =	vmul.f32 v5, v4  }
0x158: {  	v5 =	vmul.f32 v10, v26;
	v6 =	vadd.f32 v6, v25;
	v2 =	vadd.f32 v2, v18  }
0x159: {  	v10 =	vmul.f32 v19, v21;
	v15 =	vadd.f32 v15, v16;
	v4 =	vadd.f32 v4, v13  }
0x15a: {  	v13 =	vmul.f32 v22, v14;
	v5 =	vadd.f32 v5, v6;
	v2 =	vadd.f32 v11, v2  }
0x15b: {  	v3 =	vmul.f32 v23, v3;
	v6 =	vmul.f32 v7, v9;
	v4 =	vadd.f32 v12, v4  }
0x15c: {  	v1 =	vmul.f32 v8, v1;
	v5 =	vadd.f32 v13, v5;
	v2 =	vadd.f32 v10, v2  }
0x15d: {  	v3 =	vadd.f32 v3, v15;
	v4 =	vadd.f32 v6, v4  }
0x15e: {  	v0 =	vadd.f32 v0, v5;
	v1 =	vadd.f32 v1, v2;
	_ =	sdelay $0x1  }
0x15f: {  	v2 =	vadd.f32 v4, v3;
	v0 =	vadd.f32 v0, v1;
	_ =	sdelay $0x1  }
0x160: {  	v0 =	vadd.f32 v0, v2;
	_ =	sdelay $0x1  }
0x161: {  	s15 =	simm.s32 $0x780;
	[tilespmem:s13+$0x4460] =	vst v0  }
0x162: {  	s14 =	simm.s32 $0x0;
	v6 =	vld [tilespmem:s15+$0xFFFFFC30]  }
0x163: {  	v4 =	vld [tilespmem:s14+$0x4380]  }
0x164: {  	v0 =	vld [tilespmem:s15+$0x70]  }
0x165: {  	v7 =	vld [tilespmem:s15+$0xFFFFFC00]  }
0x166: {  	v8 =	vld [tilespmem:s15+$0xFFFFFC10]  }
0x167: {  	v2 =	vld [tilespmem:s15+$0xFFFFFC20]  }
0x168: {  	v5 =	vld [tilespmem:s15+$0xFFFFFC50]  }
0x169: {  	v18 =	vld [tilespmem:s15+$0xFFFFFC40];
	v9 =	vbroadcast v4, $0x0;
	v3 =	vbroadcast v4, $0xC  }
0x16a: {  	v15 =	vld [tilespmem:s15+$0x0];
	v10 =	vbroadcast v4, $0x1;
	v1 =	vbroadcast v4, $0xE  }
0x16b: {  	v11 =	vld [tilespmem:s15+$0xFFFFFC60];
	v12 =	vbroadcast v4, $0x9;
	v19 =	vbroadcast v4, $0x8  }
0x16c: {  	v20 =	vld [tilespmem:s15+$0x10];
	v17 =	vbroadcast v4, $0x3;
	v23 =	vbroadcast v4, $0x4  }
0x16d: {  	v22 =	vld [tilespmem:s15+$0x30];
	v14 =	vbroadcast v4, $0xB;
	v21 =	vbroadcast v4, $0xA  }
0x16e: {  	v29 =	vbroadcast v4, $0x6;
	v13 =	vmul.f32 v8, v10;
	v10 =	vld [tilespmem:s15+$0xFFFFFC70]  }
0x16f: {  	v24 =	vimm.f32 $0.0e+00;
	v26 =	vbroadcast v4, $0x7;
	v16 =	vmul.f32 v7, v9;
	v7 =	vld [tilespmem:s15+$0x50]  }
0x170: {  	v25 =	vimm.f32 $0.0e+00;
	v9 =	vbroadcast v4, $0xF;
	v15 =	vmul.f32 v15, v19;
	v19 =	vld [tilespmem:s15+$0x20]  }
0x171: {  	v27 =	vbroadcast v4, $0x2;
	v8 =	vld [tilespmem:s15+$0x60];
	v28 =	vmul.f32 v18, v23;
	v18 =	vimm.f32 $0.0e+00  }
0x172: {  	s14 =	simm.s32 $0x40;
	v23 =	vld [tilespmem:s15+$0x40];
	s15 =	simm.s32 $0xF80;
	v0 =	vmul.f32 v0, v9;
	v9 =	vbroadcast v4, $0xD;
	v16 =	vadd.f32 v16, v24  }
.LBB2_17:
0x173: {  	s16 =	sshra.s32 s14, $0x2;
	v30 =	vld [tilespmem:s15+$0xFFFFFC30];
	p0 =	sne.s32 s14, $0x1C0;
	s14 =	sadd.s32 $0x40, s14;
	v31 =	vbroadcast v4, $0x5;
	v29 =	vmul.f32 v11, v29  }
0x174: {  	v11 =	vadd.f32 v13, v24;
	v6 =	vmul.f32 v6, v17;
	v32 =	vld [tilespmem:s15+$0x70];
	v12 =	vmul.f32 v20, v12  }
0x175: {  	v10 =	vmul.f32 v10, v26;
	v13 =	vadd.f32 v28, v16;
	v4 =	vld [tilespmem:s16+$0x4380];
	v16 =	vmul.f32 v19, v21  }
0x176: {  	v21 =	vadd.f32 v6, v25;
	v5 =	vmul.f32 v5, v31;
	v17 =	vld [tilespmem:s15+$0xFFFFFC00];
	v14 =	vmul.f32 v22, v14  }
0x177: {  	v19 =	vmul.f32 v2, v27;
	v13 =	vadd.f32 v15, v13;
	v2 =	vld [tilespmem:s15+$0xFFFFFC20];
	v3 =	vmul.f32 v23, v3  }
0x178: {  	v20 =	vmul.f32 v7, v9;
	v11 =	vadd.f32 v5, v11;
	v10 =	vadd.f32 v10, v21;
	v15 =	vld [tilespmem:s15+$0xFFFFFC10];
	v6 =	vmovc v30  }
0x179: {  	v7 =	vadd.f32 v19, v18;
	v18 =	vmul.f32 v8, v1;
	v5 =	vld [tilespmem:s15+$0xFFFFFC50];
	v9 =	vadd.f32 v3, v13  }
0x17a: {  	v19 =	vadd.f32 v12, v11;
	v8 =	vbroadcast v4, $0x0;
	v23 =	vld [tilespmem:s15+$0xFFFFFC40];
	v3 =	vbroadcast v4, $0xC  }
0x17b: {  	v7 =	vadd.f32 v29, v7;
	v12 =	vbroadcast v4, $0x1;
	v1 =	vbroadcast v4, $0xE;
	v11 =	vld [tilespmem:s15+$0xFFFFFC60]  }
0x17c: {  	v22 =	vadd.f32 v14, v10;
	v8 =	vmul.f32 v17, v8;
	v21 =	vld [tilespmem:s15+$0x0];
	v17 =	vbroadcast v4, $0xF  }
0x17d: {  	v26 =	vadd.f32 v16, v7;
	v13 =	vmul.f32 v15, v12;
	v10 =	vld [tilespmem:s15+$0xFFFFFC70];
	v12 =	vbroadcast v4, $0x9  }
0x17e: {  	v15 =	vbroadcast v4, $0x8;
	v16 =	vadd.f32 v8, v9;
	v7 =	vld [tilespmem:s15+$0x50];
	v27 =	vmul.f32 v32, v17  }
.Ltmp7:
0x17f: {  	v24 =	vadd.f32 v20, v19;
	v17 =	vbroadcast v4, $0x3;
	v9 =	vbroadcast v4, $0xD;
	v8 =	vld [tilespmem:s15+$0x60];
	(pc) =	sbr.rel @p0 .LBB2_17-.Ltmp7, $4  }
0x180: {  	v28 =	vbroadcast v4, $0x4;
	v14 =	vbroadcast v4, $0xB;
	v25 =	vadd.f32 v0, v22;
	v20 =	vld [tilespmem:s15+$0x10];
	v0 =	vmovc v27  }
0x181: {  	v18 =	vadd.f32 v18, v26;
	v15 =	vmul.f32 v21, v15;
	v19 =	vld [tilespmem:s15+$0x20];
	v21 =	vbroadcast v4, $0xA  }
0x182: {  	v29 =	vbroadcast v4, $0x6;
	v26 =	vbroadcast v4, $0x7;
	v22 =	vld [tilespmem:s15+$0x30]  }
0x183: {  	v28 =	vmul.f32 v23, v28;
	v27 =	vbroadcast v4, $0x2;
	v23 =	vld [tilespmem:s15+$0x40];
	s15 =	sadd.s32 $0x800, s15  }
0x184: {  	v4 =	vbroadcast v4, $0x5  }
0x185: {  	v11 =	vmul.f32 v11, v29;
	v6 =	vmul.f32 v6, v17  }
0x186: {  	v59 =	vmul.f32 v10, v26;
	v2 =	vmul.f32 v2, v27  }
0x187: {  	v13 =	vadd.f32 v13, v24;
	v62 =	vmul.f32 v7, v9;
	v4 =	vmul.f32 v5, v4  }
0x188: {  	v12 =	vmul.f32 v20, v12;
	v6 =	vadd.f32 v6, v25;
	v2 =	vadd.f32 v2, v18  }
0x189: {  	v16 =	vadd.f32 v28, v16;
	v60 =	vmul.f32 v19, v21;
	v4 =	vadd.f32 v4, v13  }
0x18a: {  	v61 =	vmul.f32 v22, v14;
	v5 =	vadd.f32 v59, v6;
	v2 =	vadd.f32 v11, v2  }
0x18b: {  	v15 =	vadd.f32 v15, v16;
	v3 =	vmul.f32 v23, v3;
	v4 =	vadd.f32 v12, v4  }
0x18c: {  	v1 =	vmul.f32 v8, v1;
	v5 =	vadd.f32 v61, v5;
	v2 =	vadd.f32 v60, v2  }
0x18d: {  	v3 =	vadd.f32 v3, v15;
	v4 =	vadd.f32 v62, v4  }
0x18e: {  	s12 =	sadd.s32 $0x1, s12;
	v0 =	vadd.f32 v0, v5;
	v1 =	vadd.f32 v1, v2  }
0x18f: {  	p0 =	sne.s32 s12, $0x10  }
.Ltmp8:
0x190: {  	v63 =	vadd.f32 v4, v3;
	v0 =	vadd.f32 v0, v1;
	(pc) =	sbr.rel @p0 .LBB2_2-.Ltmp8, $3  }
0x191: {  	_ = 	snop  }
0x192: {  	v0 =	vadd.f32 v0, v63;
	_ =	sdelay $0x1  }
0x193: {  	[tilespmem:s13+$0x4470] =	vst v0  }
0x194: {  	s11 =	sadd.s32 $0x1, s11  }
0x195: {  	p0 =	sne.s32 s11, s7  }
.Ltmp9:
0x196: {  	_ = 	snop;
	(pc) =	sbr.rel @p0 .LBB2_1-.Ltmp9, $4  }
0x197: {  	[hbm4b:s6+s3] =	stream.linear.scatter [tilespmem:s10], [sflag:$0x1], $0x800, $0x38;
	[tilespmem:$0x4C00] =	vst v63  }
0x198: {  	_ =	swait.ge [sflag:s8], $0x800  }
0x199: {  	[sflag:s8] =	ssyncset.done $0x0  }
0x19a: {  	[sflag:s8] =	ssyncadd.s32 $0xFFFFF800  }
0x19b: {  	_ =	sfence.sel $0x180000  }
0x19c: {  	[bflag:$0x0] =	sbarrier.arrive $0xFFFF  }
0x19d: {  	p0 =	sne.s32 s2, $0x0;
	_ =	strace $0x9000004A  }
0x19e: {  	s0 =	sadd.s32 @!p0 $0x100000, s0;
	[bflag:$0x2] =	sbarrier.arrive $0xFFFF  }
0x19f: {  	[sflag:s0] =	ssyncadd.tile.s32 @!p0 $0x1;
	_ =	shalt  }
.Lfunc_end2:
_tile_overlayer_lowered:
.L_overlay_start_2:
0x1a0: {  	(tag) =	ssettag $0x2  }
0x1a1: {  	s0 =	rddreg [dreg:$0x0];
	s2 =	stileid.u32  }
0x1a2: {  	s1 =	rddreg [dreg:$0x1];
	p0 =	sne.s32 s2, $0x0  }
0x1a3: {  	s3 =	rddreg [dreg:$0x2];
	[bflag:$0x3] =	sbarrier.arrive $0xFFFF;
	s2 =	simm.s32 @!p0 $0x1C01  }
0x1a4: {  	[timem:s3], [sflag:s2] =	dma.local @!p0 [hbm:s0], s1  }
0x1a5: {  	s0 =	simm.s32 @!p0 $0x1  }
0x1a6: {  	_ =	swait.ge @!p0 [sflag:s0], s1  }
0x1a7: {  	s1 =	ssub.s32 @!p0 $0x0, s1;
	[sflag:s0] =	ssyncset.done @!p0 $0x0  }
0x1a8: {  	[sflag:s0] =	ssyncadd.s32 @!p0 s1  }
0x1a9: {  	[bflag:$0x3] =	sbarrier.arrive $0xFFFF  }
0x1aa: {  	_ =	shalt  }

// kernel: sparse-core-data-format-call.cloned.1.call-start
scs
called_computation_lowered:
.L_overlay_start_0:
0x0: {  	s1 =	sld [smem:$0x3FD9]  }
0x1: {  	s2 =	sld [smem:$0x3FFE];
	_ =	sdelay $0x1  }
0x2: {  	s3 =	srdreg.scid  }
0x3: {  	s0 =	sand.u32 $0x1, s3  }
0x4: {  	s17 =	sshll.u32 s0, $0xA;
	s1 =	sadd.s32 s2, s1  }
0x5: {  	s1 =	sadd.s32 s1, s17  }
0x6: {  	[smem:$0x3FC2] =	sst s1  }
0x7: {  	_ = 	snop  }
0x8: {  	(tm) =	ssettm $0x1  }
0x9: {  	s18 =	sld [smem:$0x3FFB];
	_ =	sdelay $0x3  }
0xa: {  	_ =	strace s18  }
0xb: {  	s1 =	sld [smem:$0x3FFC];
	_ =	sdelay $0x3  }
0xc: {  	_ =	strace s1  }
0xd: {  	s1 =	sld [smem:$0x3FFD];
	_ =	sdelay $0x3  }
0xe: {  	_ =	strace s1  }
0xf: {  	_ =	strace $0x8FFFFFFF  }
0x10: {  	s19 =	sld [smem:$0x3FDB];
	_ =	sdelay $0x1  }
0x11: {  	s20 =	simm.s32 $_scs_section_size  }
0x12: {  	s4 =	simm.s32 $_size__tile_overlayer_lowered;
	s5 =	simm.s32 $_tile_overlayer_lowered  }
0x13: {  	s23 =	simm.s32 $0x1BFF;
	s22 =	sshll.u32 s5, $0x1;
	s1 =	sadd.s32 s20, s19  }
0x14: {  	s6 =	simm.s32 $0x0;
	s21 =	sshll.u32 s4, $0x1;
	s4 =	sadd.s32 s22, s1  }
0x15: {  	[timem:s6], [sflag:s23] =	dma.local [hbm:s4], s21  }
0x16: {  	_ =	swait.ge [sflag:s23], s21  }
0x17: {  	s2 =	ssub.s32 $0x0, s21;
	[sflag:s23] =	ssyncset.done $0x0  }
0x18: {  	[sflag:s23] =	ssyncadd.s32 s2;
	_ =	sdelay $0x1  }
0x19: {  	s24 =	simm.s32 $0x1B8B  }
0x1a: {  	_ =	swait.ge [sflag:s24], $0x1  }
0x1b: {  	[sflag:s24] =	ssyncset.done $0x0  }
0x1c: {  	s26 =	simm.s32 $0x1B8E;
	s25 =	sld [smem:$0x3FFE];
	[sflag:s24] =	ssyncadd.s32 $0xFFFFFFFF  }
0x1d: {  	s27 =	simm.s32 $execute0_lowered;
	[smem:$0x3FD2] =	sst s26  }
0x1e: {  	s4 =	sshll.u32 s27, $0x1;
	_ =	strace $0x80000046;
	[dreg:$0x1] =	wrdreg $0xFFFFFFFF  }
0x1f: {  	s28 =	simm.s32 $_size_execute0_lowered;
	s1 =	sadd.s32 s1, s4;
	[dreg:$0x0] =	wrdreg $0x0  }
0x20: {  	s4 =	sshll.u32 s28, $0x1;
	[dreg:$0x2] =	wrdreg s1  }
0x21: {  	[dreg:$0x3] =	wrdreg s4  }
0x22: {  	[dreg:$0x4] =	wrdreg $0xC0  }
0x23: {  	_ =	task [dreg:s6], $0x5FFFF  }
0x24: {  	[dreg:$0x1] =	wrdreg $0xFFFFFFFF  }
0x25: {  	[dreg:$0x0] =	wrdreg $0x60  }
0x26: {  	[dreg:$0x2] =	wrdreg s25  }
0x27: {  	[dreg:$0x3] =	wrdreg $0x9  }
0x28: {  	_ =	task.clear_ibuf [dreg:s6], $0x4FFFF;
	_ =	strace $0x90000046  }
0x29: {  	s29 =	simm.s32 $0x9;
	_ =	strace $0x80000048  }
0x2a: {  	_ =	swait.ge [sflag:s29], $0x1  }
0x2b: {  	[sflag:s29] =	ssyncadd.s32 $0xFFFFFFFF  }
0x2c: {  	_ =	strace $0x90000048  }
0x2d: {  	_ =	sfence  }
0x2e: {  	s30 =	sld [smem:$0x0];
	_ =	sdelay $0x2  }
0x2f: {  	s31 =	sshll.u32 s3, $0xD;
	s3 =	sshrl.u32 s3, $0x2  }
0x30: {  	s2 =	sand.u32 $0x4000, s31;
	s1 =	sadd.s32 s3, s30  }
0x31: {  	s0 =	sor.u32 s2, s0;
	s1 =	sshll.u32 s1, $0x11  }
0x32: {  	s0 =	sor.u32 s1, s0  }
0x33: {  	s0 =	sadd.s32 $0x8F2B, s0  }
0x34: {  	[sflag:s0] =	ssyncadd.remote.s32 $0x1  }
0x35: {  	_ =	sfence.sel $0xFFFF  }
0x36: {  	[dreg:$0x0] =	wrdreg $0xFFFFFFFF;
	(pc) =	sbr.abs _section_cstart, $3  }
0x37: {  	[dreg:$0x1] =	wrdreg $0xFFFFFFFF  }
0x38: {  	_ =	task.clear_ibuf [dreg:s6], $0x2FFFF;
	_ =	strace $0x9FFFFFFF  }
0x39: {  	(tm) =	ssettm $0x7FFFFFFF  }
tec
execute0_lowered:
.L_overlay_start_1:
0x0: {  	(tag) =	ssettag $0x1  }
0x1: {  	s1 =	rddreg [dreg:$0x0]  }
0x2: {  	s0 =	rddreg [dreg:$0x1]  }
0x3: {  	_ =	strace $0x80000047;
	s4 =	srdreg.scid;
	s6 =	simm.s32 $0x2  }
0x4: {  	s11 =	simm.s32 $0x0;
	p0 =	por $0x0, $0x0;
	s7 =	simm.s32 $0x400  }
.Ltmp0:
0x5: {  	s12 =	simm.s32 $0x0;
	s9 =	simm.s32 $0x0;
	(pc) =	sbr.rel .LBB1_1-.Ltmp0, $4  }
0x6: {  	s2 =	sadd.s32 $0x1800, s1;
	s3 =	sadd.s32 $0x101800, s1;
	s5 =	sshll.u32 s4, $0x4  }
0x7: {  	s1 =	stileid.u32;
	s4 =	simm.s32 $0x1;
	s5 =	sand.u32 $0x10, s5  }
0x8: {  	s8 =	simm.s32 $0x0;
	[sflag:s4] =	ssyncpa.u1 $0x0;
	s5 =	sor.u32 s1, s5  }
0x9: {  	[sflag:s6] =	ssyncpa.u1 $0x0;
	s6 =	simm.s32 $0x200;
	s10 =	smov.u32 s5  }
.LBB1_7:
0xa: {  	s13 =	sadd.s32 $0x4, s9  }
0xb: {  	s11 =	sadd.s32 $0x20, s10;
	s15 =	smov.u32 s10;
	p2 =	sgt.s32 s13, $0x7  }
0xc: {  	p1 =	slt.u32 s8, $0x2;
	s15 =	smov.u32 @p2 s11  }
0xd: {  	s8 =	sadd.s32 $0x1, s8;
	s13 =	simm.s32 @p2 $0x0;
	p2 =	sgt.s32 s15, $0xFF  }
0xe: {  	s15 =	smov.u32 @p2 s5;
	p2 =	sne.s32 s8, $0x12  }
.Ltmp1:
0xf: {  	_ = 	snop;
	(pc) =	sbr.rel @!p2 .LBB1_8-.Ltmp1, $4  }
0x10: {  	s14 =	simm.s32 @!p1 $0x2  }
0x11: {  	s12 =	smov.u32 s10;
	_ =	swait.ge @!p1 [sflag:s14], $0x4000  }
0x12: {  	p0 =	por !p0, !p0;
	s11 =	smov.u32 s9;
	[sflag:s14] =	ssyncset.done @!p1 $0x0  }
0x13: {  	s9 =	smov.u32 s13;
	[sflag:s14] =	ssyncadd.s32 @!p1 $0xFFFFC000;
	s10 =	smov.u32 s15  }
.LBB1_1:
0x14: {  	p1 =	sgt.u32 s8, $0xF  }
0x15: {  	s13 =	sxor.u32 @!p1 $0xFFFFFFFF, s8;
	s14 =	sshll.u32 @!p1 s10, $0xC  }
0x16: {  	s15 =	sshll.u32 @!p1 s9, $0x9;
	s13 =	sshll.u32 @!p1 s13, $0xE;
	s14 =	sadd.s32 @!p1 s2, s14  }
0x17: {  	s13 =	sand.u32 @!p1 $0x4000, s13;
	s14 =	sadd.s32 @!p1 s15, s14;
	s15 =	simm.s32 @!p1 $0x0  }
0x18: {  	[tilespmem:s13], [sflag:$0x1] =	stream.linear.gather @!p1 [hbm4b:s14+s15], $0x4000, $0x38;
	[tilespmem:$0x10000] =	vst v63  }
0x19: {  	p1 =	seq.s32 s8, $0x0  }
0x1a: {  	p2 =	seq.s32 @!p1 s8, $0x11  }
0x1b: {  	p1 =	por p1, p2  }
.Ltmp2:
0x1c: {  	_ = 	snop;
	(pc) =	sbr.rel @p1 .LBB1_7-.Ltmp2, $1  }
0x1d: {  	_ =	sdelay $0x3  }
0x1e: {  	s13 =	simm.s32 $0x1;
	_ =	swait.ge [sflag:s4], $0x4000;
	s16 =	sshll.u32 s8, $0xE  }
0x1f: {  	s13 =	simm.s32 @!p0 $0x0;
	[sflag:s4] =	ssyncset.done $0x0;
	s31 =	sand.u32 $0x4000, s16  }
0x20: {  	s16 =	simm.s32 $0x0;
	s14 =	sshll.u32 s13, $0xE;
	[sflag:s4] =	ssyncadd.s32 $0xFFFFC000  }
0x21: {  	s13 =	sor.u32 $0x8040, s14;
	s15 =	sor.u32 $0x40, s14;
	s14 =	sor.u32 $0x8000, s31  }
.LBB1_3:
0x22: {  	v0 =	vmov s15;
	_ =	sdelay $0x3  }
0x23: {  	s18 =	simm.s32 $0x0  }
0x24: {  	v6 =	vld.idx.msk [tilespmem:v0+s18+$0x30 ss:$0x1], $0xffff  }
0x25: {  	v7 =	vld.idx.msk [tilespmem:v0+s18+$0xFFFFFFC0 ss:$0x1], $0xffff  }
0x26: {  	v5 =	vld.idx.msk [tilespmem:v0+s18+$0xFFFFFFD0 ss:$0x1], $0xffff  }
0x27: {  	v4 =	vld.idx.msk [tilespmem:v0+s18+$0xFFFFFFE0 ss:$0x1], $0xffff  }
0x28: {  	v3 =	vld.idx.msk [tilespmem:v0+s18+$0xFFFFFFF0 ss:$0x1], $0xffff  }
0x29: {  	v1 =	vld.idx.msk [tilespmem:v0+s18+$0x0 ss:$0x1], $0xffff  }
0x2a: {  	v2 =	vld.idx.msk [tilespmem:v0+s18+$0x10 ss:$0x1], $0xffff;
	[tilespmem:s13+$0x30] =	vst v6  }
0x2b: {  	s17 =	simm.s32 $0x80;
	s19 =	simm.s32 $0x400;
	[tilespmem:s13+$0xFFFFFFC0] =	vst v7;
	v6 =	vld.idx.msk [tilespmem:v0+s18+$0x20 ss:$0x1], $0xffff;
	s18 =	smov.u32 s13  }
.LBB1_4:
0x2c: {  	p1 =	sne.s32 s19, $0x3E00;
	v7 =	vld.idx.msk [tilespmem:v0+s17+$0x30 ss:$0x1], $0xffff;
	[tilespmem:s18+$0xFFFFFFD0] =	vst v5  }
0x2d: {  	v8 =	vld.idx.msk [tilespmem:v0+s17+$0xFFFFFFC0 ss:$0x1], $0xffff;
	[tilespmem:s18+$0xFFFFFFE0] =	vst v4  }
0x2e: {  	v5 =	vld.idx.msk [tilespmem:v0+s17+$0xFFFFFFD0 ss:$0x1], $0xffff;
	[tilespmem:s18+$0xFFFFFFF0] =	vst v3  }
.Ltmp3:
0x2f: {  	v4 =	vld.idx.msk [tilespmem:v0+s17+$0xFFFFFFE0 ss:$0x1], $0xffff;
	[tilespmem:s18+$0x0] =	vst v1;
	(pc) =	sbr.rel @p1 .LBB1_4-.Ltmp3, $4  }
0x30: {  	v3 =	vld.idx.msk [tilespmem:v0+s17+$0xFFFFFFF0 ss:$0x1], $0xffff;
	[tilespmem:s18+$0x10] =	vst v2  }
0x31: {  	v1 =	vld.idx.msk [tilespmem:v0+s17+$0x0 ss:$0x1], $0xffff;
	[tilespmem:s18+$0x20] =	vst v6;
	s18 =	sadd.s32 $0x200, s18  }
0x32: {  	v2 =	vld.idx.msk [tilespmem:v0+s17+$0x10 ss:$0x1], $0xffff;
	[tilespmem:s18+$0x30] =	vst v7  }
0x33: {  	[tilespmem:s18+$0xFFFFFFC0] =	vst v8;
	v6 =	vld.idx.msk [tilespmem:v0+s17+$0x20 ss:$0x1], $0xffff;
	s17 =	sshra.s32 s19, $0x2;
	s19 =	sadd.s32 $0x200, s19  }
0x34: {  	_ =	sdelay $0x2  }
0x35: {  	[tilespmem:s18+$0xFFFFFFD0] =	vst v5  }
0x36: {  	v56 =	vld.idx.msk [tilespmem:v0+s17+$0x30 ss:$0x1], $0xffff;
	[tilespmem:s18+$0xFFFFFFE0] =	vst v4  }
0x37: {  	v57 =	vld.idx.msk [tilespmem:v0+s17+$0xFFFFFFC0 ss:$0x1], $0xffff;
	[tilespmem:s18+$0xFFFFFFF0] =	vst v3  }
0x38: {  	v58 =	vld.idx.msk [tilespmem:v0+s17+$0xFFFFFFD0 ss:$0x1], $0xffff;
	[tilespmem:s18+$0x0] =	vst v1  }
0x39: {  	v59 =	vld.idx.msk [tilespmem:v0+s17+$0xFFFFFFE0 ss:$0x1], $0xffff;
	[tilespmem:s18+$0x10] =	vst v2  }
0x3a: {  	v60 =	vld.idx.msk [tilespmem:v0+s17+$0xFFFFFFF0 ss:$0x1], $0xffff;
	s31 =	sadd.s32 $0x200, s18;
	[tilespmem:s18+$0x20] =	vst v6  }
0x3b: {  	v61 =	vld.idx.msk [tilespmem:v0+s17+$0x0 ss:$0x1], $0xffff;
	[tilespmem:s31+$0x30] =	vst v56  }
0x3c: {  	v62 =	vld.idx.msk [tilespmem:v0+s17+$0x10 ss:$0x1], $0xffff;
	s16 =	sadd.s32 $0x1, s16;
	[tilespmem:s31+$0xFFFFFFC0] =	vst v57  }
0x3d: {  	v63 =	vld.idx.msk [tilespmem:v0+s17+$0x20 ss:$0x1], $0xffff;
	p1 =	sne.s32 s16, $0x4;
	[tilespmem:s31+$0xFFFFFFD0] =	vst v58  }
.Ltmp4:
0x3e: {  	[tilespmem:s31+$0xFFFFFFE0] =	vst v59;
	(pc) =	sbr.rel @p1 .LBB1_3-.Ltmp4, $4  }
0x3f: {  	[tilespmem:s31+$0xFFFFFFF0] =	vst v60  }
0x40: {  	[tilespmem:s31+$0x0] =	vst v61  }
0x41: {  	[tilespmem:s31+$0x10] =	vst v62  }
0x42: {  	s13 =	sadd.s32 $0x80, s13;
	s15 =	sadd.s32 $0x1000, s15;
	[tilespmem:s31+$0x20] =	vst v63  }
.Ltmp5:
0x43: {  	(pc) =	sbr.rel .LBB1_7-.Ltmp5, $4  }
0x44: {  	s12 =	sshll.u32 s12, $0xC;
	s11 =	sshll.u32 s11, $0x4  }
0x45: {  	s11 =	sand.u32 $0x70, s11;
	s12 =	sadd.s32 s3, s12  }
0x46: {  	s11 =	sadd.s32 s11, s12  }
0x47: {  	[hbm4b:s11+s6] =	stream.strided.scatter [tilespmem:s14], [sflag:$0x2], $0x4000, s7, s6, $0x38;
	[tilespmem:$0x10000] =	vst v63  }
.LBB1_8:
0x48: {  	_ =	sfence.sel $0x180000  }
0x49: {  	s2 =	simm.s32 $0x1;
	[bflag:$0x0] =	sbarrier.arrive $0xFFFF  }
0x4a: {  	s31 =	simm.s32 $0x2;
	[sflag:s2] =	ssyncpa.u1 $0x1  }
0x4b: {  	[sflag:s31] =	ssyncpa.u1 $0x1  }
0x4c: {  	p0 =	sne.s32 s1, $0x0;
	_ =	strace $0x90000047  }
0x4d: {  	s0 =	sadd.s32 @!p0 $0x100000, s0;
	[bflag:$0x2] =	sbarrier.arrive $0xFFFF  }
0x4e: {  	[sflag:s0] =	ssyncadd.tile.s32 @!p0 $0x1;
	_ =	shalt  }
.Lfunc_end1:
_tile_overlayer_lowered:
.L_overlay_start_2:
0x4f: {  	(tag) =	ssettag $0x2  }
0x50: {  	s0 =	rddreg [dreg:$0x0];
	s2 =	stileid.u32  }
0x51: {  	s1 =	rddreg [dreg:$0x1];
	p0 =	sne.s32 s2, $0x0  }
0x52: {  	s3 =	rddreg [dreg:$0x2];
	[bflag:$0x3] =	sbarrier.arrive $0xFFFF;
	s2 =	simm.s32 @!p0 $0x1C01  }
0x53: {  	[timem:s3], [sflag:s2] =	dma.local @!p0 [hbm:s0], s1  }
0x54: {  	s0 =	simm.s32 @!p0 $0x1  }
0x55: {  	_ =	swait.ge @!p0 [sflag:s0], s1  }
0x56: {  	s1 =	ssub.s32 @!p0 $0x0, s1;
	[sflag:s0] =	ssyncset.done @!p0 $0x0  }
0x57: {  	[sflag:s0] =	ssyncadd.s32 @!p0 s1  }
0x58: {  	[bflag:$0x3] =	sbarrier.arrive $0xFFFF  }
0x59: {  	_ =	shalt  }

</sc_bundles>
